<compile_context>
chip_gen: v7x
topology: tpu7x:2x2x1
jax: 0.10.2.dev20260603
libtpu: 0.0.44.dev20260713+nightly
codegen_flags: <defaults>
</compile_context>

<pallas_src>
import functools

import jax
import jax.numpy as jnp
from jax import lax
from jax.experimental import pallas as pl
from jax.experimental.pallas import tpu as pltpu
from jax.experimental.pallas import tpu_sc as plsc

E = 8
K = 2
NEXP = E + 1
B = 128
BT = 256


def _router_kernel(x_ref, wg_ref, bg_ref, out_ref):
    logits = jnp.dot(x_ref[...], wg_ref[...],
                     preferred_element_type=jnp.float32) + bg_ref[0, :]
    lane = jax.lax.broadcasted_iota(jnp.int32, logits.shape, 1)
    big = jnp.int32(10**9)
    m1 = jnp.max(logits, axis=1, keepdims=True)
    i1 = jnp.min(jnp.where(logits >= m1, lane, big), axis=1, keepdims=True)
    l2 = jnp.where(lane == i1, -jnp.inf, logits)
    m2 = jnp.max(l2, axis=1, keepdims=True)
    i2 = jnp.min(jnp.where(l2 >= m2, lane, big), axis=1, keepdims=True)
    w1 = jax.nn.sigmoid(m1 - m2)
    w2 = jax.nn.sigmoid(m2 - m1)
    out = (jnp.where(lane == 0, i1.astype(jnp.float32), 0.0)
           + jnp.where(lane == 1, i2.astype(jnp.float32), 0.0)
           + jnp.where(lane == 2, w1, 0.0)
           + jnp.where(lane == 3, w2, 0.0))
    out_ref[...] = out[:, :8]


def _route(x, Wg, bg):
    T, H = x.shape
    Wgp = jnp.zeros((H, 128), jnp.float32).at[:, :E].set(Wg)
    bgp = jnp.full((1, 128), -1e30, jnp.float32).at[0, :E].set(bg)
    return pl.pallas_call(
        _router_kernel,
        grid=(T // BT,),
        in_specs=[
            pl.BlockSpec((BT, H), lambda i: (i, 0)),
            pl.BlockSpec((H, 128), lambda i: (0, 0)),
            pl.BlockSpec((1, 128), lambda i: (0, 0)),
        ],
        out_specs=pl.BlockSpec((BT, 8), lambda i: (i, 0)),
        out_shape=jax.ShapeDtypeStruct((T, 8), jnp.float32),
    )(x, Wgp, bgp)


def _mlp1_kernel(bexp_ref, acts_ref, xs_ref, w1_ref, b1_ref, h_ref):
    e = bexp_ref[pl.program_id(0)]
    xb = xs_ref[...].astype(jnp.bfloat16)
    t = jnp.dot(xb, w1_ref[0], preferred_element_type=jnp.float32)
    t = t + b1_ref[0, 0, :]
    tl = pltpu.roll(t, t.shape[1] - 1, 1)
    alpha = acts_ref[e, 0]
    gsc = acts_ref[e, 1]
    ush = acts_ref[e, 2]
    gc = jnp.log1p(jnp.exp(jnp.full(t.shape, acts_ref[e, 3], jnp.float32)))
    uc = jnp.log1p(jnp.exp(jnp.full(t.shape, acts_ref[e, 4], jnp.float32)))
    xg = jnp.clip(t, -gc, gc)
    xl = jnp.clip(tl, -uc, uc)
    og = xg * jax.nn.sigmoid(xg * alpha) * gsc
    hfull = og * (xl + ush)
    lane = jax.lax.broadcasted_iota(jnp.int32, t.shape, 1)
    h_ref[...] = jnp.where(lane % 2 == 0, hfull, 0.0).astype(jnp.bfloat16)


def _mlp2_kernel(bexp_ref, h_ref, w2_ref, b2_ref, ws_ref, y_ref):
    y = jnp.dot(h_ref[...], w2_ref[0], preferred_element_type=jnp.float32)
    y = y + b2_ref[0, 0, :]
    y_ref[...] = y * ws_ref[...][:, :1]


def _grouped_mlp(xs, bexp, acts, W1, b1, W2x, b2, ws8):
    Mtot, H = xs.shape
    I2 = W1.shape[2]
    NB = Mtot // B
    h = pl.pallas_call(
        _mlp1_kernel,
        grid_spec=pltpu.PrefetchScalarGridSpec(
            num_scalar_prefetch=2,
            grid=(NB,),
            in_specs=[
                pl.BlockSpec((B, H), lambda i, be, ac: (i, 0)),
                pl.BlockSpec((1, H, I2), lambda i, be, ac: (be[i], 0, 0)),
                pl.BlockSpec((1, 1, I2), lambda i, be, ac: (be[i], 0, 0)),
            ],
            out_specs=pl.BlockSpec((B, I2), lambda i, be, ac: (i, 0)),
        ),
        out_shape=jax.ShapeDtypeStruct((Mtot, I2), jnp.bfloat16),
        compiler_params=pltpu.CompilerParams(
            dimension_semantics=("arbitrary",)),
    )(bexp, acts, xs, W1, b1)

    ysw = pl.pallas_call(
        _mlp2_kernel,
        grid_spec=pltpu.PrefetchScalarGridSpec(
            num_scalar_prefetch=1,
            grid=(NB,),
            in_specs=[
                pl.BlockSpec((B, I2), lambda i, be: (i, 0)),
                pl.BlockSpec((1, I2, H), lambda i, be: (be[i], 0, 0)),
                pl.BlockSpec((1, 1, H), lambda i, be: (be[i], 0, 0)),
                pl.BlockSpec((B, 8), lambda i, be: (i, 0)),
            ],
            out_specs=pl.BlockSpec((B, H), lambda i, be: (i, 0)),
        ),
        out_shape=jax.ShapeDtypeStruct((Mtot, H), jnp.float32),
        compiler_params=pltpu.CompilerParams(
            dimension_semantics=("arbitrary",)),
    )(bexp, h, W2x, b2, ws8)
    return ysw


_SC_MESH = plsc.VectorSubcoreMesh(core_axis_name="c", subcore_axis_name="s")
_NW = 32


def _sc_gather(x, perm, Mtot):
    T, H = x.shape
    per_w = Mtot // _NW
    CH = 32
    n_ch = per_w // CH

    @functools.partial(
        pl.kernel, mesh=_SC_MESH,
        out_type=jax.ShapeDtypeStruct((Mtot, H), jnp.float32),
        scratch_types=[
            pltpu.VMEM((CH,), jnp.int32),
            pltpu.VMEM((CH, H), jnp.float32),
            pltpu.SemaphoreType.DMA,
        ],
    )
    def k(x_hbm, perm_hbm, xs_hbm, idx_v, rows_v, sem):
        wid = lax.axis_index("s") * 2 + lax.axis_index("c")
        base = wid * per_w

        def body(c, carry):
            r0 = base + c * CH
            pltpu.sync_copy(perm_hbm.at[pl.ds(r0, CH)], idx_v)
            pltpu.async_copy(x_hbm.at[idx_v], rows_v, sem).wait()
            pltpu.sync_copy(rows_v, xs_hbm.at[pl.ds(r0, CH)])
            return carry

        lax.fori_loop(0, n_ch, body, 0)

    return k(x, perm)


def _sc_combine(ysw, pos0, pos1, T, Mexp):
    Mtot, H = ysw.shape
    per_w = T // _NW
    CH = 16
    n_ch = per_w // CH
    NV = (CH * H) // 16

    @functools.partial(
        pl.kernel, mesh=_SC_MESH,
        out_type=jax.ShapeDtypeStruct((T, H), jnp.float32),
        scratch_types=[
            pltpu.VMEM((CH,), jnp.int32),
            pltpu.VMEM((CH,), jnp.int32),
            pltpu.VMEM((CH, H), jnp.float32),
            pltpu.VMEM((CH, H), jnp.float32),
            pltpu.VMEM((CH, H), jnp.float32),
            pltpu.SemaphoreType.DMA,
            pltpu.SemaphoreType.DMA,
            pltpu.SemaphoreType.DMA,
        ],
    )
    def k(ysw_hbm, p0_hbm, p1_hbm, out_hbm, i0_v, i1_v, a_v, b_v, c_v,
          s0, s1, s2):
        wid = lax.axis_index("s") * 2 + lax.axis_index("c")
        base = wid * per_w

        def body(j, carry):
            t0 = base + j * CH
            pltpu.sync_copy(p0_hbm.at[pl.ds(t0, CH)], i0_v)
            pltpu.sync_copy(p1_hbm.at[pl.ds(t0, CH)], i1_v)
            cp0 = pltpu.async_copy(ysw_hbm.at[i0_v], a_v, s0)
            cp1 = pltpu.async_copy(ysw_hbm.at[i1_v], b_v, s1)
            cp2 = pltpu.async_copy(
                ysw_hbm.at[pl.ds(Mexp + t0, CH)], c_v, s2)
            cp0.wait()
            cp1.wait()
            cp2.wait()

            def add_row(r, carry2):
                def add_piece(i, carry3):
                    sl = pl.ds(i * 16, 16)
                    c_v[r, sl] = a_v[r, sl] + b_v[r, sl] + c_v[r, sl]
                    return carry3
                return lax.fori_loop(0, H // 16, add_piece, carry2)

            lax.fori_loop(0, CH, add_row, 0)
            pltpu.sync_copy(c_v, out_hbm.at[pl.ds(t0, CH)])
            return carry

        lax.fori_loop(0, n_ch, body, 0)

    return k(ysw, pos0, pos1)


def _sc_dispatch(route_flat, T, Mexp, Mtot, NBpad):
    NCH = T // 16

    @functools.partial(
        pl.kernel, mesh=_SC_MESH,
        out_type=(
            jax.ShapeDtypeStruct((Mtot,), jnp.int32),
            jax.ShapeDtypeStruct((Mtot,), jnp.float32),
            jax.ShapeDtypeStruct((NBpad,), jnp.int32),
            jax.ShapeDtypeStruct((9 * 2 * T,), jnp.int32),
            jax.ShapeDtypeStruct((128,), jnp.int32),
        ),
        compiler_params=pltpu.CompilerParams(needs_layout_passes=False),
        scratch_types=[
            pltpu.VMEM((T * 8,), jnp.float32),
            pltpu.VMEM((T + 16,), jnp.int32),
            pltpu.VMEM((T + 16,), jnp.float32),
            pltpu.VMEM((2 * T,), jnp.int32),
            pltpu.VMEM((128,), jnp.int32),
            pltpu.VMEM((NBpad,), jnp.int32),
            pltpu.VMEM((16,), jnp.int32),
            pltpu.VMEM((128,), jnp.float32),
        ],
    )
    def dk(route_hbm, perm_hbm, wsort_hbm, bexp_hbm, pospart_hbm, counts_hbm,
           route_v, segp_v, segw_v, posrow_v, cnt_v, bexp_v, stage_v, zf_v):
        c = lax.axis_index("c")
        s = lax.axis_index("s")
        active = jnp.logical_and(c == 0, s < E)
        w8 = jnp.logical_and(c == 0, s == E)
        lanes = lax.broadcasted_iota(jnp.int32, (16,), 0)
        zeros16 = jnp.zeros((16,), jnp.int32)

        @pl.when(jnp.logical_or(active, w8))
        def _load_route():
            pltpu.sync_copy(route_hbm, route_v)

        @pl.when(active)
        def _count():
            def cbody(i, cnt):
                idx = lanes * 8 + i * 128
                i1 = plsc.load_gather(route_v, [idx]).astype(jnp.int32)
                i2 = plsc.load_gather(route_v, [idx + 1]).astype(jnp.int32)
                cnt = cnt + plsc.all_reduce_population_count(i1 == s)
                cnt = cnt + plsc.all_reduce_population_count(i2 == s)
                return cnt

            cnt = lax.fori_loop(0, NCH, cbody, zeros16)
            stage_v[...] = cnt
            pltpu.sync_copy(stage_v, counts_hbm.at[pl.ds(s * 16, 16)])

        plsc.subcore_barrier()

        @pl.when(jnp.logical_or(active, w8))
        def _load_counts():
            pltpu.sync_copy(counts_hbm, cnt_v)

        def gp_vec():
            cv = plsc.load_gather(cnt_v, [jnp.minimum(lanes, E - 1) * 16])
            gpv = ((cv + B - 1) // B) * B
            return jnp.where(lanes < E, gpv, 0)

        @pl.when(active)
        def _emit():
            gpv = gp_vec()
            base = jnp.sum(jnp.where(lanes < s, gpv, 0))
            base = pl.multiple_of(base, B)

            def zbody(i, carry):
                segp_v[pl.ds(i * 16, 16)] = zeros16
                segw_v[pl.ds(i * 16, 16)] = jnp.zeros((16,), jnp.float32)
                return carry

            lax.fori_loop(0, (T + 16) // 16, zbody, 0)

            def z2body(i, carry):
                posrow_v[pl.ds(i * 16, 16)] = zeros16
                return carry

            lax.fori_loop(0, (2 * T) // 16, z2body, 0)

            def ebody(i, carry):
                idx = lanes * 8 + i * 128
                toks = lanes + i * 16
                for k in (0, 1):
                    ids = plsc.load_gather(
                        route_v, [idx + k]).astype(jnp.int32)
                    wv = plsc.load_gather(route_v, [idx + 2 + k])
                    m = ids == s
                    mi = m.astype(jnp.int32)
                    excl = plsc.cumsum(mi) - mi
                    posl = excl + carry
                    plsc.store_scatter(segp_v, [posl], toks, mask=m)
                    plsc.store_scatter(segw_v, [posl], wv, mask=m)
                    plsc.store_scatter(posrow_v, [toks * 2 + k],
                                       posl + base, mask=m)
                    carry = carry + plsc.all_reduce_population_count(m)
                return carry

            lax.fori_loop(0, NCH, ebody, zeros16)

            nck = jnp.sum(jnp.where(lanes == s, gpv, 0)) // 128

            def obody(j, carry):
                pltpu.sync_copy(segp_v.at[pl.ds(j * 128, 128)],
                                perm_hbm.at[pl.ds(base + j * 128, 128)])
                pltpu.sync_copy(segw_v.at[pl.ds(j * 128, 128)],
                                wsort_hbm.at[pl.ds(base + j * 128, 128)])
                return carry

            lax.fori_loop(0, nck, obody, 0)
            pltpu.sync_copy(
                posrow_v,
                pospart_hbm.at[pl.ds(pl.multiple_of(s * 2 * T, 2 * T),
                                     2 * T)])

        @pl.when(w8)
        def _shared():
            gpv = gp_vec()
            total = jnp.sum(gpv)
            total = pl.multiple_of(total, B)

            def z2body(i, carry):
                posrow_v[pl.ds(i * 16, 16)] = zeros16
                return carry

            lax.fori_loop(0, (2 * T) // 16, z2body, 0)

            def fbody(i, carry):
                segp_v[pl.ds(i * 16, 16)] = lanes + i * 16
                segw_v[pl.ds(i * 16, 16)] = jnp.ones((16,), jnp.float32)
                return carry

            lax.fori_loop(0, T // 16, fbody, 0)

            def zw(i, carry):
                zf_v[pl.ds(i * 16, 16)] = jnp.zeros((16,), jnp.float32)
                return carry

            lax.fori_loop(0, 8, zw, 0)

            def zt(j, carry):
                pltpu.sync_copy(posrow_v.at[pl.ds(0, 128)],
                                perm_hbm.at[pl.ds(total + j * 128, 128)])
                pltpu.sync_copy(zf_v,
                                wsort_hbm.at[pl.ds(total + j * 128, 128)])
                return carry

            lax.fori_loop(0, (Mexp - total) // 128, zt, 0)

            def sb(j, carry):
                pltpu.sync_copy(segp_v.at[pl.ds(j * 128, 128)],
                                perm_hbm.at[pl.ds(Mexp + j * 128, 128)])
                pltpu.sync_copy(segw_v.at[pl.ds(j * 128, 128)],
                                wsort_hbm.at[pl.ds(Mexp + j * 128, 128)])
                return carry

            lax.fori_loop(0, T // 128, sb, 0)
            pltpu.sync_copy(posrow_v,
                            pospart_hbm.at[pl.ds(E * 2 * T, 2 * T)])

            endsv = plsc.cumsum(gpv // B)

            def bz(i, carry):
                bidv = lanes + i * 16
                acc = zeros16
                for j in range(E):
                    acc = acc + (bidv >= endsv[j]).astype(jnp.int32)
                bexp_v[pl.ds(i * 16, 16)] = acc
                return carry

            lax.fori_loop(0, NBpad // 16, bz, 0)
            pltpu.sync_copy(bexp_v, bexp_hbm)

        plsc.subcore_barrier()

    return dk(route_flat)


def kernel(x, Wg, bg, sW1, sb1, sW2, sb2, s_alpha, s_gate_scale, s_up_shift,
           s_gc_raw, s_uc_raw, eW1, eb1, eW2, eb2, e_alpha, e_gate_scale,
           e_up_shift, e_gc_raw, e_uc_raw):
    T, H = x.shape
    I = sW2.shape[0]
    Mexp = K * T + E * B
    Mtot = Mexp + T
    NB = Mtot // B

    W1s = jnp.concatenate([eW1, sW1[None]], axis=0)
    W1b = W1s.astype(jnp.bfloat16)
    b1s = jnp.concatenate([eb1, sb1[None]], axis=0)[:, None, :]
    W2s = jnp.concatenate([eW2, sW2[None]], axis=0).astype(jnp.bfloat16)
    W2x = jnp.stack([W2s, jnp.zeros_like(W2s)], axis=2)
    W2x = W2x.reshape(NEXP, 2 * I, H)
    b2s = jnp.concatenate([eb2, sb2[None]], axis=0)[:, None, :]
    acts = jnp.concatenate([
        jnp.concatenate([e_alpha, e_gate_scale, e_up_shift, e_gc_raw,
                         e_uc_raw], axis=1),
        jnp.stack([s_alpha, s_gate_scale, s_up_shift, s_gc_raw,
                   s_uc_raw], axis=1),
    ], axis=0)

    route = _route(x, Wg, bg)

    NBpad = ((NB + 15) // 16) * 16
    perm, wsort, bexp, pospart, _counts = _sc_dispatch(
        route.reshape(T * 8), T, Mexp, Mtot, NBpad)
    pos = pospart.reshape(9, 2 * T).sum(axis=0)
    pos0 = pos[0::2]
    pos1 = pos[1::2]

    xs = _sc_gather(x, perm, Mtot)
    ws8 = jnp.broadcast_to(wsort[:, None], (Mtot, 8))

    ysw = _grouped_mlp(xs, bexp, acts, W1b, b1s, W2x, b2s, ws8)

    return _sc_combine(ysw, pos0, pos1, T, Mexp)

# --- scband reference (transcript-rebuilt; emitter-appended) ---
"""Pipeline reference for scband-moeblock-2534030705230 (READ-ONLY COPY).

The authoritative reference and input builder live on the scoring server;
editing this copy changes nothing except your own understanding.
"""

import jax, jax.numpy as jnp
import numpy as np

E = 8
K = 2
H = 2048
I = 1408
T = 2048

def _inv_softplus(x):
    return float(np.log(np.expm1(x)))

def _swiglu5(x, alpha, gate_scale, up_shift, gc_raw, uc_raw):
    gc = jax.nn.softplus(gc_raw)
    uc = jax.nn.softplus(uc_raw)
    xg = x[..., ::2]
    xl = x[..., 1::2]
    xg = jnp.clip(xg, -gc, gc)
    xl = jnp.clip(xl, -uc, uc)
    out_g = xg * jax.nn.sigmoid(xg * alpha) * gate_scale
    return out_g * (xl + up_shift)

def _mlp(x, W1, b1, W2, b2, act):
    t = _swiglu5(x @ W1 + b1, *act)
    return t @ W2 + b2

def setup_inputs(seed=0):
    key = jax.random.key(seed)
    ks = jax.random.split(key, 8)
    x = jax.random.normal(ks[0], (T, H), dtype=jnp.float32)
    Wg = 0.01 * jax.random.normal(ks[1], (H, E), dtype=jnp.float32)
    bg = jnp.zeros((E,), jnp.float32)
    s1 = 1.0 / np.sqrt(H)
    s2 = 1.0 / np.sqrt(I)
    sW1 = s1 * jax.random.normal(ks[2], (H, 2 * I), dtype=jnp.float32)
    sb1 = jnp.zeros((2 * I,), jnp.float32)
    sW2 = s2 * jax.random.normal(ks[3], (I, H), dtype=jnp.float32)
    sb2 = jnp.zeros((H,), jnp.float32)
    eW1 = s1 * jax.random.normal(ks[4], (E, H, 2 * I), dtype=jnp.float32)
    eb1 = jnp.zeros((E, 2 * I), jnp.float32)
    eW2 = s2 * jax.random.normal(ks[5], (E, I, H), dtype=jnp.float32)
    eb2 = jnp.zeros((E, H), jnp.float32)
    gc0 = _inv_softplus(7.0)
    s_alpha = jnp.array([1.702], jnp.float32)
    s_gate_scale = jnp.ones((1,), jnp.float32)
    s_up_shift = jnp.ones((1,), jnp.float32)
    s_gc_raw = jnp.array([gc0], jnp.float32)
    s_uc_raw = jnp.array([gc0], jnp.float32)
    e_alpha = jnp.full((E, 1), 1.702, jnp.float32)
    e_gate_scale = jnp.ones((E, 1), jnp.float32)
    e_up_shift = jnp.ones((E, 1), jnp.float32)
    e_gc_raw = jnp.full((E, 1), gc0, jnp.float32)
    e_uc_raw = jnp.full((E, 1), gc0, jnp.float32)
    return {"x": x, "Wg": Wg, "bg": bg, "sW1": sW1, "sb1": sb1, "sW2": sW2, "sb2": sb2,
            "s_alpha": s_alpha, "s_gate_scale": s_gate_scale, "s_up_shift": s_up_shift,
            "s_gc_raw": s_gc_raw, "s_uc_raw": s_uc_raw,
            "eW1": eW1, "eb1": eb1, "eW2": eW2, "eb2": eb2,
            "e_alpha": e_alpha, "e_gate_scale": e_gate_scale, "e_up_shift": e_up_shift,
            "e_gc_raw": e_gc_raw, "e_uc_raw": e_uc_raw}

def _forward(x, Wg, bg, sW1, sb1, sW2, sb2, s_alpha, s_gate_scale, s_up_shift, s_gc_raw, s_uc_raw,
             eW1, eb1, eW2, eb2, e_alpha, e_gate_scale, e_up_shift, e_gc_raw, e_uc_raw):
    logits = x @ Wg + bg
    probs = jax.nn.softmax(logits, axis=-1)
    topw, topi = jax.lax.top_k(probs, K)
    w = topw / jnp.sum(topw, axis=-1, keepdims=True)
    n = x.shape[0]
    comb = jnp.zeros((n, E), x.dtype).at[jnp.arange(n)[:, None], topi].add(w)
    out = _mlp(x, sW1, sb1, sW2, sb2, (s_alpha, s_gate_scale, s_up_shift, s_gc_raw, s_uc_raw))
    for e in range(E):
        act = (e_alpha[e], e_gate_scale[e], e_up_shift[e], e_gc_raw[e], e_uc_raw[e])
        out = out + comb[:, e:e + 1] * _mlp(x, eW1[e], eb1[e], eW2[e], eb2[e], act)
    return out

def reference(x, Wg, bg, sW1, sb1, sW2, sb2, s_alpha, s_gate_scale, s_up_shift, s_gc_raw, s_uc_raw,
              eW1, eb1, eW2, eb2, e_alpha, e_gate_scale, e_up_shift, e_gc_raw, e_uc_raw):
    return _forward(x, Wg, bg, sW1, sb1, sW2, sb2, s_alpha, s_gate_scale, s_up_shift, s_gc_raw, s_uc_raw,
                    eW1, eb1, eW2, eb2, e_alpha, e_gate_scale, e_up_shift, e_gc_raw, e_uc_raw)

if __name__ == "__main__":
    import jax
    _d = setup_inputs()
    print(jax.jit(kernel)(*tuple(_d.values())))

</pallas_src>

<mosaic_0001>
#map = affine_map<(d0, d1) -> (0)>
module attributes {stable_mosaic.version = 14 : i64} {
  func.func @dk(%arg0: i32, %arg1: i32, %arg2: memref<16384xf32, #tpu.memory_space<hbm>>, %arg3: memref<7168xi32, #tpu.memory_space<hbm>>, %arg4: memref<7168xf32, #tpu.memory_space<hbm>>, %arg5: memref<64xi32, #tpu.memory_space<hbm>>, %arg6: memref<36864xi32, #tpu.memory_space<hbm>>, %arg7: memref<128xi32, #tpu.memory_space<hbm>>, %arg8: memref<16384xf32, #tpu.memory_space<vmem>>, %arg9: memref<2064xi32, #tpu.memory_space<vmem>>, %arg10: memref<2064xf32, #tpu.memory_space<vmem>>, %arg11: memref<4096xi32, #tpu.memory_space<vmem>>, %arg12: memref<128xi32, #tpu.memory_space<vmem>>, %arg13: memref<64xi32, #tpu.memory_space<vmem>>, %arg14: memref<16xi32, #tpu.memory_space<vmem>>, %arg15: memref<128xf32, #tpu.memory_space<vmem>>) attributes {dimension_semantics = [#tpu.dimension_semantics<core_parallel>, #tpu.dimension_semantics<subcore_parallel>], iteration_bounds = array<i64: 2, 16>, scalar_prefetch = 0 : i64, scratch_operands = 8 : i64, tpu.core_type = #tpu.core_type<sc_vector_subcore>, window_params = [{transform_indices = #map}, {transform_indices = #map}, {transform_indices = #map}, {transform_indices = #map}, {transform_indices = #map}, {transform_indices = #map}]} {
    %eq3A = arith.constant 0 : i32
    %eq3A_0 = arith.cmpi eq, %arg0, %eq3A : i32
    %lt3A = arith.constant 8 : i32
    %lt3A_1 = arith.cmpi slt, %arg1, %lt3A : i32
    %and3A = arith.andi %eq3A_0, %lt3A_1 : i1
    %eq3A_2 = arith.constant 0 : i32
    %eq3A_3 = arith.cmpi eq, %arg0, %eq3A_2 : i32
    %eq3A_4 = arith.constant 8 : i32
    %eq3A_5 = arith.cmpi eq, %arg1, %eq3A_4 : i32
    %and3A_6 = arith.andi %eq3A_3, %eq3A_5 : i1
    %iota3A = tpu.iota {dimensions = array<i32: 0>} : vector<16xi32>
    %broadcast_in_dim3A = arith.constant 0 : i32
    %broadcast_in_dim3A_7 = vector.broadcast %broadcast_in_dim3A : i32 to vector<16xi32>
    %or3A = arith.ori %and3A, %and3A_6 : i1
    %convert_element_type3A = arith.extui %or3A : i1 to i32
    %cond3A = arith.constant 0 : i32
    %cond3A_8 = arith.cmpi ne, %convert_element_type3A, %cond3A : i32
    scf.if %cond3A_8 {
      "tpu.region"() ({
        %run_scoped3A = tpu.sem_alloc : memref<!tpu.dma_semaphore, #tpu.memory_space<semaphore_mem>>
        tpu.enqueue_dma source(%arg2 : memref<16384xf32, #tpu.memory_space<hbm>>) target(%arg8 : memref<16384xf32, #tpu.memory_space<vmem>>) target_semaphore(%run_scoped3A : memref<!tpu.dma_semaphore, #tpu.memory_space<semaphore_mem>>)
        tpu.wait_dma2 semaphore(%run_scoped3A : memref<!tpu.dma_semaphore, #tpu.memory_space<semaphore_mem>>) src(%arg2 : memref<16384xf32, #tpu.memory_space<hbm>>) dst(%arg8 : memref<16384xf32, #tpu.memory_space<vmem>>)
        tpu.yield
      }) : () -> ()
    } else {
    }
    %convert_element_type3A_9 = arith.extui %and3A : i1 to i32
    %cond3A_10 = arith.constant 0 : i32
    %cond3A_11 = arith.cmpi ne, %convert_element_type3A_9, %cond3A_10 : i32
    scf.if %cond3A_11 {
      %scan3A = arith.constant 0 : i32
      %scan3A_23 = arith.constant 128 : i32
      %scan3A_24 = arith.addi %scan3A, %scan3A_23 : i32
      %scan3A_25 = arith.constant 1 : i32
      %scan3A_26 = scf.for %scan3A_30 = %scan3A to %scan3A_24 step %scan3A_25 iter_args(%scan3A_31 = %broadcast_in_dim3A_7) -> (vector<16xi32>)  : i32 {
        %mul3A_32 = arith.constant 8 : i32
        %mul3A_33 = vector.broadcast %mul3A_32 : i32 to vector<16xi32>
        %mul3A_34 = arith.muli %iota3A, %mul3A_33 : vector<16xi32>
        %mul3A_35 = arith.constant 128 : i32
        %mul3A_36 = arith.muli %scan3A_30, %mul3A_35 : i32
        %add3A = vector.broadcast %mul3A_36 : i32 to vector<16xi32>
        %add3A_37 = arith.addi %mul3A_34, %add3A : vector<16xi32>
        %gather3A = tpu.vector_load_idx %arg8[%add3A_37] : memref<16384xf32, #tpu.memory_space<vmem>>[vector<16xi32>], vector<16xf32>,
        %convert_element_type3A_38 = arith.fptosi %gather3A : vector<16xf32> to vector<16xi32>
        %add3A_39 = arith.constant 1 : i32
        %add3A_40 = vector.broadcast %add3A_39 : i32 to vector<16xi32>
        %add3A_41 = arith.addi %add3A_37, %add3A_40 : vector<16xi32>
        %gather3A_42 = tpu.vector_load_idx %arg8[%add3A_41] : memref<16384xf32, #tpu.memory_space<vmem>>[vector<16xi32>], vector<16xf32>,
        %convert_element_type3A_43 = arith.fptosi %gather3A_42 : vector<16xf32> to vector<16xi32>
        %eq3A_44 = vector.broadcast %arg1 : i32 to vector<16xi32>
        %eq3A_45 = arith.cmpi eq, %convert_element_type3A_38, %eq3A_44 : vector<16xi32>
        %all_reduce_population_count3A = tpu.all_reduce %eq3A_45 {dim = 0 : i64, kind = #tpu.reduction_kind<sum>} : vector<16xi1> -> vector<16xi32>
        %add3A_46 = arith.addi %scan3A_31, %all_reduce_population_count3A : vector<16xi32>
        %eq3A_47 = vector.broadcast %arg1 : i32 to vector<16xi32>
        %eq3A_48 = arith.cmpi eq, %convert_element_type3A_43, %eq3A_47 : vector<16xi32>
        %all_reduce_population_count3A_49 = tpu.all_reduce %eq3A_48 {dim = 0 : i64, kind = #tpu.reduction_kind<sum>} : vector<16xi1> -> vector<16xi32>
        %add3A_50 = arith.addi %add3A_46, %all_reduce_population_count3A_49 : vector<16xi32>
        scf.yield %add3A_50 : vector<16xi32>
      }
      %scan3A_27 = arith.constant 128 : i32
      %swap3A = arith.constant 0 : index
      %swap3A_28 = tpu.vector_load %arg14[%swap3A] {strides = array<i32>} : memref<16xi32, #tpu.memory_space<vmem>>, vector<16xi32>,
      tpu.vector_store %arg14[%swap3A], %scan3A_26 {strides = array<i32>} : memref<16xi32, #tpu.memory_space<vmem>>, vector<16xi32>,
      %mul3A = arith.constant 16 : i32
      %mul3A_29 = arith.muli %arg1, %mul3A : i32
      "tpu.region"() ({
        %run_scoped3A = tpu.sem_alloc : memref<!tpu.dma_semaphore, #tpu.memory_space<semaphore_mem>>
        %dma_start3A = tpu.memref_slice %arg7[%mul3A_29] : memref<128xi32, #tpu.memory_space<hbm>> -> memref<16xi32, #tpu.memory_space<hbm>>
        %dma_start3A_30 = tpu.memref_slice %arg7[%mul3A_29] : memref<128xi32, #tpu.memory_space<hbm>> -> memref<16xi32, #tpu.memory_space<hbm>>
        tpu.enqueue_dma source(%arg14 : memref<16xi32, #tpu.memory_space<vmem>>) target(%dma_start3A_30 : memref<16xi32, #tpu.memory_space<hbm>>) target_semaphore(%run_scoped3A : memref<!tpu.dma_semaphore, #tpu.memory_space<semaphore_mem>>)
        %dma_wait3A = tpu.memref_slice %arg7[%mul3A_29] : memref<128xi32, #tpu.memory_space<hbm>> -> memref<16xi32, #tpu.memory_space<hbm>>
        %dma_wait3A_31 = tpu.memref_slice %arg7[%mul3A_29] : memref<128xi32, #tpu.memory_space<hbm>> -> memref<16xi32, #tpu.memory_space<hbm>>
        tpu.wait_dma2 semaphore(%run_scoped3A : memref<!tpu.dma_semaphore, #tpu.memory_space<semaphore_mem>>) src(%arg14 : memref<16xi32, #tpu.memory_space<vmem>>) dst(%dma_wait3A_31 : memref<16xi32, #tpu.memory_space<hbm>>)
        tpu.yield
      }) : () -> ()
    } else {
    }
    %barrier3A = arith.constant 0 : index
    tpu.barrier barrier_id(%barrier3A)
    %or3A_12 = arith.ori %and3A, %and3A_6 : i1
    %convert_element_type3A_13 = arith.extui %or3A_12 : i1 to i32
    %cond3A_14 = arith.constant 0 : i32
    %cond3A_15 = arith.cmpi ne, %convert_element_type3A_13, %cond3A_14 : i32
    scf.if %cond3A_15 {
      "tpu.region"() ({
        %run_scoped3A = tpu.sem_alloc : memref<!tpu.dma_semaphore, #tpu.memory_space<semaphore_mem>>
        tpu.enqueue_dma source(%arg7 : memref<128xi32, #tpu.memory_space<hbm>>) target(%arg12 : memref<128xi32, #tpu.memory_space<vmem>>) target_semaphore(%run_scoped3A : memref<!tpu.dma_semaphore, #tpu.memory_space<semaphore_mem>>)
        tpu.wait_dma2 semaphore(%run_scoped3A : memref<!tpu.dma_semaphore, #tpu.memory_space<semaphore_mem>>) src(%arg7 : memref<128xi32, #tpu.memory_space<hbm>>) dst(%arg12 : memref<128xi32, #tpu.memory_space<vmem>>)
        tpu.yield
      }) : () -> ()
    } else {
    }
    %convert_element_type3A_16 = arith.extui %and3A : i1 to i32
    %cond3A_17 = arith.constant 0 : i32
    %cond3A_18 = arith.cmpi ne, %convert_element_type3A_16, %cond3A_17 : i32
    scf.if %cond3A_18 {
      %min3A = arith.constant 7 : i32
      %min3A_23 = vector.broadcast %min3A : i32 to vector<16xi32>
      %min3A_24 = arith.minsi %iota3A, %min3A_23 : vector<16xi32>
      %mul3A = arith.constant 16 : i32
      %mul3A_25 = vector.broadcast %mul3A : i32 to vector<16xi32>
      %mul3A_26 = arith.muli %min3A_24, %mul3A_25 : vector<16xi32>
      %gather3A = tpu.vector_load_idx %arg12[%mul3A_26] : memref<128xi32, #tpu.memory_space<vmem>>[vector<16xi32>], vector<16xi32>,
      %add3A = arith.constant 128 : i32
      %add3A_27 = vector.broadcast %add3A : i32 to vector<16xi32>
      %add3A_28 = arith.addi %gather3A, %add3A_27 : vector<16xi32>
      %sub3A = arith.constant 1 : i32
      %sub3A_29 = vector.broadcast %sub3A : i32 to vector<16xi32>
      %sub3A_30 = arith.subi %add3A_28, %sub3A_29 : vector<16xi32>
      %jit3A = arith.constant 128 : i32
      %div3A = vector.broadcast %jit3A : i32 to vector<16xi32>
      %div3A_31 = arith.divsi %sub3A_30, %div3A : vector<16xi32>
      %sign3A = arith.constant 0 : i32
      %sign3A_32 = vector.broadcast %sign3A : i32 to vector<16xi32>
      %sign3A_33 = arith.cmpi sgt, %sub3A_30, %sign3A_32 : vector<16xi32>
      %sign3A_34 = arith.extui %sign3A_33 : vector<16xi1> to vector<16xi32>
      %sign3A_35 = arith.constant 0 : i32
      %sign3A_36 = vector.broadcast %sign3A_35 : i32 to vector<16xi32>
      %sign3A_37 = arith.cmpi slt, %sub3A_30, %sign3A_36 : vector<16xi32>
      %sign3A_38 = arith.extui %sign3A_37 : vector<16xi1> to vector<16xi32>
      %sign3A_39 = arith.subi %sign3A_34, %sign3A_38 : vector<16xi32>
      %sign3A_40 = arith.constant 0 : i32
      %sign3A_41 = arith.cmpi sgt, %jit3A, %sign3A_40 : i32
      %sign3A_42 = arith.extui %sign3A_41 : i1 to i32
      %sign3A_43 = arith.constant 0 : i32
      %sign3A_44 = arith.cmpi slt, %jit3A, %sign3A_43 : i32
      %sign3A_45 = arith.extui %sign3A_44 : i1 to i32
      %sign3A_46 = arith.subi %sign3A_42, %sign3A_45 : i32
      %ne3A = vector.broadcast %sign3A_46 : i32 to vector<16xi32>
      %ne3A_47 = arith.cmpi ne, %sign3A_39, %ne3A : vector<16xi32>
      %rem3A = vector.broadcast %jit3A : i32 to vector<16xi32>
      %rem3A_48 = arith.remsi %sub3A_30, %rem3A : vector<16xi32>
      %ne3A_49 = arith.constant 0 : i32
      %ne3A_50 = vector.broadcast %ne3A_49 : i32 to vector<16xi32>
      %ne3A_51 = arith.cmpi ne, %rem3A_48, %ne3A_50 : vector<16xi32>
      %and3A_52 = arith.andi %ne3A_47, %ne3A_51 : vector<16xi1>
      %sub3A_53 = arith.constant 1 : i32
      %sub3A_54 = vector.broadcast %sub3A_53 : i32 to vector<16xi32>
      %sub3A_55 = arith.subi %div3A_31, %sub3A_54 : vector<16xi32>
      %select_n3A = arith.select %and3A_52, %sub3A_55, %div3A_31 : vector<16xi1>, vector<16xi32>
      %mul3A_56 = arith.constant 128 : i32
      %mul3A_57 = vector.broadcast %mul3A_56 : i32 to vector<16xi32>
      %mul3A_58 = arith.muli %select_n3A, %mul3A_57 : vector<16xi32>
      %lt3A_59 = arith.constant 8 : i32
      %lt3A_60 = vector.broadcast %lt3A_59 : i32 to vector<16xi32>
      %lt3A_61 = arith.cmpi slt, %iota3A, %lt3A_60 : vector<16xi32>
      %jit3A_62 = arith.constant 0 : i32
      %broadcast_in_dim3A_63 = vector.broadcast %jit3A_62 : i32 to vector<16xi32>
      %select_n3A_64 = arith.select %lt3A_61, %mul3A_58, %broadcast_in_dim3A_63 : vector<16xi1>, vector<16xi32>
      %lt3A_65 = vector.broadcast %arg1 : i32 to vector<16xi32>
      %lt3A_66 = arith.cmpi slt, %iota3A, %lt3A_65 : vector<16xi32>
      %jit3A_67 = arith.constant 0 : i32
      %broadcast_in_dim3A_68 = vector.broadcast %jit3A_67 : i32 to vector<16xi32>
      %select_n3A_69 = arith.select %lt3A_66, %select_n3A_64, %broadcast_in_dim3A_68 : vector<16xi1>, vector<16xi32>
      %reduce_sum3A = arith.constant true
      %reduce_sum3A_70 = vector.broadcast %reduce_sum3A : i1 to vector<16xi1>
      %reduce_sum3A_71 = tpu.scan <sum>, %select_n3A_69 masked %reduce_sum3A_70 : vector<16xi32>, vector<16xi1> -> vector<16xi32>
      %reduce_sum3A_72 = vector.extract %reduce_sum3A_71[15] : i32 from vector<16xi32>
      %multiple_of3A = tpu.assume_multiple %reduce_sum3A_72, 128 : i32
      %scan3A = arith.constant 0 : i32
      %scan3A_73 = arith.constant 0 : i32
      %scan3A_74 = arith.constant 129 : i32
      %scan3A_75 = arith.addi %scan3A_73, %scan3A_74 : i32
      %scan3A_76 = arith.constant 1 : i32
      scf.for %scan3A_137 = %scan3A_73 to %scan3A_75 step %scan3A_76  : i32 {
        %mul3A_138 = arith.constant 16 : i32
        %mul3A_139 = arith.muli %scan3A_137, %mul3A_138 : i32
        %swap3A = arith.index_cast %mul3A_139 : i32 to index
        %swap3A_140 = tpu.vector_load %arg9[%swap3A] {strides = array<i32>} : memref<2064xi32, #tpu.memory_space<vmem>>, vector<16xi32>,
        tpu.vector_store %arg9[%swap3A], %broadcast_in_dim3A_7 {strides = array<i32>} : memref<2064xi32, #tpu.memory_space<vmem>>, vector<16xi32>,
        %broadcast_in_dim3A_141 = arith.constant 0.000000e+00 : f32
        %broadcast_in_dim3A_142 = vector.broadcast %broadcast_in_dim3A_141 : f32 to vector<16xf32>
        %mul3A_143 = arith.constant 16 : i32
        %mul3A_144 = arith.muli %scan3A_137, %mul3A_143 : i32
        %swap3A_145 = arith.index_cast %mul3A_144 : i32 to index
        %swap3A_146 = tpu.vector_load %arg10[%swap3A_145] {strides = array<i32>} : memref<2064xf32, #tpu.memory_space<vmem>>, vector<16xf32>,
        tpu.vector_store %arg10[%swap3A_145], %broadcast_in_dim3A_142 {strides = array<i32>} : memref<2064xf32, #tpu.memory_space<vmem>>, vector<16xf32>,
      }
      %scan3A_77 = arith.constant 129 : i32
      %scan3A_78 = arith.constant 0 : i32
      %scan3A_79 = arith.constant 0 : i32
      %scan3A_80 = arith.constant 256 : i32
      %scan3A_81 = arith.addi %scan3A_79, %scan3A_80 : i32
      %scan3A_82 = arith.constant 1 : i32
      scf.for %scan3A_137 = %scan3A_79 to %scan3A_81 step %scan3A_82  : i32 {
        %mul3A_138 = arith.constant 16 : i32
        %mul3A_139 = arith.muli %scan3A_137, %mul3A_138 : i32
        %swap3A = arith.index_cast %mul3A_139 : i32 to index
        %swap3A_140 = tpu.vector_load %arg11[%swap3A] {strides = array<i32>} : memref<4096xi32, #tpu.memory_space<vmem>>, vector<16xi32>,
        tpu.vector_store %arg11[%swap3A], %broadcast_in_dim3A_7 {strides = array<i32>} : memref<4096xi32, #tpu.memory_space<vmem>>, vector<16xi32>,
      }
      %scan3A_83 = arith.constant 256 : i32
      %scan3A_84 = arith.constant 0 : i32
      %scan3A_85 = arith.constant 128 : i32
      %scan3A_86 = arith.addi %scan3A_84, %scan3A_85 : i32
      %scan3A_87 = arith.constant 1 : i32
      %scan3A_88 = scf.for %scan3A_137 = %scan3A_84 to %scan3A_86 step %scan3A_87 iter_args(%scan3A_138 = %broadcast_in_dim3A_7) -> (vector<16xi32>)  : i32 {
        %mul3A_139 = arith.constant 8 : i32
        %mul3A_140 = vector.broadcast %mul3A_139 : i32 to vector<16xi32>
        %mul3A_141 = arith.muli %iota3A, %mul3A_140 : vector<16xi32>
        %mul3A_142 = arith.constant 128 : i32
        %mul3A_143 = arith.muli %scan3A_137, %mul3A_142 : i32
        %add3A_144 = vector.broadcast %mul3A_143 : i32 to vector<16xi32>
        %add3A_145 = arith.addi %mul3A_141, %add3A_144 : vector<16xi32>
        %mul3A_146 = arith.constant 16 : i32
        %mul3A_147 = arith.muli %scan3A_137, %mul3A_146 : i32
        %add3A_148 = vector.broadcast %mul3A_147 : i32 to vector<16xi32>
        %add3A_149 = arith.addi %iota3A, %add3A_148 : vector<16xi32>
        %add3A_150 = arith.constant 0 : i32
        %add3A_151 = vector.broadcast %add3A_150 : i32 to vector<16xi32>
        %add3A_152 = arith.addi %add3A_145, %add3A_151 : vector<16xi32>
        %gather3A_153 = tpu.vector_load_idx %arg8[%add3A_152] : memref<16384xf32, #tpu.memory_space<vmem>>[vector<16xi32>], vector<16xf32>,
        %convert_element_type3A_154 = arith.fptosi %gather3A_153 : vector<16xf32> to vector<16xi32>
        %add3A_155 = arith.constant 2 : i32
        %add3A_156 = vector.broadcast %add3A_155 : i32 to vector<16xi32>
        %add3A_157 = arith.addi %add3A_145, %add3A_156 : vector<16xi32>
        %add3A_158 = arith.constant 0 : i32
        %add3A_159 = vector.broadcast %add3A_158 : i32 to vector<16xi32>
        %add3A_160 = arith.addi %add3A_157, %add3A_159 : vector<16xi32>
        %gather3A_161 = tpu.vector_load_idx %arg8[%add3A_160] : memref<16384xf32, #tpu.memory_space<vmem>>[vector<16xi32>], vector<16xf32>,
        %eq3A_162 = vector.broadcast %arg1 : i32 to vector<16xi32>
        %eq3A_163 = arith.cmpi eq, %convert_element_type3A_154, %eq3A_162 : vector<16xi32>
        %convert_element_type3A_164 = arith.extui %eq3A_163 : vector<16xi1> to vector<16xi32>
        %broadcast_in_dim3A_165 = arith.constant true
        %broadcast_in_dim3A_166 = vector.broadcast %broadcast_in_dim3A_165 : i1 to vector<16xi1>
        %masked_cumsum3A = tpu.scan <sum>, %convert_element_type3A_164 masked %broadcast_in_dim3A_166 : vector<16xi32>, vector<16xi1> -> vector<16xi32>
        %sub3A_167 = arith.subi %masked_cumsum3A, %convert_element_type3A_164 : vector<16xi32>
        %add3A_168 = arith.addi %sub3A_167, %scan3A_138 : vector<16xi32>
        tpu.vector_store_idx %arg9[%add3A_168], %add3A_149 masked %eq3A_163 : memref<2064xi32, #tpu.memory_space<vmem>>[vector<16xi32>], vector<16xi32>, vector<16xi1>
        tpu.vector_store_idx %arg10[%add3A_168], %gather3A_161 masked %eq3A_163 : memref<2064xf32, #tpu.memory_space<vmem>>[vector<16xi32>], vector<16xf32>, vector<16xi1>
        %mul3A_169 = arith.constant 2 : i32
        %mul3A_170 = vector.broadcast %mul3A_169 : i32 to vector<16xi32>
        %mul3A_171 = arith.muli %add3A_149, %mul3A_170 : vector<16xi32>
        %add3A_172 = arith.constant 0 : i32
        %add3A_173 = vector.broadcast %add3A_172 : i32 to vector<16xi32>
        %add3A_174 = arith.addi %mul3A_171, %add3A_173 : vector<16xi32>
        %add3A_175 = vector.broadcast %multiple_of3A : i32 to vector<16xi32>
        %add3A_176 = arith.addi %add3A_168, %add3A_175 : vector<16xi32>
        tpu.vector_store_idx %arg11[%add3A_174], %add3A_176 masked %eq3A_163 : memref<4096xi32, #tpu.memory_space<vmem>>[vector<16xi32>], vector<16xi32>, vector<16xi1>
        %all_reduce_population_count3A = tpu.all_reduce %eq3A_163 {dim = 0 : i64, kind = #tpu.reduction_kind<sum>} : vector<16xi1> -> vector<16xi32>
        %add3A_177 = arith.addi %scan3A_138, %all_reduce_population_count3A : vector<16xi32>
        %add3A_178 = arith.constant 1 : i32
        %add3A_179 = vector.broadcast %add3A_178 : i32 to vector<16xi32>
        %add3A_180 = arith.addi %add3A_145, %add3A_179 : vector<16xi32>
        %gather3A_181 = tpu.vector_load_idx %arg8[%add3A_180] : memref<16384xf32, #tpu.memory_space<vmem>>[vector<16xi32>], vector<16xf32>,
        %convert_element_type3A_182 = arith.fptosi %gather3A_181 : vector<16xf32> to vector<16xi32>
        %add3A_183 = arith.constant 2 : i32
        %add3A_184 = vector.broadcast %add3A_183 : i32 to vector<16xi32>
        %add3A_185 = arith.addi %add3A_145, %add3A_184 : vector<16xi32>
        %add3A_186 = arith.constant 1 : i32
        %add3A_187 = vector.broadcast %add3A_186 : i32 to vector<16xi32>
        %add3A_188 = arith.addi %add3A_185, %add3A_187 : vector<16xi32>
        %gather3A_189 = tpu.vector_load_idx %arg8[%add3A_188] : memref<16384xf32, #tpu.memory_space<vmem>>[vector<16xi32>], vector<16xf32>,
        %eq3A_190 = vector.broadcast %arg1 : i32 to vector<16xi32>
        %eq3A_191 = arith.cmpi eq, %convert_element_type3A_182, %eq3A_190 : vector<16xi32>
        %convert_element_type3A_192 = arith.extui %eq3A_191 : vector<16xi1> to vector<16xi32>
        %broadcast_in_dim3A_193 = arith.constant true
        %broadcast_in_dim3A_194 = vector.broadcast %broadcast_in_dim3A_193 : i1 to vector<16xi1>
        %masked_cumsum3A_195 = tpu.scan <sum>, %convert_element_type3A_192 masked %broadcast_in_dim3A_194 : vector<16xi32>, vector<16xi1> -> vector<16xi32>
        %sub3A_196 = arith.subi %masked_cumsum3A_195, %convert_element_type3A_192 : vector<16xi32>
        %add3A_197 = arith.addi %sub3A_196, %add3A_177 : vector<16xi32>
        tpu.vector_store_idx %arg9[%add3A_197], %add3A_149 masked %eq3A_191 : memref<2064xi32, #tpu.memory_space<vmem>>[vector<16xi32>], vector<16xi32>, vector<16xi1>
        tpu.vector_store_idx %arg10[%add3A_197], %gather3A_189 masked %eq3A_191 : memref<2064xf32, #tpu.memory_space<vmem>>[vector<16xi32>], vector<16xf32>, vector<16xi1>
        %mul3A_198 = arith.constant 2 : i32
        %mul3A_199 = vector.broadcast %mul3A_198 : i32 to vector<16xi32>
        %mul3A_200 = arith.muli %add3A_149, %mul3A_199 : vector<16xi32>
        %add3A_201 = arith.constant 1 : i32
        %add3A_202 = vector.broadcast %add3A_201 : i32 to vector<16xi32>
        %add3A_203 = arith.addi %mul3A_200, %add3A_202 : vector<16xi32>
        %add3A_204 = vector.broadcast %multiple_of3A : i32 to vector<16xi32>
        %add3A_205 = arith.addi %add3A_197, %add3A_204 : vector<16xi32>
        tpu.vector_store_idx %arg11[%add3A_203], %add3A_205 masked %eq3A_191 : memref<4096xi32, #tpu.memory_space<vmem>>[vector<16xi32>], vector<16xi32>, vector<16xi1>
        %all_reduce_population_count3A_206 = tpu.all_reduce %eq3A_191 {dim = 0 : i64, kind = #tpu.reduction_kind<sum>} : vector<16xi1> -> vector<16xi32>
        %add3A_207 = arith.addi %add3A_177, %all_reduce_population_count3A_206 : vector<16xi32>
        scf.yield %add3A_207 : vector<16xi32>
      }
      %scan3A_89 = arith.constant 128 : i32
      %eq3A_90 = vector.broadcast %arg1 : i32 to vector<16xi32>
      %eq3A_91 = arith.cmpi eq, %iota3A, %eq3A_90 : vector<16xi32>
      %jit3A_92 = arith.constant 0 : i32
      %broadcast_in_dim3A_93 = vector.broadcast %jit3A_92 : i32 to vector<16xi32>
      %select_n3A_94 = arith.select %eq3A_91, %select_n3A_64, %broadcast_in_dim3A_93 : vector<16xi1>, vector<16xi32>
      %reduce_sum3A_95 = arith.constant true
      %reduce_sum3A_96 = vector.broadcast %reduce_sum3A_95 : i1 to vector<16xi1>
      %reduce_sum3A_97 = tpu.scan <sum>, %select_n3A_94 masked %reduce_sum3A_96 : vector<16xi32>, vector<16xi1> -> vector<16xi32>
      %reduce_sum3A_98 = vector.extract %reduce_sum3A_97[15] : i32 from vector<16xi32>
      %jit3A_99 = arith.constant 128 : i32
      %div3A_100 = arith.divsi %reduce_sum3A_98, %jit3A_99 : i32
      %sign3A_101 = arith.constant 0 : i32
      %sign3A_102 = arith.cmpi sgt, %reduce_sum3A_98, %sign3A_101 : i32
      %sign3A_103 = arith.extui %sign3A_102 : i1 to i32
      %sign3A_104 = arith.constant 0 : i32
      %sign3A_105 = arith.cmpi slt, %reduce_sum3A_98, %sign3A_104 : i32
      %sign3A_106 = arith.extui %sign3A_105 : i1 to i32
      %sign3A_107 = arith.subi %sign3A_103, %sign3A_106 : i32
      %sign3A_108 = arith.constant 0 : i32
      %sign3A_109 = arith.cmpi sgt, %jit3A_99, %sign3A_108 : i32
      %sign3A_110 = arith.extui %sign3A_109 : i1 to i32
      %sign3A_111 = arith.constant 0 : i32
      %sign3A_112 = arith.cmpi slt, %jit3A_99, %sign3A_111 : i32
      %sign3A_113 = arith.extui %sign3A_112 : i1 to i32
      %sign3A_114 = arith.subi %sign3A_110, %sign3A_113 : i32
      %ne3A_115 = arith.cmpi ne, %sign3A_107, %sign3A_114 : i32
      %rem3A_116 = arith.remsi %reduce_sum3A_98, %jit3A_99 : i32
      %ne3A_117 = arith.constant 0 : i32
      %ne3A_118 = arith.cmpi ne, %rem3A_116, %ne3A_117 : i32
      %and3A_119 = arith.andi %ne3A_115, %ne3A_118 : i1
      %sub3A_120 = arith.constant 1 : i32
      %sub3A_121 = arith.subi %div3A_100, %sub3A_120 : i32
      %select_n3A_122 = arith.select %and3A_119, %sub3A_121, %div3A_100 : i32
      %while3A = arith.constant 0 : i32
      %while3A_123 = arith.constant 0 : i32
      %while3A_124 = arith.subi %select_n3A_122, %while3A_123 : i32
      %while3A_125 = arith.addi %while3A_123, %while3A_124 : i32
      %while3A_126 = arith.constant 1 : i32
      %while3A_127 = arith.divsi %while3A_124, %while3A_126 : i32
      %while3A_128 = arith.muli %while3A_127, %while3A_126 : i32
      %while3A_129 = arith.addi %while3A_123, %while3A_128 : i32
      %while3A_130 = arith.constant 1 : i32
      scf.for %while3A_137 = %while3A_123 to %while3A_129 step %while3A_130  : i32 {
        %mul3A_138 = arith.constant 128 : i32
        %mul3A_139 = arith.muli %while3A_137, %mul3A_138 : i32
        %mul3A_140 = arith.constant 128 : i32
        %mul3A_141 = arith.muli %while3A_137, %mul3A_140 : i32
        %add3A_142 = arith.addi %multiple_of3A, %mul3A_141 : i32
        "tpu.region"() ({
          %run_scoped3A = tpu.sem_alloc : memref<!tpu.dma_semaphore, #tpu.memory_space<semaphore_mem>>
          %dma_start3A = tpu.memref_slice %arg9[%mul3A_139] : memref<2064xi32, #tpu.memory_space<vmem>> -> memref<128xi32, #tpu.memory_space<vmem>>
          %dma_start3A_148 = tpu.memref_slice %arg3[%add3A_142] : memref<7168xi32, #tpu.memory_space<hbm>> -> memref<128xi32, #tpu.memory_space<hbm>>
          %dma_start3A_149 = tpu.memref_slice %arg3[%add3A_142] : memref<7168xi32, #tpu.memory_space<hbm>> -> memref<128xi32, #tpu.memory_space<hbm>>
          %dma_start3A_150 = tpu.memref_slice %arg9[%mul3A_139] : memref<2064xi32, #tpu.memory_space<vmem>> -> memref<128xi32, #tpu.memory_space<vmem>>
          tpu.enqueue_dma source(%dma_start3A_150 : memref<128xi32, #tpu.memory_space<vmem>>) target(%dma_start3A_149 : memref<128xi32, #tpu.memory_space<hbm>>) target_semaphore(%run_scoped3A : memref<!tpu.dma_semaphore, #tpu.memory_space<semaphore_mem>>)
          %dma_wait3A = tpu.memref_slice %arg9[%mul3A_139] : memref<2064xi32, #tpu.memory_space<vmem>> -> memref<128xi32, #tpu.memory_space<vmem>>
          %dma_wait3A_151 = tpu.memref_slice %arg3[%add3A_142] : memref<7168xi32, #tpu.memory_space<hbm>> -> memref<128xi32, #tpu.memory_space<hbm>>
          %dma_wait3A_152 = tpu.memref_slice %arg3[%add3A_142] : memref<7168xi32, #tpu.memory_space<hbm>> -> memref<128xi32, #tpu.memory_space<hbm>>
          %dma_wait3A_153 = tpu.memref_slice %arg9[%mul3A_139] : memref<2064xi32, #tpu.memory_space<vmem>> -> memref<128xi32, #tpu.memory_space<vmem>>
          tpu.wait_dma2 semaphore(%run_scoped3A : memref<!tpu.dma_semaphore, #tpu.memory_space<semaphore_mem>>) src(%dma_wait3A_153 : memref<128xi32, #tpu.memory_space<vmem>>) dst(%dma_wait3A_152 : memref<128xi32, #tpu.memory_space<hbm>>)
          tpu.yield
        }) : () -> ()
        %mul3A_143 = arith.constant 128 : i32
        %mul3A_144 = arith.muli %while3A_137, %mul3A_143 : i32
        %mul3A_145 = arith.constant 128 : i32
        %mul3A_146 = arith.muli %while3A_137, %mul3A_145 : i32
        %add3A_147 = arith.addi %multiple_of3A, %mul3A_146 : i32
        "tpu.region"() ({
          %run_scoped3A = tpu.sem_alloc : memref<!tpu.dma_semaphore, #tpu.memory_space<semaphore_mem>>
          %dma_start3A = tpu.memref_slice %arg10[%mul3A_144] : memref<2064xf32, #tpu.memory_space<vmem>> -> memref<128xf32, #tpu.memory_space<vmem>>
          %dma_start3A_148 = tpu.memref_slice %arg4[%add3A_147] : memref<7168xf32, #tpu.memory_space<hbm>> -> memref<128xf32, #tpu.memory_space<hbm>>
          %dma_start3A_149 = tpu.memref_slice %arg4[%add3A_147] : memref<7168xf32, #tpu.memory_space<hbm>> -> memref<128xf32, #tpu.memory_space<hbm>>
          %dma_start3A_150 = tpu.memref_slice %arg10[%mul3A_144] : memref<2064xf32, #tpu.memory_space<vmem>> -> memref<128xf32, #tpu.memory_space<vmem>>
          tpu.enqueue_dma source(%dma_start3A_150 : memref<128xf32, #tpu.memory_space<vmem>>) target(%dma_start3A_149 : memref<128xf32, #tpu.memory_space<hbm>>) target_semaphore(%run_scoped3A : memref<!tpu.dma_semaphore, #tpu.memory_space<semaphore_mem>>)
          %dma_wait3A = tpu.memref_slice %arg10[%mul3A_144] : memref<2064xf32, #tpu.memory_space<vmem>> -> memref<128xf32, #tpu.memory_space<vmem>>
          %dma_wait3A_151 = tpu.memref_slice %arg4[%add3A_147] : memref<7168xf32, #tpu.memory_space<hbm>> -> memref<128xf32, #tpu.memory_space<hbm>>
          %dma_wait3A_152 = tpu.memref_slice %arg4[%add3A_147] : memref<7168xf32, #tpu.memory_space<hbm>> -> memref<128xf32, #tpu.memory_space<hbm>>
          %dma_wait3A_153 = tpu.memref_slice %arg10[%mul3A_144] : memref<2064xf32, #tpu.memory_space<vmem>> -> memref<128xf32, #tpu.memory_space<vmem>>
          tpu.wait_dma2 semaphore(%run_scoped3A : memref<!tpu.dma_semaphore, #tpu.memory_space<semaphore_mem>>) src(%dma_wait3A_153 : memref<128xf32, #tpu.memory_space<vmem>>) dst(%dma_wait3A_152 : memref<128xf32, #tpu.memory_space<hbm>>)
          tpu.yield
        }) : () -> ()
      }
      %while3A_131 = arith.constant 1 : i32
      scf.for %while3A_137 = %while3A_129 to %while3A_125 step %while3A_131  : i32 {
        %mul3A_138 = arith.constant 128 : i32
        %mul3A_139 = arith.muli %while3A_137, %mul3A_138 : i32
        %mul3A_140 = arith.constant 128 : i32
        %mul3A_141 = arith.muli %while3A_137, %mul3A_140 : i32
        %add3A_142 = arith.addi %multiple_of3A, %mul3A_141 : i32
        "tpu.region"() ({
          %run_scoped3A = tpu.sem_alloc : memref<!tpu.dma_semaphore, #tpu.memory_space<semaphore_mem>>
          %dma_start3A = tpu.memref_slice %arg9[%mul3A_139] : memref<2064xi32, #tpu.memory_space<vmem>> -> memref<128xi32, #tpu.memory_space<vmem>>
          %dma_start3A_148 = tpu.memref_slice %arg3[%add3A_142] : memref<7168xi32, #tpu.memory_space<hbm>> -> memref<128xi32, #tpu.memory_space<hbm>>
          %dma_start3A_149 = tpu.memref_slice %arg3[%add3A_142] : memref<7168xi32, #tpu.memory_space<hbm>> -> memref<128xi32, #tpu.memory_space<hbm>>
          %dma_start3A_150 = tpu.memref_slice %arg9[%mul3A_139] : memref<2064xi32, #tpu.memory_space<vmem>> -> memref<128xi32, #tpu.memory_space<vmem>>
          tpu.enqueue_dma source(%dma_start3A_150 : memref<128xi32, #tpu.memory_space<vmem>>) target(%dma_start3A_149 : memref<128xi32, #tpu.memory_space<hbm>>) target_semaphore(%run_scoped3A : memref<!tpu.dma_semaphore, #tpu.memory_space<semaphore_mem>>)
          %dma_wait3A = tpu.memref_slice %arg9[%mul3A_139] : memref<2064xi32, #tpu.memory_space<vmem>> -> memref<128xi32, #tpu.memory_space<vmem>>
          %dma_wait3A_151 = tpu.memref_slice %arg3[%add3A_142] : memref<7168xi32, #tpu.memory_space<hbm>> -> memref<128xi32, #tpu.memory_space<hbm>>
          %dma_wait3A_152 = tpu.memref_slice %arg3[%add3A_142] : memref<7168xi32, #tpu.memory_space<hbm>> -> memref<128xi32, #tpu.memory_space<hbm>>
          %dma_wait3A_153 = tpu.memref_slice %arg9[%mul3A_139] : memref<2064xi32, #tpu.memory_space<vmem>> -> memref<128xi32, #tpu.memory_space<vmem>>
          tpu.wait_dma2 semaphore(%run_scoped3A : memref<!tpu.dma_semaphore, #tpu.memory_space<semaphore_mem>>) src(%dma_wait3A_153 : memref<128xi32, #tpu.memory_space<vmem>>) dst(%dma_wait3A_152 : memref<128xi32, #tpu.memory_space<hbm>>)
          tpu.yield
        }) : () -> ()
        %mul3A_143 = arith.constant 128 : i32
        %mul3A_144 = arith.muli %while3A_137, %mul3A_143 : i32
        %mul3A_145 = arith.constant 128 : i32
        %mul3A_146 = arith.muli %while3A_137, %mul3A_145 : i32
        %add3A_147 = arith.addi %multiple_of3A, %mul3A_146 : i32
        "tpu.region"() ({
          %run_scoped3A = tpu.sem_alloc : memref<!tpu.dma_semaphore, #tpu.memory_space<semaphore_mem>>
          %dma_start3A = tpu.memref_slice %arg10[%mul3A_144] : memref<2064xf32, #tpu.memory_space<vmem>> -> memref<128xf32, #tpu.memory_space<vmem>>
          %dma_start3A_148 = tpu.memref_slice %arg4[%add3A_147] : memref<7168xf32, #tpu.memory_space<hbm>> -> memref<128xf32, #tpu.memory_space<hbm>>
          %dma_start3A_149 = tpu.memref_slice %arg4[%add3A_147] : memref<7168xf32, #tpu.memory_space<hbm>> -> memref<128xf32, #tpu.memory_space<hbm>>
          %dma_start3A_150 = tpu.memref_slice %arg10[%mul3A_144] : memref<2064xf32, #tpu.memory_space<vmem>> -> memref<128xf32, #tpu.memory_space<vmem>>
          tpu.enqueue_dma source(%dma_start3A_150 : memref<128xf32, #tpu.memory_space<vmem>>) target(%dma_start3A_149 : memref<128xf32, #tpu.memory_space<hbm>>) target_semaphore(%run_scoped3A : memref<!tpu.dma_semaphore, #tpu.memory_space<semaphore_mem>>)
          %dma_wait3A = tpu.memref_slice %arg10[%mul3A_144] : memref<2064xf32, #tpu.memory_space<vmem>> -> memref<128xf32, #tpu.memory_space<vmem>>
          %dma_wait3A_151 = tpu.memref_slice %arg4[%add3A_147] : memref<7168xf32, #tpu.memory_space<hbm>> -> memref<128xf32, #tpu.memory_space<hbm>>
          %dma_wait3A_152 = tpu.memref_slice %arg4[%add3A_147] : memref<7168xf32, #tpu.memory_space<hbm>> -> memref<128xf32, #tpu.memory_space<hbm>>
          %dma_wait3A_153 = tpu.memref_slice %arg10[%mul3A_144] : memref<2064xf32, #tpu.memory_space<vmem>> -> memref<128xf32, #tpu.memory_space<vmem>>
          tpu.wait_dma2 semaphore(%run_scoped3A : memref<!tpu.dma_semaphore, #tpu.memory_space<semaphore_mem>>) src(%dma_wait3A_153 : memref<128xf32, #tpu.memory_space<vmem>>) dst(%dma_wait3A_152 : memref<128xf32, #tpu.memory_space<hbm>>)
          tpu.yield
        }) : () -> ()
      }
      %mul3A_132 = arith.constant 2 : i32
      %mul3A_133 = arith.muli %arg1, %mul3A_132 : i32
      %mul3A_134 = arith.constant 2048 : i32
      %mul3A_135 = arith.muli %mul3A_133, %mul3A_134 : i32
      %multiple_of3A_136 = tpu.assume_multiple %mul3A_135, 4096 : i32
      "tpu.region"() ({
        %run_scoped3A = tpu.sem_alloc : memref<!tpu.dma_semaphore, #tpu.memory_space<semaphore_mem>>
        %dma_start3A = tpu.memref_slice %arg6[%multiple_of3A_136] : memref<36864xi32, #tpu.memory_space<hbm>> -> memref<4096xi32, #tpu.memory_space<hbm>>
        %dma_start3A_137 = tpu.memref_slice %arg6[%multiple_of3A_136] : memref<36864xi32, #tpu.memory_space<hbm>> -> memref<4096xi32, #tpu.memory_space<hbm>>
        tpu.enqueue_dma source(%arg11 : memref<4096xi32, #tpu.memory_space<vmem>>) target(%dma_start3A_137 : memref<4096xi32, #tpu.memory_space<hbm>>) target_semaphore(%run_scoped3A : memref<!tpu.dma_semaphore, #tpu.memory_space<semaphore_mem>>)
        %dma_wait3A = tpu.memref_slice %arg6[%multiple_of3A_136] : memref<36864xi32, #tpu.memory_space<hbm>> -> memref<4096xi32, #tpu.memory_space<hbm>>
        %dma_wait3A_138 = tpu.memref_slice %arg6[%multiple_of3A_136] : memref<36864xi32, #tpu.memory_space<hbm>> -> memref<4096xi32, #tpu.memory_space<hbm>>
        tpu.wait_dma2 semaphore(%run_scoped3A : memref<!tpu.dma_semaphore, #tpu.memory_space<semaphore_mem>>) src(%arg11 : memref<4096xi32, #tpu.memory_space<vmem>>) dst(%dma_wait3A_138 : memref<4096xi32, #tpu.memory_space<hbm>>)
        tpu.yield
      }) : () -> ()
    } else {
    }
    %convert_element_type3A_19 = arith.extui %and3A_6 : i1 to i32
    %cond3A_20 = arith.constant 0 : i32
    %cond3A_21 = arith.cmpi ne, %convert_element_type3A_19, %cond3A_20 : i32
    scf.if %cond3A_21 {
      %min3A = arith.constant 7 : i32
      %min3A_23 = vector.broadcast %min3A : i32 to vector<16xi32>
      %min3A_24 = arith.minsi %iota3A, %min3A_23 : vector<16xi32>
      %mul3A = arith.constant 16 : i32
      %mul3A_25 = vector.broadcast %mul3A : i32 to vector<16xi32>
      %mul3A_26 = arith.muli %min3A_24, %mul3A_25 : vector<16xi32>
      %gather3A = tpu.vector_load_idx %arg12[%mul3A_26] : memref<128xi32, #tpu.memory_space<vmem>>[vector<16xi32>], vector<16xi32>,
      %add3A = arith.constant 128 : i32
      %add3A_27 = vector.broadcast %add3A : i32 to vector<16xi32>
      %add3A_28 = arith.addi %gather3A, %add3A_27 : vector<16xi32>
      %sub3A = arith.constant 1 : i32
      %sub3A_29 = vector.broadcast %sub3A : i32 to vector<16xi32>
      %sub3A_30 = arith.subi %add3A_28, %sub3A_29 : vector<16xi32>
      %jit3A = arith.constant 128 : i32
      %div3A = vector.broadcast %jit3A : i32 to vector<16xi32>
      %div3A_31 = arith.divsi %sub3A_30, %div3A : vector<16xi32>
      %sign3A = arith.constant 0 : i32
      %sign3A_32 = vector.broadcast %sign3A : i32 to vector<16xi32>
      %sign3A_33 = arith.cmpi sgt, %sub3A_30, %sign3A_32 : vector<16xi32>
      %sign3A_34 = arith.extui %sign3A_33 : vector<16xi1> to vector<16xi32>
      %sign3A_35 = arith.constant 0 : i32
      %sign3A_36 = vector.broadcast %sign3A_35 : i32 to vector<16xi32>
      %sign3A_37 = arith.cmpi slt, %sub3A_30, %sign3A_36 : vector<16xi32>
      %sign3A_38 = arith.extui %sign3A_37 : vector<16xi1> to vector<16xi32>
      %sign3A_39 = arith.subi %sign3A_34, %sign3A_38 : vector<16xi32>
      %sign3A_40 = arith.constant 0 : i32
      %sign3A_41 = arith.cmpi sgt, %jit3A, %sign3A_40 : i32
      %sign3A_42 = arith.extui %sign3A_41 : i1 to i32
      %sign3A_43 = arith.constant 0 : i32
      %sign3A_44 = arith.cmpi slt, %jit3A, %sign3A_43 : i32
      %sign3A_45 = arith.extui %sign3A_44 : i1 to i32
      %sign3A_46 = arith.subi %sign3A_42, %sign3A_45 : i32
      %ne3A = vector.broadcast %sign3A_46 : i32 to vector<16xi32>
      %ne3A_47 = arith.cmpi ne, %sign3A_39, %ne3A : vector<16xi32>
      %rem3A = vector.broadcast %jit3A : i32 to vector<16xi32>
      %rem3A_48 = arith.remsi %sub3A_30, %rem3A : vector<16xi32>
      %ne3A_49 = arith.constant 0 : i32
      %ne3A_50 = vector.broadcast %ne3A_49 : i32 to vector<16xi32>
      %ne3A_51 = arith.cmpi ne, %rem3A_48, %ne3A_50 : vector<16xi32>
      %and3A_52 = arith.andi %ne3A_47, %ne3A_51 : vector<16xi1>
      %sub3A_53 = arith.constant 1 : i32
      %sub3A_54 = vector.broadcast %sub3A_53 : i32 to vector<16xi32>
      %sub3A_55 = arith.subi %div3A_31, %sub3A_54 : vector<16xi32>
      %select_n3A = arith.select %and3A_52, %sub3A_55, %div3A_31 : vector<16xi1>, vector<16xi32>
      %mul3A_56 = arith.constant 128 : i32
      %mul3A_57 = vector.broadcast %mul3A_56 : i32 to vector<16xi32>
      %mul3A_58 = arith.muli %select_n3A, %mul3A_57 : vector<16xi32>
      %lt3A_59 = arith.constant 8 : i32
      %lt3A_60 = vector.broadcast %lt3A_59 : i32 to vector<16xi32>
      %lt3A_61 = arith.cmpi slt, %iota3A, %lt3A_60 : vector<16xi32>
      %jit3A_62 = arith.constant 0 : i32
      %broadcast_in_dim3A_63 = vector.broadcast %jit3A_62 : i32 to vector<16xi32>
      %select_n3A_64 = arith.select %lt3A_61, %mul3A_58, %broadcast_in_dim3A_63 : vector<16xi1>, vector<16xi32>
      %reduce_sum3A = arith.constant true
      %reduce_sum3A_65 = vector.broadcast %reduce_sum3A : i1 to vector<16xi1>
      %reduce_sum3A_66 = tpu.scan <sum>, %select_n3A_64 masked %reduce_sum3A_65 : vector<16xi32>, vector<16xi1> -> vector<16xi32>
      %reduce_sum3A_67 = vector.extract %reduce_sum3A_66[15] : i32 from vector<16xi32>
      %multiple_of3A = tpu.assume_multiple %reduce_sum3A_67, 128 : i32
      %scan3A = arith.constant 0 : i32
      %scan3A_68 = arith.constant 0 : i32
      %scan3A_69 = arith.constant 256 : i32
      %scan3A_70 = arith.addi %scan3A_68, %scan3A_69 : i32
      %scan3A_71 = arith.constant 1 : i32
      scf.for %scan3A_165 = %scan3A_68 to %scan3A_70 step %scan3A_71  : i32 {
        %mul3A_166 = arith.constant 16 : i32
        %mul3A_167 = arith.muli %scan3A_165, %mul3A_166 : i32
        %swap3A = arith.index_cast %mul3A_167 : i32 to index
        %swap3A_168 = tpu.vector_load %arg11[%swap3A] {strides = array<i32>} : memref<4096xi32, #tpu.memory_space<vmem>>, vector<16xi32>,
        tpu.vector_store %arg11[%swap3A], %broadcast_in_dim3A_7 {strides = array<i32>} : memref<4096xi32, #tpu.memory_space<vmem>>, vector<16xi32>,
      }
      %scan3A_72 = arith.constant 256 : i32
      %scan3A_73 = arith.constant 0 : i32
      %scan3A_74 = arith.constant 0 : i32
      %scan3A_75 = arith.constant 128 : i32
      %scan3A_76 = arith.addi %scan3A_74, %scan3A_75 : i32
      %scan3A_77 = arith.constant 1 : i32
      scf.for %scan3A_165 = %scan3A_74 to %scan3A_76 step %scan3A_77  : i32 {
        %mul3A_166 = arith.constant 16 : i32
        %mul3A_167 = arith.muli %scan3A_165, %mul3A_166 : i32
        %add3A_168 = vector.broadcast %mul3A_167 : i32 to vector<16xi32>
        %add3A_169 = arith.addi %iota3A, %add3A_168 : vector<16xi32>
        %mul3A_170 = arith.constant 16 : i32
        %mul3A_171 = arith.muli %scan3A_165, %mul3A_170 : i32
        %swap3A = arith.index_cast %mul3A_171 : i32 to index
        %swap3A_172 = tpu.vector_load %arg9[%swap3A] {strides = array<i32>} : memref<2064xi32, #tpu.memory_space<vmem>>, vector<16xi32>,
        tpu.vector_store %arg9[%swap3A], %add3A_169 {strides = array<i32>} : memref<2064xi32, #tpu.memory_space<vmem>>, vector<16xi32>,
        %broadcast_in_dim3A_173 = arith.constant 1.000000e+00 : f32
        %broadcast_in_dim3A_174 = vector.broadcast %broadcast_in_dim3A_173 : f32 to vector<16xf32>
        %mul3A_175 = arith.constant 16 : i32
        %mul3A_176 = arith.muli %scan3A_165, %mul3A_175 : i32
        %swap3A_177 = arith.index_cast %mul3A_176 : i32 to index
        %swap3A_178 = tpu.vector_load %arg10[%swap3A_177] {strides = array<i32>} : memref<2064xf32, #tpu.memory_space<vmem>>, vector<16xf32>,
        tpu.vector_store %arg10[%swap3A_177], %broadcast_in_dim3A_174 {strides = array<i32>} : memref<2064xf32, #tpu.memory_space<vmem>>, vector<16xf32>,
      }
      %scan3A_78 = arith.constant 128 : i32
      %scan3A_79 = arith.constant 0 : i32
      %scan3A_80 = arith.constant 0 : i32
      %scan3A_81 = arith.constant 8 : i32
      %scan3A_82 = arith.addi %scan3A_80, %scan3A_81 : i32
      %scan3A_83 = arith.constant 1 : i32
      scf.for %scan3A_165 = %scan3A_80 to %scan3A_82 step %scan3A_83  : i32 {
        %broadcast_in_dim3A_166 = arith.constant 0.000000e+00 : f32
        %broadcast_in_dim3A_167 = vector.broadcast %broadcast_in_dim3A_166 : f32 to vector<16xf32>
        %mul3A_168 = arith.constant 16 : i32
        %mul3A_169 = arith.muli %scan3A_165, %mul3A_168 : i32
        %swap3A = arith.index_cast %mul3A_169 : i32 to index
        %swap3A_170 = tpu.vector_load %arg15[%swap3A] {strides = array<i32>} : memref<128xf32, #tpu.memory_space<vmem>>, vector<16xf32>,
        tpu.vector_store %arg15[%swap3A], %broadcast_in_dim3A_167 {strides = array<i32>} : memref<128xf32, #tpu.memory_space<vmem>>, vector<16xf32>,
      }
      %scan3A_84 = arith.constant 8 : i32
      %sub3A_85 = arith.constant 5120 : i32
      %sub3A_86 = arith.subi %sub3A_85, %multiple_of3A : i32
      %jit3A_87 = arith.constant 128 : i32
      %div3A_88 = arith.divsi %sub3A_86, %jit3A_87 : i32
      %sign3A_89 = arith.constant 0 : i32
      %sign3A_90 = arith.cmpi sgt, %sub3A_86, %sign3A_89 : i32
      %sign3A_91 = arith.extui %sign3A_90 : i1 to i32
      %sign3A_92 = arith.constant 0 : i32
      %sign3A_93 = arith.cmpi slt, %sub3A_86, %sign3A_92 : i32
      %sign3A_94 = arith.extui %sign3A_93 : i1 to i32
      %sign3A_95 = arith.subi %sign3A_91, %sign3A_94 : i32
      %sign3A_96 = arith.constant 0 : i32
      %sign3A_97 = arith.cmpi sgt, %jit3A_87, %sign3A_96 : i32
      %sign3A_98 = arith.extui %sign3A_97 : i1 to i32
      %sign3A_99 = arith.constant 0 : i32
      %sign3A_100 = arith.cmpi slt, %jit3A_87, %sign3A_99 : i32
      %sign3A_101 = arith.extui %sign3A_100 : i1 to i32
      %sign3A_102 = arith.subi %sign3A_98, %sign3A_101 : i32
      %ne3A_103 = arith.cmpi ne, %sign3A_95, %sign3A_102 : i32
      %rem3A_104 = arith.remsi %sub3A_86, %jit3A_87 : i32
      %ne3A_105 = arith.constant 0 : i32
      %ne3A_106 = arith.cmpi ne, %rem3A_104, %ne3A_105 : i32
      %and3A_107 = arith.andi %ne3A_103, %ne3A_106 : i1
      %sub3A_108 = arith.constant 1 : i32
      %sub3A_109 = arith.subi %div3A_88, %sub3A_108 : i32
      %select_n3A_110 = arith.select %and3A_107, %sub3A_109, %div3A_88 : i32
      %while3A = arith.constant 0 : i32
      %while3A_111 = arith.constant 0 : i32
      %while3A_112 = arith.subi %select_n3A_110, %while3A_111 : i32
      %while3A_113 = arith.addi %while3A_111, %while3A_112 : i32
      %while3A_114 = arith.constant 1 : i32
      %while3A_115 = arith.divsi %while3A_112, %while3A_114 : i32
      %while3A_116 = arith.muli %while3A_115, %while3A_114 : i32
      %while3A_117 = arith.addi %while3A_111, %while3A_116 : i32
      %while3A_118 = arith.constant 1 : i32
      scf.for %while3A_165 = %while3A_111 to %while3A_117 step %while3A_118  : i32 {
        %mul3A_166 = arith.constant 128 : i32
        %mul3A_167 = arith.muli %while3A_165, %mul3A_166 : i32
        %add3A_168 = arith.addi %multiple_of3A, %mul3A_167 : i32
        "tpu.region"() ({
          %run_scoped3A = tpu.sem_alloc : memref<!tpu.dma_semaphore, #tpu.memory_space<semaphore_mem>>
          %dma_start3A = arith.constant 0 : i32
          %dma_start3A_172 = tpu.memref_slice %arg11[%dma_start3A] : memref<4096xi32, #tpu.memory_space<vmem>> -> memref<128xi32, #tpu.memory_space<vmem>>
          %dma_start3A_173 = tpu.memref_slice %arg3[%add3A_168] : memref<7168xi32, #tpu.memory_space<hbm>> -> memref<128xi32, #tpu.memory_space<hbm>>
          %dma_start3A_174 = tpu.memref_slice %arg3[%add3A_168] : memref<7168xi32, #tpu.memory_space<hbm>> -> memref<128xi32, #tpu.memory_space<hbm>>
          %dma_start3A_175 = arith.constant 0 : i32
          %dma_start3A_176 = tpu.memref_slice %arg11[%dma_start3A_175] : memref<4096xi32, #tpu.memory_space<vmem>> -> memref<128xi32, #tpu.memory_space<vmem>>
          tpu.enqueue_dma source(%dma_start3A_176 : memref<128xi32, #tpu.memory_space<vmem>>) target(%dma_start3A_174 : memref<128xi32, #tpu.memory_space<hbm>>) target_semaphore(%run_scoped3A : memref<!tpu.dma_semaphore, #tpu.memory_space<semaphore_mem>>)
          %dma_wait3A = arith.constant 0 : i32
          %dma_wait3A_177 = tpu.memref_slice %arg11[%dma_wait3A] : memref<4096xi32, #tpu.memory_space<vmem>> -> memref<128xi32, #tpu.memory_space<vmem>>
          %dma_wait3A_178 = tpu.memref_slice %arg3[%add3A_168] : memref<7168xi32, #tpu.memory_space<hbm>> -> memref<128xi32, #tpu.memory_space<hbm>>
          %dma_wait3A_179 = tpu.memref_slice %arg3[%add3A_168] : memref<7168xi32, #tpu.memory_space<hbm>> -> memref<128xi32, #tpu.memory_space<hbm>>
          %dma_wait3A_180 = arith.constant 0 : i32
          %dma_wait3A_181 = tpu.memref_slice %arg11[%dma_wait3A_180] : memref<4096xi32, #tpu.memory_space<vmem>> -> memref<128xi32, #tpu.memory_space<vmem>>
          tpu.wait_dma2 semaphore(%run_scoped3A : memref<!tpu.dma_semaphore, #tpu.memory_space<semaphore_mem>>) src(%dma_wait3A_181 : memref<128xi32, #tpu.memory_space<vmem>>) dst(%dma_wait3A_179 : memref<128xi32, #tpu.memory_space<hbm>>)
          tpu.yield
        }) : () -> ()
        %mul3A_169 = arith.constant 128 : i32
        %mul3A_170 = arith.muli %while3A_165, %mul3A_169 : i32
        %add3A_171 = arith.addi %multiple_of3A, %mul3A_170 : i32
        "tpu.region"() ({
          %run_scoped3A = tpu.sem_alloc : memref<!tpu.dma_semaphore, #tpu.memory_space<semaphore_mem>>
          %dma_start3A = tpu.memref_slice %arg4[%add3A_171] : memref<7168xf32, #tpu.memory_space<hbm>> -> memref<128xf32, #tpu.memory_space<hbm>>
          %dma_start3A_172 = tpu.memref_slice %arg4[%add3A_171] : memref<7168xf32, #tpu.memory_space<hbm>> -> memref<128xf32, #tpu.memory_space<hbm>>
          tpu.enqueue_dma source(%arg15 : memref<128xf32, #tpu.memory_space<vmem>>) target(%dma_start3A_172 : memref<128xf32, #tpu.memory_space<hbm>>) target_semaphore(%run_scoped3A : memref<!tpu.dma_semaphore, #tpu.memory_space<semaphore_mem>>)
          %dma_wait3A = tpu.memref_slice %arg4[%add3A_171] : memref<7168xf32, #tpu.memory_space<hbm>> -> memref<128xf32, #tpu.memory_space<hbm>>
          %dma_wait3A_173 = tpu.memref_slice %arg4[%add3A_171] : memref<7168xf32, #tpu.memory_space<hbm>> -> memref<128xf32, #tpu.memory_space<hbm>>
          tpu.wait_dma2 semaphore(%run_scoped3A : memref<!tpu.dma_semaphore, #tpu.memory_space<semaphore_mem>>) src(%arg15 : memref<128xf32, #tpu.memory_space<vmem>>) dst(%dma_wait3A_173 : memref<128xf32, #tpu.memory_space<hbm>>)
          tpu.yield
        }) : () -> ()
      }
      %while3A_119 = arith.constant 1 : i32
      scf.for %while3A_165 = %while3A_117 to %while3A_113 step %while3A_119  : i32 {
        %mul3A_166 = arith.constant 128 : i32
        %mul3A_167 = arith.muli %while3A_165, %mul3A_166 : i32
        %add3A_168 = arith.addi %multiple_of3A, %mul3A_167 : i32
        "tpu.region"() ({
          %run_scoped3A = tpu.sem_alloc : memref<!tpu.dma_semaphore, #tpu.memory_space<semaphore_mem>>
          %dma_start3A = arith.constant 0 : i32
          %dma_start3A_172 = tpu.memref_slice %arg11[%dma_start3A] : memref<4096xi32, #tpu.memory_space<vmem>> -> memref<128xi32, #tpu.memory_space<vmem>>
          %dma_start3A_173 = tpu.memref_slice %arg3[%add3A_168] : memref<7168xi32, #tpu.memory_space<hbm>> -> memref<128xi32, #tpu.memory_space<hbm>>
          %dma_start3A_174 = tpu.memref_slice %arg3[%add3A_168] : memref<7168xi32, #tpu.memory_space<hbm>> -> memref<128xi32, #tpu.memory_space<hbm>>
          %dma_start3A_175 = arith.constant 0 : i32
          %dma_start3A_176 = tpu.memref_slice %arg11[%dma_start3A_175] : memref<4096xi32, #tpu.memory_space<vmem>> -> memref<128xi32, #tpu.memory_space<vmem>>
          tpu.enqueue_dma source(%dma_start3A_176 : memref<128xi32, #tpu.memory_space<vmem>>) target(%dma_start3A_174 : memref<128xi32, #tpu.memory_space<hbm>>) target_semaphore(%run_scoped3A : memref<!tpu.dma_semaphore, #tpu.memory_space<semaphore_mem>>)
          %dma_wait3A = arith.constant 0 : i32
          %dma_wait3A_177 = tpu.memref_slice %arg11[%dma_wait3A] : memref<4096xi32, #tpu.memory_space<vmem>> -> memref<128xi32, #tpu.memory_space<vmem>>
          %dma_wait3A_178 = tpu.memref_slice %arg3[%add3A_168] : memref<7168xi32, #tpu.memory_space<hbm>> -> memref<128xi32, #tpu.memory_space<hbm>>
          %dma_wait3A_179 = tpu.memref_slice %arg3[%add3A_168] : memref<7168xi32, #tpu.memory_space<hbm>> -> memref<128xi32, #tpu.memory_space<hbm>>
          %dma_wait3A_180 = arith.constant 0 : i32
          %dma_wait3A_181 = tpu.memref_slice %arg11[%dma_wait3A_180] : memref<4096xi32, #tpu.memory_space<vmem>> -> memref<128xi32, #tpu.memory_space<vmem>>
          tpu.wait_dma2 semaphore(%run_scoped3A : memref<!tpu.dma_semaphore, #tpu.memory_space<semaphore_mem>>) src(%dma_wait3A_181 : memref<128xi32, #tpu.memory_space<vmem>>) dst(%dma_wait3A_179 : memref<128xi32, #tpu.memory_space<hbm>>)
          tpu.yield
        }) : () -> ()
        %mul3A_169 = arith.constant 128 : i32
        %mul3A_170 = arith.muli %while3A_165, %mul3A_169 : i32
        %add3A_171 = arith.addi %multiple_of3A, %mul3A_170 : i32
        "tpu.region"() ({
          %run_scoped3A = tpu.sem_alloc : memref<!tpu.dma_semaphore, #tpu.memory_space<semaphore_mem>>
          %dma_start3A = tpu.memref_slice %arg4[%add3A_171] : memref<7168xf32, #tpu.memory_space<hbm>> -> memref<128xf32, #tpu.memory_space<hbm>>
          %dma_start3A_172 = tpu.memref_slice %arg4[%add3A_171] : memref<7168xf32, #tpu.memory_space<hbm>> -> memref<128xf32, #tpu.memory_space<hbm>>
          tpu.enqueue_dma source(%arg15 : memref<128xf32, #tpu.memory_space<vmem>>) target(%dma_start3A_172 : memref<128xf32, #tpu.memory_space<hbm>>) target_semaphore(%run_scoped3A : memref<!tpu.dma_semaphore, #tpu.memory_space<semaphore_mem>>)
          %dma_wait3A = tpu.memref_slice %arg4[%add3A_171] : memref<7168xf32, #tpu.memory_space<hbm>> -> memref<128xf32, #tpu.memory_space<hbm>>
          %dma_wait3A_173 = tpu.memref_slice %arg4[%add3A_171] : memref<7168xf32, #tpu.memory_space<hbm>> -> memref<128xf32, #tpu.memory_space<hbm>>
          tpu.wait_dma2 semaphore(%run_scoped3A : memref<!tpu.dma_semaphore, #tpu.memory_space<semaphore_mem>>) src(%arg15 : memref<128xf32, #tpu.memory_space<vmem>>) dst(%dma_wait3A_173 : memref<128xf32, #tpu.memory_space<hbm>>)
          tpu.yield
        }) : () -> ()
      }
      %scan3A_120 = arith.constant 0 : i32
      %scan3A_121 = arith.constant 0 : i32
      %scan3A_122 = arith.constant 16 : i32
      %scan3A_123 = arith.addi %scan3A_121, %scan3A_122 : i32
      %scan3A_124 = arith.constant 1 : i32
      scf.for %scan3A_165 = %scan3A_121 to %scan3A_123 step %scan3A_124  : i32 {
        %mul3A_166 = arith.constant 128 : i32
        %mul3A_167 = arith.muli %scan3A_165, %mul3A_166 : i32
        %mul3A_168 = arith.constant 128 : i32
        %mul3A_169 = arith.muli %scan3A_165, %mul3A_168 : i32
        %add3A_170 = arith.constant 5120 : i32
        %add3A_171 = arith.addi %add3A_170, %mul3A_169 : i32
        "tpu.region"() ({
          %run_scoped3A = tpu.sem_alloc : memref<!tpu.dma_semaphore, #tpu.memory_space<semaphore_mem>>
          %dma_start3A = tpu.memref_slice %arg9[%mul3A_167] : memref<2064xi32, #tpu.memory_space<vmem>> -> memref<128xi32, #tpu.memory_space<vmem>>
          %dma_start3A_178 = tpu.memref_slice %arg3[%add3A_171] : memref<7168xi32, #tpu.memory_space<hbm>> -> memref<128xi32, #tpu.memory_space<hbm>>
          %dma_start3A_179 = tpu.memref_slice %arg3[%add3A_171] : memref<7168xi32, #tpu.memory_space<hbm>> -> memref<128xi32, #tpu.memory_space<hbm>>
          %dma_start3A_180 = tpu.memref_slice %arg9[%mul3A_167] : memref<2064xi32, #tpu.memory_space<vmem>> -> memref<128xi32, #tpu.memory_space<vmem>>
          tpu.enqueue_dma source(%dma_start3A_180 : memref<128xi32, #tpu.memory_space<vmem>>) target(%dma_start3A_179 : memref<128xi32, #tpu.memory_space<hbm>>) target_semaphore(%run_scoped3A : memref<!tpu.dma_semaphore, #tpu.memory_space<semaphore_mem>>)
          %dma_wait3A = tpu.memref_slice %arg9[%mul3A_167] : memref<2064xi32, #tpu.memory_space<vmem>> -> memref<128xi32, #tpu.memory_space<vmem>>
          %dma_wait3A_181 = tpu.memref_slice %arg3[%add3A_171] : memref<7168xi32, #tpu.memory_space<hbm>> -> memref<128xi32, #tpu.memory_space<hbm>>
          %dma_wait3A_182 = tpu.memref_slice %arg3[%add3A_171] : memref<7168xi32, #tpu.memory_space<hbm>> -> memref<128xi32, #tpu.memory_space<hbm>>
          %dma_wait3A_183 = tpu.memref_slice %arg9[%mul3A_167] : memref<2064xi32, #tpu.memory_space<vmem>> -> memref<128xi32, #tpu.memory_space<vmem>>
          tpu.wait_dma2 semaphore(%run_scoped3A : memref<!tpu.dma_semaphore, #tpu.memory_space<semaphore_mem>>) src(%dma_wait3A_183 : memref<128xi32, #tpu.memory_space<vmem>>) dst(%dma_wait3A_182 : memref<128xi32, #tpu.memory_space<hbm>>)
          tpu.yield
        }) : () -> ()
        %mul3A_172 = arith.constant 128 : i32
        %mul3A_173 = arith.muli %scan3A_165, %mul3A_172 : i32
        %mul3A_174 = arith.constant 128 : i32
        %mul3A_175 = arith.muli %scan3A_165, %mul3A_174 : i32
        %add3A_176 = arith.constant 5120 : i32
        %add3A_177 = arith.addi %add3A_176, %mul3A_175 : i32
        "tpu.region"() ({
          %run_scoped3A = tpu.sem_alloc : memref<!tpu.dma_semaphore, #tpu.memory_space<semaphore_mem>>
          %dma_start3A = tpu.memref_slice %arg10[%mul3A_173] : memref<2064xf32, #tpu.memory_space<vmem>> -> memref<128xf32, #tpu.memory_space<vmem>>
          %dma_start3A_178 = tpu.memref_slice %arg4[%add3A_177] : memref<7168xf32, #tpu.memory_space<hbm>> -> memref<128xf32, #tpu.memory_space<hbm>>
          %dma_start3A_179 = tpu.memref_slice %arg4[%add3A_177] : memref<7168xf32, #tpu.memory_space<hbm>> -> memref<128xf32, #tpu.memory_space<hbm>>
          %dma_start3A_180 = tpu.memref_slice %arg10[%mul3A_173] : memref<2064xf32, #tpu.memory_space<vmem>> -> memref<128xf32, #tpu.memory_space<vmem>>
          tpu.enqueue_dma source(%dma_start3A_180 : memref<128xf32, #tpu.memory_space<vmem>>) target(%dma_start3A_179 : memref<128xf32, #tpu.memory_space<hbm>>) target_semaphore(%run_scoped3A : memref<!tpu.dma_semaphore, #tpu.memory_space<semaphore_mem>>)
          %dma_wait3A = tpu.memref_slice %arg10[%mul3A_173] : memref<2064xf32, #tpu.memory_space<vmem>> -> memref<128xf32, #tpu.memory_space<vmem>>
          %dma_wait3A_181 = tpu.memref_slice %arg4[%add3A_177] : memref<7168xf32, #tpu.memory_space<hbm>> -> memref<128xf32, #tpu.memory_space<hbm>>
          %dma_wait3A_182 = tpu.memref_slice %arg4[%add3A_177] : memref<7168xf32, #tpu.memory_space<hbm>> -> memref<128xf32, #tpu.memory_space<hbm>>
          %dma_wait3A_183 = tpu.memref_slice %arg10[%mul3A_173] : memref<2064xf32, #tpu.memory_space<vmem>> -> memref<128xf32, #tpu.memory_space<vmem>>
          tpu.wait_dma2 semaphore(%run_scoped3A : memref<!tpu.dma_semaphore, #tpu.memory_space<semaphore_mem>>) src(%dma_wait3A_183 : memref<128xf32, #tpu.memory_space<vmem>>) dst(%dma_wait3A_182 : memref<128xf32, #tpu.memory_space<hbm>>)
          tpu.yield
        }) : () -> ()
      }
      %scan3A_125 = arith.constant 16 : i32
      "tpu.region"() ({
        %run_scoped3A = tpu.sem_alloc : memref<!tpu.dma_semaphore, #tpu.memory_space<semaphore_mem>>
        %dma_start3A = arith.constant 32768 : i32
        %dma_start3A_165 = tpu.memref_slice %arg6[%dma_start3A] : memref<36864xi32, #tpu.memory_space<hbm>> -> memref<4096xi32, #tpu.memory_space<hbm>>
        %dma_start3A_166 = arith.constant 32768 : i32
        %dma_start3A_167 = tpu.memref_slice %arg6[%dma_start3A_166] : memref<36864xi32, #tpu.memory_space<hbm>> -> memref<4096xi32, #tpu.memory_space<hbm>>
        tpu.enqueue_dma source(%arg11 : memref<4096xi32, #tpu.memory_space<vmem>>) target(%dma_start3A_167 : memref<4096xi32, #tpu.memory_space<hbm>>) target_semaphore(%run_scoped3A : memref<!tpu.dma_semaphore, #tpu.memory_space<semaphore_mem>>)
        %dma_wait3A = arith.constant 32768 : i32
        %dma_wait3A_168 = tpu.memref_slice %arg6[%dma_wait3A] : memref<36864xi32, #tpu.memory_space<hbm>> -> memref<4096xi32, #tpu.memory_space<hbm>>
        %dma_wait3A_169 = arith.constant 32768 : i32
        %dma_wait3A_170 = tpu.memref_slice %arg6[%dma_wait3A_169] : memref<36864xi32, #tpu.memory_space<hbm>> -> memref<4096xi32, #tpu.memory_space<hbm>>
        tpu.wait_dma2 semaphore(%run_scoped3A : memref<!tpu.dma_semaphore, #tpu.memory_space<semaphore_mem>>) src(%arg11 : memref<4096xi32, #tpu.memory_space<vmem>>) dst(%dma_wait3A_170 : memref<4096xi32, #tpu.memory_space<hbm>>)
        tpu.yield
      }) : () -> ()
      %jit3A_126 = arith.constant 128 : i32
      %div3A_127 = vector.broadcast %jit3A_126 : i32 to vector<16xi32>
      %div3A_128 = arith.divsi %select_n3A_64, %div3A_127 : vector<16xi32>
      %sign3A_129 = arith.constant 0 : i32
      %sign3A_130 = vector.broadcast %sign3A_129 : i32 to vector<16xi32>
      %sign3A_131 = arith.cmpi sgt, %select_n3A_64, %sign3A_130 : vector<16xi32>
      %sign3A_132 = arith.extui %sign3A_131 : vector<16xi1> to vector<16xi32>
      %sign3A_133 = arith.constant 0 : i32
      %sign3A_134 = vector.broadcast %sign3A_133 : i32 to vector<16xi32>
      %sign3A_135 = arith.cmpi slt, %select_n3A_64, %sign3A_134 : vector<16xi32>
      %sign3A_136 = arith.extui %sign3A_135 : vector<16xi1> to vector<16xi32>
      %sign3A_137 = arith.subi %sign3A_132, %sign3A_136 : vector<16xi32>
      %sign3A_138 = arith.constant 0 : i32
      %sign3A_139 = arith.cmpi sgt, %jit3A_126, %sign3A_138 : i32
      %sign3A_140 = arith.extui %sign3A_139 : i1 to i32
      %sign3A_141 = arith.constant 0 : i32
      %sign3A_142 = arith.cmpi slt, %jit3A_126, %sign3A_141 : i32
      %sign3A_143 = arith.extui %sign3A_142 : i1 to i32
      %sign3A_144 = arith.subi %sign3A_140, %sign3A_143 : i32
      %ne3A_145 = vector.broadcast %sign3A_144 : i32 to vector<16xi32>
      %ne3A_146 = arith.cmpi ne, %sign3A_137, %ne3A_145 : vector<16xi32>
      %rem3A_147 = vector.broadcast %jit3A_126 : i32 to vector<16xi32>
      %rem3A_148 = arith.remsi %select_n3A_64, %rem3A_147 : vector<16xi32>
      %ne3A_149 = arith.constant 0 : i32
      %ne3A_150 = vector.broadcast %ne3A_149 : i32 to vector<16xi32>
      %ne3A_151 = arith.cmpi ne, %rem3A_148, %ne3A_150 : vector<16xi32>
      %and3A_152 = arith.andi %ne3A_146, %ne3A_151 : vector<16xi1>
      %sub3A_153 = arith.constant 1 : i32
      %sub3A_154 = vector.broadcast %sub3A_153 : i32 to vector<16xi32>
      %sub3A_155 = arith.subi %div3A_128, %sub3A_154 : vector<16xi32>
      %select_n3A_156 = arith.select %and3A_152, %sub3A_155, %div3A_128 : vector<16xi1>, vector<16xi32>
      %broadcast_in_dim3A_157 = arith.constant true
      %broadcast_in_dim3A_158 = vector.broadcast %broadcast_in_dim3A_157 : i1 to vector<16xi1>
      %masked_cumsum3A = tpu.scan <sum>, %select_n3A_156 masked %broadcast_in_dim3A_158 : vector<16xi32>, vector<16xi1> -> vector<16xi32>
      %scan3A_159 = arith.constant 0 : i32
      %scan3A_160 = arith.constant 0 : i32
      %scan3A_161 = arith.constant 4 : i32
      %scan3A_162 = arith.addi %scan3A_160, %scan3A_161 : i32
      %scan3A_163 = arith.constant 1 : i32
      scf.for %scan3A_165 = %scan3A_160 to %scan3A_162 step %scan3A_163  : i32 {
        %mul3A_166 = arith.constant 16 : i32
        %mul3A_167 = arith.muli %scan3A_165, %mul3A_166 : i32
        %add3A_168 = vector.broadcast %mul3A_167 : i32 to vector<16xi32>
        %add3A_169 = arith.addi %iota3A, %add3A_168 : vector<16xi32>
        %slice3A = vector.extract_strided_slice %masked_cumsum3A {offsets = [0], sizes = [1], strides = [1]} : vector<16xi32> to vector<1xi32>
        %squeeze3A = vector.extract %slice3A[0] : i32 from vector<1xi32>
        %ge3A = vector.broadcast %squeeze3A : i32 to vector<16xi32>
        %ge3A_170 = arith.cmpi sge, %add3A_169, %ge3A : vector<16xi32>
        %convert_element_type3A_171 = arith.extui %ge3A_170 : vector<16xi1> to vector<16xi32>
        %add3A_172 = arith.addi %broadcast_in_dim3A_7, %convert_element_type3A_171 : vector<16xi32>
        %slice3A_173 = vector.extract_strided_slice %masked_cumsum3A {offsets = [1], sizes = [1], strides = [1]} : vector<16xi32> to vector<1xi32>
        %squeeze3A_174 = vector.extract %slice3A_173[0] : i32 from vector<1xi32>
        %ge3A_175 = vector.broadcast %squeeze3A_174 : i32 to vector<16xi32>
        %ge3A_176 = arith.cmpi sge, %add3A_169, %ge3A_175 : vector<16xi32>
        %convert_element_type3A_177 = arith.extui %ge3A_176 : vector<16xi1> to vector<16xi32>
        %add3A_178 = arith.addi %add3A_172, %convert_element_type3A_177 : vector<16xi32>
        %slice3A_179 = vector.extract_strided_slice %masked_cumsum3A {offsets = [2], sizes = [1], strides = [1]} : vector<16xi32> to vector<1xi32>
        %squeeze3A_180 = vector.extract %slice3A_179[0] : i32 from vector<1xi32>
        %ge3A_181 = vector.broadcast %squeeze3A_180 : i32 to vector<16xi32>
        %ge3A_182 = arith.cmpi sge, %add3A_169, %ge3A_181 : vector<16xi32>
        %convert_element_type3A_183 = arith.extui %ge3A_182 : vector<16xi1> to vector<16xi32>
        %add3A_184 = arith.addi %add3A_178, %convert_element_type3A_183 : vector<16xi32>
        %slice3A_185 = vector.extract_strided_slice %masked_cumsum3A {offsets = [3], sizes = [1], strides = [1]} : vector<16xi32> to vector<1xi32>
        %squeeze3A_186 = vector.extract %slice3A_185[0] : i32 from vector<1xi32>
        %ge3A_187 = vector.broadcast %squeeze3A_186 : i32 to vector<16xi32>
        %ge3A_188 = arith.cmpi sge, %add3A_169, %ge3A_187 : vector<16xi32>
        %convert_element_type3A_189 = arith.extui %ge3A_188 : vector<16xi1> to vector<16xi32>
        %add3A_190 = arith.addi %add3A_184, %convert_element_type3A_189 : vector<16xi32>
        %slice3A_191 = vector.extract_strided_slice %masked_cumsum3A {offsets = [4], sizes = [1], strides = [1]} : vector<16xi32> to vector<1xi32>
        %squeeze3A_192 = vector.extract %slice3A_191[0] : i32 from vector<1xi32>
        %ge3A_193 = vector.broadcast %squeeze3A_192 : i32 to vector<16xi32>
        %ge3A_194 = arith.cmpi sge, %add3A_169, %ge3A_193 : vector<16xi32>
        %convert_element_type3A_195 = arith.extui %ge3A_194 : vector<16xi1> to vector<16xi32>
        %add3A_196 = arith.addi %add3A_190, %convert_element_type3A_195 : vector<16xi32>
        %slice3A_197 = vector.extract_strided_slice %masked_cumsum3A {offsets = [5], sizes = [1], strides = [1]} : vector<16xi32> to vector<1xi32>
        %squeeze3A_198 = vector.extract %slice3A_197[0] : i32 from vector<1xi32>
        %ge3A_199 = vector.broadcast %squeeze3A_198 : i32 to vector<16xi32>
        %ge3A_200 = arith.cmpi sge, %add3A_169, %ge3A_199 : vector<16xi32>
        %convert_element_type3A_201 = arith.extui %ge3A_200 : vector<16xi1> to vector<16xi32>
        %add3A_202 = arith.addi %add3A_196, %convert_element_type3A_201 : vector<16xi32>
        %slice3A_203 = vector.extract_strided_slice %masked_cumsum3A {offsets = [6], sizes = [1], strides = [1]} : vector<16xi32> to vector<1xi32>
        %squeeze3A_204 = vector.extract %slice3A_203[0] : i32 from vector<1xi32>
        %ge3A_205 = vector.broadcast %squeeze3A_204 : i32 to vector<16xi32>
        %ge3A_206 = arith.cmpi sge, %add3A_169, %ge3A_205 : vector<16xi32>
        %convert_element_type3A_207 = arith.extui %ge3A_206 : vector<16xi1> to vector<16xi32>
        %add3A_208 = arith.addi %add3A_202, %convert_element_type3A_207 : vector<16xi32>
        %slice3A_209 = vector.extract_strided_slice %masked_cumsum3A {offsets = [7], sizes = [1], strides = [1]} : vector<16xi32> to vector<1xi32>
        %squeeze3A_210 = vector.extract %slice3A_209[0] : i32 from vector<1xi32>
        %ge3A_211 = vector.broadcast %squeeze3A_210 : i32 to vector<16xi32>
        %ge3A_212 = arith.cmpi sge, %add3A_169, %ge3A_211 : vector<16xi32>
        %convert_element_type3A_213 = arith.extui %ge3A_212 : vector<16xi1> to vector<16xi32>
        %add3A_214 = arith.addi %add3A_208, %convert_element_type3A_213 : vector<16xi32>
        %mul3A_215 = arith.constant 16 : i32
        %mul3A_216 = arith.muli %scan3A_165, %mul3A_215 : i32
        %swap3A = arith.index_cast %mul3A_216 : i32 to index
        %swap3A_217 = tpu.vector_load %arg13[%swap3A] {strides = array<i32>} : memref<64xi32, #tpu.memory_space<vmem>>, vector<16xi32>,
        tpu.vector_store %arg13[%swap3A], %add3A_214 {strides = array<i32>} : memref<64xi32, #tpu.memory_space<vmem>>, vector<16xi32>,
      }
      %scan3A_164 = arith.constant 4 : i32
      "tpu.region"() ({
        %run_scoped3A = tpu.sem_alloc : memref<!tpu.dma_semaphore, #tpu.memory_space<semaphore_mem>>
        tpu.enqueue_dma source(%arg13 : memref<64xi32, #tpu.memory_space<vmem>>) target(%arg5 : memref<64xi32, #tpu.memory_space<hbm>>) target_semaphore(%run_scoped3A : memref<!tpu.dma_semaphore, #tpu.memory_space<semaphore_mem>>)
        tpu.wait_dma2 semaphore(%run_scoped3A : memref<!tpu.dma_semaphore, #tpu.memory_space<semaphore_mem>>) src(%arg13 : memref<64xi32, #tpu.memory_space<vmem>>) dst(%arg5 : memref<64xi32, #tpu.memory_space<hbm>>)
        tpu.yield
      }) : () -> ()
    } else {
    }
    %barrier3A_22 = arith.constant 0 : index
    tpu.barrier barrier_id(%barrier3A_22)
    return
  }
}

#map = affine_map<(d0, d1) -> (0, 0)>
#map1 = affine_map<(d0, d1) -> (0)>
module attributes {stable_mosaic.version = 14 : i64} {
  func.func @k(%arg0: i32, %arg1: i32, %arg2: memref<2048x2048xf32, #tpu.memory_space<hbm>>, %arg3: memref<7168xi32, #tpu.memory_space<hbm>>, %arg4: memref<7168x2048xf32, #tpu.memory_space<hbm>>, %arg5: memref<32xi32, #tpu.memory_space<vmem>>, %arg6: memref<32x2048xf32, #tpu.memory_space<vmem>>, %arg7: memref<!tpu.dma_semaphore, #tpu.memory_space<semaphore_mem>>) attributes {dimension_semantics = [#tpu.dimension_semantics<core_parallel>, #tpu.dimension_semantics<subcore_parallel>], iteration_bounds = array<i64: 2, 16>, scalar_prefetch = 0 : i64, scratch_operands = 3 : i64, tpu.core_type = #tpu.core_type<sc_vector_subcore>, window_params = [{transform_indices = #map}, {transform_indices = #map1}, {transform_indices = #map}]} {
    %mul3A = arith.constant 2 : i32
    %mul3A_0 = arith.muli %arg1, %mul3A : i32
    %add3A = arith.addi %mul3A_0, %arg0 : i32
    %mul3A_1 = arith.constant 224 : i32
    %mul3A_2 = arith.muli %add3A, %mul3A_1 : i32
    %scan3A = arith.constant 0 : i32
    %scan3A_3 = arith.constant 0 : i32
    %scan3A_4 = arith.constant 7 : i32
    %scan3A_5 = arith.addi %scan3A_3, %scan3A_4 : i32
    %scan3A_6 = arith.constant 1 : i32
    scf.for %scan3A_8 = %scan3A_3 to %scan3A_5 step %scan3A_6  : i32 {
      %mul3A_9 = arith.constant 32 : i32
      %mul3A_10 = arith.muli %scan3A_8, %mul3A_9 : i32
      %add3A_11 = arith.addi %mul3A_2, %mul3A_10 : i32
      "tpu.region"() ({
        %run_scoped3A = tpu.sem_alloc : memref<!tpu.dma_semaphore, #tpu.memory_space<semaphore_mem>>
        %dma_start3A_16 = tpu.memref_slice %arg3[%add3A_11] : memref<7168xi32, #tpu.memory_space<hbm>> -> memref<32xi32, #tpu.memory_space<hbm>>
        %dma_start3A_17 = tpu.memref_slice %arg3[%add3A_11] : memref<7168xi32, #tpu.memory_space<hbm>> -> memref<32xi32, #tpu.memory_space<hbm>>
        tpu.enqueue_dma source(%dma_start3A_17 : memref<32xi32, #tpu.memory_space<hbm>>) target(%arg5 : memref<32xi32, #tpu.memory_space<vmem>>) target_semaphore(%run_scoped3A : memref<!tpu.dma_semaphore, #tpu.memory_space<semaphore_mem>>)
        %dma_wait3A_18 = tpu.memref_slice %arg3[%add3A_11] : memref<7168xi32, #tpu.memory_space<hbm>> -> memref<32xi32, #tpu.memory_space<hbm>>
        %dma_wait3A_19 = tpu.memref_slice %arg3[%add3A_11] : memref<7168xi32, #tpu.memory_space<hbm>> -> memref<32xi32, #tpu.memory_space<hbm>>
        tpu.wait_dma2 semaphore(%run_scoped3A : memref<!tpu.dma_semaphore, #tpu.memory_space<semaphore_mem>>) src(%dma_wait3A_19 : memref<32xi32, #tpu.memory_space<hbm>>) dst(%arg5 : memref<32xi32, #tpu.memory_space<vmem>>)
        tpu.yield
      }) : () -> ()
      %dma_start3A = arith.constant 0 : i32
      %dma_start3A_12 = arith.constant 0 : i32
      %dma_start3A_13 = tpu.memref_slice %arg2[%dma_start3A, %dma_start3A_12] : memref<2048x2048xf32, #tpu.memory_space<hbm>> -> memref<2048x2048xf32, #tpu.memory_space<hbm>>
      tpu.enqueue_indirect_dma source(%dma_start3A_13 : memref<2048x2048xf32, #tpu.memory_space<hbm>>) target(%arg6 : memref<32x2048xf32, #tpu.memory_space<vmem>>) offsets(%arg5 : memref<32xi32, #tpu.memory_space<vmem>>) semaphore(%arg7 : memref<!tpu.dma_semaphore, #tpu.memory_space<semaphore_mem>>)
      %dma_wait3A = arith.constant 0 : i32
      %dma_wait3A_14 = arith.constant 0 : i32
      %dma_wait3A_15 = tpu.memref_slice %arg2[%dma_wait3A, %dma_wait3A_14] : memref<2048x2048xf32, #tpu.memory_space<hbm>> -> memref<2048x2048xf32, #tpu.memory_space<hbm>>
      tpu.wait_indirect_dma semaphore(%arg7 : memref<!tpu.dma_semaphore, #tpu.memory_space<semaphore_mem>>) src(%dma_wait3A_15 : memref<2048x2048xf32, #tpu.memory_space<hbm>>) dst(%arg6 : memref<32x2048xf32, #tpu.memory_space<vmem>>)
      "tpu.region"() ({
        %run_scoped3A = tpu.sem_alloc : memref<!tpu.dma_semaphore, #tpu.memory_space<semaphore_mem>>
        %dma_start3A_16 = arith.constant 0 : i32
        %dma_start3A_17 = tpu.memref_slice %arg4[%add3A_11, %dma_start3A_16] : memref<7168x2048xf32, #tpu.memory_space<hbm>> -> memref<32x2048xf32, #tpu.memory_space<hbm>>
        %dma_start3A_18 = arith.constant 0 : i32
        %dma_start3A_19 = tpu.memref_slice %arg4[%add3A_11, %dma_start3A_18] : memref<7168x2048xf32, #tpu.memory_space<hbm>> -> memref<32x2048xf32, #tpu.memory_space<hbm>>
        tpu.enqueue_dma source(%arg6 : memref<32x2048xf32, #tpu.memory_space<vmem>>) target(%dma_start3A_19 : memref<32x2048xf32, #tpu.memory_space<hbm>>) target_semaphore(%run_scoped3A : memref<!tpu.dma_semaphore, #tpu.memory_space<semaphore_mem>>)
        %dma_wait3A_20 = arith.constant 0 : i32
        %dma_wait3A_21 = tpu.memref_slice %arg4[%add3A_11, %dma_wait3A_20] : memref<7168x2048xf32, #tpu.memory_space<hbm>> -> memref<32x2048xf32, #tpu.memory_space<hbm>>
        %dma_wait3A_22 = arith.constant 0 : i32
        %dma_wait3A_23 = tpu.memref_slice %arg4[%add3A_11, %dma_wait3A_22] : memref<7168x2048xf32, #tpu.memory_space<hbm>> -> memref<32x2048xf32, #tpu.memory_space<hbm>>
        tpu.wait_dma2 semaphore(%run_scoped3A : memref<!tpu.dma_semaphore, #tpu.memory_space<semaphore_mem>>) src(%arg6 : memref<32x2048xf32, #tpu.memory_space<vmem>>) dst(%dma_wait3A_23 : memref<32x2048xf32, #tpu.memory_space<hbm>>)
        tpu.yield
      }) : () -> ()
    }
    %scan3A_7 = arith.constant 7 : i32
    return
  }
}

#map = affine_map<(d0, d1) -> (0, 0)>
#map1 = affine_map<(d0, d1) -> (0)>
module attributes {stable_mosaic.version = 14 : i64} {
  func.func @k(%arg0: i32, %arg1: i32, %arg2: memref<7168x2048xf32, #tpu.memory_space<hbm>>, %arg3: memref<2048xi32, #tpu.memory_space<hbm>>, %arg4: memref<2048xi32, #tpu.memory_space<hbm>>, %arg5: memref<2048x2048xf32, #tpu.memory_space<hbm>>, %arg6: memref<16xi32, #tpu.memory_space<vmem>>, %arg7: memref<16xi32, #tpu.memory_space<vmem>>, %arg8: memref<16x2048xf32, #tpu.memory_space<vmem>>, %arg9: memref<16x2048xf32, #tpu.memory_space<vmem>>, %arg10: memref<16x2048xf32, #tpu.memory_space<vmem>>, %arg11: memref<!tpu.dma_semaphore, #tpu.memory_space<semaphore_mem>>, %arg12: memref<!tpu.dma_semaphore, #tpu.memory_space<semaphore_mem>>, %arg13: memref<!tpu.dma_semaphore, #tpu.memory_space<semaphore_mem>>) attributes {dimension_semantics = [#tpu.dimension_semantics<core_parallel>, #tpu.dimension_semantics<subcore_parallel>], iteration_bounds = array<i64: 2, 16>, scalar_prefetch = 0 : i64, scratch_operands = 8 : i64, tpu.core_type = #tpu.core_type<sc_vector_subcore>, window_params = [{transform_indices = #map}, {transform_indices = #map1}, {transform_indices = #map1}, {transform_indices = #map}]} {
    %mul3A = arith.constant 2 : i32
    %mul3A_0 = arith.muli %arg1, %mul3A : i32
    %add3A = arith.addi %mul3A_0, %arg0 : i32
    %mul3A_1 = arith.constant 64 : i32
    %mul3A_2 = arith.muli %add3A, %mul3A_1 : i32
    %scan3A = arith.constant 0 : i32
    %scan3A_3 = arith.constant 0 : i32
    %scan3A_4 = arith.constant 4 : i32
    %scan3A_5 = arith.addi %scan3A_3, %scan3A_4 : i32
    %scan3A_6 = arith.constant 1 : i32
    scf.for %scan3A_8 = %scan3A_3 to %scan3A_5 step %scan3A_6  : i32 {
      %mul3A_9 = arith.constant 16 : i32
      %mul3A_10 = arith.muli %scan3A_8, %mul3A_9 : i32
      %add3A_11 = arith.addi %mul3A_2, %mul3A_10 : i32
      "tpu.region"() ({
        %run_scoped3A = tpu.sem_alloc : memref<!tpu.dma_semaphore, #tpu.memory_space<semaphore_mem>>
        %dma_start3A_38 = tpu.memref_slice %arg3[%add3A_11] : memref<2048xi32, #tpu.memory_space<hbm>> -> memref<16xi32, #tpu.memory_space<hbm>>
        %dma_start3A_39 = tpu.memref_slice %arg3[%add3A_11] : memref<2048xi32, #tpu.memory_space<hbm>> -> memref<16xi32, #tpu.memory_space<hbm>>
        tpu.enqueue_dma source(%dma_start3A_39 : memref<16xi32, #tpu.memory_space<hbm>>) target(%arg6 : memref<16xi32, #tpu.memory_space<vmem>>) target_semaphore(%run_scoped3A : memref<!tpu.dma_semaphore, #tpu.memory_space<semaphore_mem>>)
        %dma_wait3A_40 = tpu.memref_slice %arg3[%add3A_11] : memref<2048xi32, #tpu.memory_space<hbm>> -> memref<16xi32, #tpu.memory_space<hbm>>
        %dma_wait3A_41 = tpu.memref_slice %arg3[%add3A_11] : memref<2048xi32, #tpu.memory_space<hbm>> -> memref<16xi32, #tpu.memory_space<hbm>>
        tpu.wait_dma2 semaphore(%run_scoped3A : memref<!tpu.dma_semaphore, #tpu.memory_space<semaphore_mem>>) src(%dma_wait3A_41 : memref<16xi32, #tpu.memory_space<hbm>>) dst(%arg6 : memref<16xi32, #tpu.memory_space<vmem>>)
        tpu.yield
      }) : () -> ()
      "tpu.region"() ({
        %run_scoped3A = tpu.sem_alloc : memref<!tpu.dma_semaphore, #tpu.memory_space<semaphore_mem>>
        %dma_start3A_38 = tpu.memref_slice %arg4[%add3A_11] : memref<2048xi32, #tpu.memory_space<hbm>> -> memref<16xi32, #tpu.memory_space<hbm>>
        %dma_start3A_39 = tpu.memref_slice %arg4[%add3A_11] : memref<2048xi32, #tpu.memory_space<hbm>> -> memref<16xi32, #tpu.memory_space<hbm>>
        tpu.enqueue_dma source(%dma_start3A_39 : memref<16xi32, #tpu.memory_space<hbm>>) target(%arg7 : memref<16xi32, #tpu.memory_space<vmem>>) target_semaphore(%run_scoped3A : memref<!tpu.dma_semaphore, #tpu.memory_space<semaphore_mem>>)
        %dma_wait3A_40 = tpu.memref_slice %arg4[%add3A_11] : memref<2048xi32, #tpu.memory_space<hbm>> -> memref<16xi32, #tpu.memory_space<hbm>>
        %dma_wait3A_41 = tpu.memref_slice %arg4[%add3A_11] : memref<2048xi32, #tpu.memory_space<hbm>> -> memref<16xi32, #tpu.memory_space<hbm>>
        tpu.wait_dma2 semaphore(%run_scoped3A : memref<!tpu.dma_semaphore, #tpu.memory_space<semaphore_mem>>) src(%dma_wait3A_41 : memref<16xi32, #tpu.memory_space<hbm>>) dst(%arg7 : memref<16xi32, #tpu.memory_space<vmem>>)
        tpu.yield
      }) : () -> ()
      %dma_start3A = arith.constant 0 : i32
      %dma_start3A_12 = arith.constant 0 : i32
      %dma_start3A_13 = tpu.memref_slice %arg2[%dma_start3A, %dma_start3A_12] : memref<7168x2048xf32, #tpu.memory_space<hbm>> -> memref<7168x2048xf32, #tpu.memory_space<hbm>>
      tpu.enqueue_indirect_dma source(%dma_start3A_13 : memref<7168x2048xf32, #tpu.memory_space<hbm>>) target(%arg8 : memref<16x2048xf32, #tpu.memory_space<vmem>>) offsets(%arg6 : memref<16xi32, #tpu.memory_space<vmem>>) semaphore(%arg11 : memref<!tpu.dma_semaphore, #tpu.memory_space<semaphore_mem>>)
      %dma_start3A_14 = arith.constant 0 : i32
      %dma_start3A_15 = arith.constant 0 : i32
      %dma_start3A_16 = tpu.memref_slice %arg2[%dma_start3A_14, %dma_start3A_15] : memref<7168x2048xf32, #tpu.memory_space<hbm>> -> memref<7168x2048xf32, #tpu.memory_space<hbm>>
      tpu.enqueue_indirect_dma source(%dma_start3A_16 : memref<7168x2048xf32, #tpu.memory_space<hbm>>) target(%arg9 : memref<16x2048xf32, #tpu.memory_space<vmem>>) offsets(%arg7 : memref<16xi32, #tpu.memory_space<vmem>>) semaphore(%arg12 : memref<!tpu.dma_semaphore, #tpu.memory_space<semaphore_mem>>)
      %add3A_17 = arith.constant 5120 : i32
      %add3A_18 = arith.addi %add3A_17, %add3A_11 : i32
      %dma_start3A_19 = arith.constant 0 : i32
      %dma_start3A_20 = tpu.memref_slice %arg2[%add3A_18, %dma_start3A_19] : memref<7168x2048xf32, #tpu.memory_space<hbm>> -> memref<16x2048xf32, #tpu.memory_space<hbm>>
      %dma_start3A_21 = arith.constant 0 : i32
      %dma_start3A_22 = tpu.memref_slice %arg2[%add3A_18, %dma_start3A_21] : memref<7168x2048xf32, #tpu.memory_space<hbm>> -> memref<16x2048xf32, #tpu.memory_space<hbm>>
      tpu.enqueue_dma source(%dma_start3A_22 : memref<16x2048xf32, #tpu.memory_space<hbm>>) target(%arg10 : memref<16x2048xf32, #tpu.memory_space<vmem>>) target_semaphore(%arg13 : memref<!tpu.dma_semaphore, #tpu.memory_space<semaphore_mem>>)
      %dma_wait3A = arith.constant 0 : i32
      %dma_wait3A_23 = arith.constant 0 : i32
      %dma_wait3A_24 = tpu.memref_slice %arg2[%dma_wait3A, %dma_wait3A_23] : memref<7168x2048xf32, #tpu.memory_space<hbm>> -> memref<7168x2048xf32, #tpu.memory_space<hbm>>
      tpu.wait_indirect_dma semaphore(%arg11 : memref<!tpu.dma_semaphore, #tpu.memory_space<semaphore_mem>>) src(%dma_wait3A_24 : memref<7168x2048xf32, #tpu.memory_space<hbm>>) dst(%arg8 : memref<16x2048xf32, #tpu.memory_space<vmem>>)
      %dma_wait3A_25 = arith.constant 0 : i32
      %dma_wait3A_26 = arith.constant 0 : i32
      %dma_wait3A_27 = tpu.memref_slice %arg2[%dma_wait3A_25, %dma_wait3A_26] : memref<7168x2048xf32, #tpu.memory_space<hbm>> -> memref<7168x2048xf32, #tpu.memory_space<hbm>>
      tpu.wait_indirect_dma semaphore(%arg12 : memref<!tpu.dma_semaphore, #tpu.memory_space<semaphore_mem>>) src(%dma_wait3A_27 : memref<7168x2048xf32, #tpu.memory_space<hbm>>) dst(%arg9 : memref<16x2048xf32, #tpu.memory_space<vmem>>)
      %dma_wait3A_28 = arith.constant 0 : i32
      %dma_wait3A_29 = tpu.memref_slice %arg2[%add3A_18, %dma_wait3A_28] : memref<7168x2048xf32, #tpu.memory_space<hbm>> -> memref<16x2048xf32, #tpu.memory_space<hbm>>
      %dma_wait3A_30 = arith.constant 0 : i32
      %dma_wait3A_31 = tpu.memref_slice %arg2[%add3A_18, %dma_wait3A_30] : memref<7168x2048xf32, #tpu.memory_space<hbm>> -> memref<16x2048xf32, #tpu.memory_space<hbm>>
      tpu.wait_dma2 semaphore(%arg13 : memref<!tpu.dma_semaphore, #tpu.memory_space<semaphore_mem>>) src(%dma_wait3A_31 : memref<16x2048xf32, #tpu.memory_space<hbm>>) dst(%arg10 : memref<16x2048xf32, #tpu.memory_space<vmem>>)
      %scan3A_32 = arith.constant 0 : i32
      %scan3A_33 = arith.constant 0 : i32
      %scan3A_34 = arith.constant 16 : i32
      %scan3A_35 = arith.addi %scan3A_33, %scan3A_34 : i32
      %scan3A_36 = arith.constant 1 : i32
      scf.for %scan3A_38 = %scan3A_33 to %scan3A_35 step %scan3A_36  : i32 {
        %scan3A_39 = arith.constant 0 : i32
        %scan3A_40 = arith.constant 128 : i32
        %scan3A_41 = arith.addi %scan3A_39, %scan3A_40 : i32
        %scan3A_42 = arith.constant 1 : i32
        scf.for %scan3A_44 = %scan3A_39 to %scan3A_41 step %scan3A_42  : i32 {
          %mul3A_45 = arith.constant 16 : i32
          %mul3A_46 = arith.muli %scan3A_44, %mul3A_45 : i32
          %get3A = arith.index_cast %scan3A_38 : i32 to index
          %get3A_47 = arith.index_cast %mul3A_46 : i32 to index
          %get3A_48 = tpu.vector_load %arg8[%get3A, %get3A_47] {strides = array<i32>} : memref<16x2048xf32, #tpu.memory_space<vmem>>, vector<1x16xf32>,
          %get3A_49 = vector.shape_cast %get3A_48 : vector<1x16xf32> to vector<16xf32>
          %get3A_50 = arith.index_cast %scan3A_38 : i32 to index
          %get3A_51 = arith.index_cast %mul3A_46 : i32 to index
          %get3A_52 = tpu.vector_load %arg9[%get3A_50, %get3A_51] {strides = array<i32>} : memref<16x2048xf32, #tpu.memory_space<vmem>>, vector<1x16xf32>,
          %get3A_53 = vector.shape_cast %get3A_52 : vector<1x16xf32> to vector<16xf32>
          %add3A_54 = arith.addf %get3A_49, %get3A_53 : vector<16xf32>
          %get3A_55 = arith.index_cast %scan3A_38 : i32 to index
          %get3A_56 = arith.index_cast %mul3A_46 : i32 to index
          %get3A_57 = tpu.vector_load %arg10[%get3A_55, %get3A_56] {strides = array<i32>} : memref<16x2048xf32, #tpu.memory_space<vmem>>, vector<1x16xf32>,
          %get3A_58 = vector.shape_cast %get3A_57 : vector<1x16xf32> to vector<16xf32>
          %add3A_59 = arith.addf %add3A_54, %get3A_58 : vector<16xf32>
          %swap3A = arith.index_cast %scan3A_38 : i32 to index
          %swap3A_60 = arith.index_cast %mul3A_46 : i32 to index
          %swap3A_61 = tpu.vector_load %arg10[%swap3A, %swap3A_60] {strides = array<i32>} : memref<16x2048xf32, #tpu.memory_space<vmem>>, vector<1x16xf32>,
          %swap3A_62 = vector.shape_cast %swap3A_61 : vector<1x16xf32> to vector<16xf32>
          %swap3A_63 = vector.shape_cast %add3A_59 : vector<16xf32> to vector<1x16xf32>
          tpu.vector_store %arg10[%swap3A, %swap3A_60], %swap3A_63 {strides = array<i32>} : memref<16x2048xf32, #tpu.memory_space<vmem>>, vector<1x16xf32>,
        }
        %scan3A_43 = arith.constant 128 : i32
      }
      %scan3A_37 = arith.constant 16 : i32
      "tpu.region"() ({
        %run_scoped3A = tpu.sem_alloc : memref<!tpu.dma_semaphore, #tpu.memory_space<semaphore_mem>>
        %dma_start3A_38 = arith.constant 0 : i32
        %dma_start3A_39 = tpu.memref_slice %arg5[%add3A_11, %dma_start3A_38] : memref<2048x2048xf32, #tpu.memory_space<hbm>> -> memref<16x2048xf32, #tpu.memory_space<hbm>>
        %dma_start3A_40 = arith.constant 0 : i32
        %dma_start3A_41 = tpu.memref_slice %arg5[%add3A_11, %dma_start3A_40] : memref<2048x2048xf32, #tpu.memory_space<hbm>> -> memref<16x2048xf32, #tpu.memory_space<hbm>>
        tpu.enqueue_dma source(%arg10 : memref<16x2048xf32, #tpu.memory_space<vmem>>) target(%dma_start3A_41 : memref<16x2048xf32, #tpu.memory_space<hbm>>) target_semaphore(%run_scoped3A : memref<!tpu.dma_semaphore, #tpu.memory_space<semaphore_mem>>)
        %dma_wait3A_42 = arith.constant 0 : i32
        %dma_wait3A_43 = tpu.memref_slice %arg5[%add3A_11, %dma_wait3A_42] : memref<2048x2048xf32, #tpu.memory_space<hbm>> -> memref<16x2048xf32, #tpu.memory_space<hbm>>
        %dma_wait3A_44 = arith.constant 0 : i32
        %dma_wait3A_45 = tpu.memref_slice %arg5[%add3A_11, %dma_wait3A_44] : memref<2048x2048xf32, #tpu.memory_space<hbm>> -> memref<16x2048xf32, #tpu.memory_space<hbm>>
        tpu.wait_dma2 semaphore(%run_scoped3A : memref<!tpu.dma_semaphore, #tpu.memory_space<semaphore_mem>>) src(%arg10 : memref<16x2048xf32, #tpu.memory_space<vmem>>) dst(%dma_wait3A_45 : memref<16x2048xf32, #tpu.memory_space<hbm>>)
        tpu.yield
      }) : () -> ()
    }
    %scan3A_7 = arith.constant 4 : i32
    return
  }
}

module attributes {stable_mosaic.version = 14 : i64} {
  func.func @_router_kernel(%arg0: i32, %arg1: memref<256x2048xf32, #tpu.memory_space<vmem>>, %arg2: memref<2048x128xf32, #tpu.memory_space<vmem>>, %arg3: memref<1x128xf32, #tpu.memory_space<vmem>>, %arg4: memref<256x8xf32, #tpu.memory_space<vmem>>) attributes {dimension_semantics = [#tpu.dimension_semantics<arbitrary>], iteration_bounds = array<i64: 8>, scalar_prefetch = 0 : i64, scratch_operands = 0 : i64, tpu.core_type = #tpu.core_type<tc>, window_params = [{transform_indices = @transform_0, window_bounds = array<i64: 256, 2048>}, {pipeline_mode = #tpu.pipeline_mode<synchronous>, transform_indices = @transform_1, window_bounds = array<i64: 2048, 128>}, {pipeline_mode = #tpu.pipeline_mode<synchronous>, transform_indices = @transform_2, window_bounds = array<i64: 1, 128>}, {transform_indices = @transform_3, window_bounds = array<i64: 256, 8>}]} {
    %get3A = arith.constant 0 : index
    %get3A_0 = arith.constant 0 : index
    %get3A_1 = vector.load %arg1[%get3A, %get3A_0] : memref<256x2048xf32, #tpu.memory_space<vmem>>, vector<256x2048xf32>
    %get3A_2 = arith.constant 0 : index
    %get3A_3 = arith.constant 0 : index
    %get3A_4 = vector.load %arg2[%get3A_2, %get3A_3] : memref<2048x128xf32, #tpu.memory_space<vmem>>, vector<2048x128xf32>
    %dot_general3A = arith.constant dense<0.000000e+00> : vector<256x128xf32>
    %dot_general3A_5 = tpu.matmul %get3A_1, %get3A_4, %dot_general3A {dimension_numbers = #tpu.dot_dimension_numbers<[1], [0], [0], [1], [0, 0, 1, 1], [], []>, transpose_lhs_hint = false} : vector<256x2048xf32>, vector<2048x128xf32>, vector<256x128xf32> -> vector<256x128xf32>
    %get3A_6 = arith.constant 0 : index
    %get3A_7 = arith.constant 0 : index
    %get3A_8 = vector.load %arg3[%get3A_6, %get3A_7] : memref<1x128xf32, #tpu.memory_space<vmem>>, vector<1x128xf32>
    %get3A_9 = vector.shape_cast %get3A_8 : vector<1x128xf32> to vector<128xf32>
    %broadcast_in_dim3A = vector.shape_cast %get3A_9 : vector<128xf32> to vector<1x128xf32>
    %add3A = vector.broadcast %broadcast_in_dim3A : vector<1x128xf32> to vector<256x128xf32>
    %add3A_10 = arith.addf %dot_general3A_5, %add3A : vector<256x128xf32>
    %iota3A = tpu.iota {dimensions = array<i32: 1>} : vector<256x128xi32>
    %reduce_max3A = arith.constant dense<0xFF800000> : vector<256xf32>
    %reduce_max3A_11 = vector.multi_reduction <maximumf>, %add3A_10, %reduce_max3A [1] : vector<256x128xf32> to vector<256xf32>
    %broadcast_in_dim3A_12 = vector.shape_cast %reduce_max3A_11 : vector<256xf32> to vector<256x1xf32>
    %ge3A = vector.broadcast %broadcast_in_dim3A_12 : vector<256x1xf32> to vector<256x128xf32>
    %ge3A_13 = arith.cmpf oge, %add3A_10, %ge3A : vector<256x128xf32>
    %jit3A = arith.constant 1000000000 : i32
    %broadcast_in_dim3A_14 = vector.broadcast %jit3A : i32 to vector<256x128xi32>
    %select_n3A = arith.select %ge3A_13, %iota3A, %broadcast_in_dim3A_14 : vector<256x128xi1>, vector<256x128xi32>
    %reduce_min3A = arith.constant dense<2147483647> : vector<256xi32>
    %reduce_min3A_15 = vector.multi_reduction <minsi>, %select_n3A, %reduce_min3A [1] : vector<256x128xi32> to vector<256xi32>
    %broadcast_in_dim3A_16 = vector.shape_cast %reduce_min3A_15 : vector<256xi32> to vector<256x1xi32>
    %eq3A = vector.broadcast %broadcast_in_dim3A_16 : vector<256x1xi32> to vector<256x128xi32>
    %eq3A_17 = arith.cmpi eq, %iota3A, %eq3A : vector<256x128xi32>
    %jit3A_18 = arith.constant 0xFF800000 : f32
    %broadcast_in_dim3A_19 = vector.broadcast %jit3A_18 : f32 to vector<256x128xf32>
    %select_n3A_20 = arith.select %eq3A_17, %broadcast_in_dim3A_19, %add3A_10 : vector<256x128xi1>, vector<256x128xf32>
    %reduce_max3A_21 = arith.constant dense<0xFF800000> : vector<256xf32>
    %reduce_max3A_22 = vector.multi_reduction <maximumf>, %select_n3A_20, %reduce_max3A_21 [1] : vector<256x128xf32> to vector<256xf32>
    %broadcast_in_dim3A_23 = vector.shape_cast %reduce_max3A_22 : vector<256xf32> to vector<256x1xf32>
    %ge3A_24 = vector.broadcast %broadcast_in_dim3A_23 : vector<256x1xf32> to vector<256x128xf32>
    %ge3A_25 = arith.cmpf oge, %select_n3A_20, %ge3A_24 : vector<256x128xf32>
    %jit3A_26 = arith.constant 1000000000 : i32
    %broadcast_in_dim3A_27 = vector.broadcast %jit3A_26 : i32 to vector<256x128xi32>
    %select_n3A_28 = arith.select %ge3A_25, %iota3A, %broadcast_in_dim3A_27 : vector<256x128xi1>, vector<256x128xi32>
    %reduce_min3A_29 = arith.constant dense<2147483647> : vector<256xi32>
    %reduce_min3A_30 = vector.multi_reduction <minsi>, %select_n3A_28, %reduce_min3A_29 [1] : vector<256x128xi32> to vector<256xi32>
    %broadcast_in_dim3A_31 = vector.shape_cast %reduce_min3A_30 : vector<256xi32> to vector<256x1xi32>
    %sub3A = arith.subf %broadcast_in_dim3A_12, %broadcast_in_dim3A_23 : vector<256x1xf32>
    %logistic3A = arith.negf %sub3A : vector<256x1xf32>
    %logistic3A_32 = math.exp %logistic3A : vector<256x1xf32>
    %logistic3A_33 = arith.constant 1.000000e+00 : f32
    %logistic3A_34 = vector.broadcast %logistic3A_33 : f32 to vector<256x1xf32>
    %logistic3A_35 = arith.addf %logistic3A_34, %logistic3A_32 : vector<256x1xf32>
    %logistic3A_36 = arith.divf %logistic3A_34, %logistic3A_35 : vector<256x1xf32>
    %sub3A_37 = arith.subf %broadcast_in_dim3A_23, %broadcast_in_dim3A_12 : vector<256x1xf32>
    %logistic3A_38 = arith.negf %sub3A_37 : vector<256x1xf32>
    %logistic3A_39 = math.exp %logistic3A_38 : vector<256x1xf32>
    %logistic3A_40 = arith.constant 1.000000e+00 : f32
    %logistic3A_41 = vector.broadcast %logistic3A_40 : f32 to vector<256x1xf32>
    %logistic3A_42 = arith.addf %logistic3A_41, %logistic3A_39 : vector<256x1xf32>
    %logistic3A_43 = arith.divf %logistic3A_41, %logistic3A_42 : vector<256x1xf32>
    %eq3A_44 = arith.constant 0 : i32
    %eq3A_45 = vector.broadcast %eq3A_44 : i32 to vector<256x128xi32>
    %eq3A_46 = arith.cmpi eq, %iota3A, %eq3A_45 : vector<256x128xi32>
    %convert_element_type3A = arith.sitofp %broadcast_in_dim3A_16 : vector<256x1xi32> to vector<256x1xf32>
    %jit3A_47 = arith.constant 0.000000e+00 : f32
    %broadcast_in_dim3A_48 = vector.shape_cast %convert_element_type3A : vector<256x1xf32> to vector<256x1xf32>
    %broadcast_in_dim3A_49 = vector.broadcast %broadcast_in_dim3A_48 : vector<256x1xf32> to vector<256x128xf32>
    %broadcast_in_dim3A_50 = vector.broadcast %jit3A_47 : f32 to vector<256x128xf32>
    %select_n3A_51 = arith.select %eq3A_46, %broadcast_in_dim3A_49, %broadcast_in_dim3A_50 : vector<256x128xi1>, vector<256x128xf32>
    %eq3A_52 = arith.constant 1 : i32
    %eq3A_53 = vector.broadcast %eq3A_52 : i32 to vector<256x128xi32>
    %eq3A_54 = arith.cmpi eq, %iota3A, %eq3A_53 : vector<256x128xi32>
    %convert_element_type3A_55 = arith.sitofp %broadcast_in_dim3A_31 : vector<256x1xi32> to vector<256x1xf32>
    %jit3A_56 = arith.constant 0.000000e+00 : f32
    %broadcast_in_dim3A_57 = vector.shape_cast %convert_element_type3A_55 : vector<256x1xf32> to vector<256x1xf32>
    %broadcast_in_dim3A_58 = vector.broadcast %broadcast_in_dim3A_57 : vector<256x1xf32> to vector<256x128xf32>
    %broadcast_in_dim3A_59 = vector.broadcast %jit3A_56 : f32 to vector<256x128xf32>
    %select_n3A_60 = arith.select %eq3A_54, %broadcast_in_dim3A_58, %broadcast_in_dim3A_59 : vector<256x128xi1>, vector<256x128xf32>
    %add3A_61 = arith.addf %select_n3A_51, %select_n3A_60 : vector<256x128xf32>
    %eq3A_62 = arith.constant 2 : i32
    %eq3A_63 = vector.broadcast %eq3A_62 : i32 to vector<256x128xi32>
    %eq3A_64 = arith.cmpi eq, %iota3A, %eq3A_63 : vector<256x128xi32>
    %jit3A_65 = arith.constant 0.000000e+00 : f32
    %broadcast_in_dim3A_66 = vector.shape_cast %logistic3A_36 : vector<256x1xf32> to vector<256x1xf32>
    %broadcast_in_dim3A_67 = vector.broadcast %broadcast_in_dim3A_66 : vector<256x1xf32> to vector<256x128xf32>
    %broadcast_in_dim3A_68 = vector.broadcast %jit3A_65 : f32 to vector<256x128xf32>
    %select_n3A_69 = arith.select %eq3A_64, %broadcast_in_dim3A_67, %broadcast_in_dim3A_68 : vector<256x128xi1>, vector<256x128xf32>
    %add3A_70 = arith.addf %add3A_61, %select_n3A_69 : vector<256x128xf32>
    %eq3A_71 = arith.constant 3 : i32
    %eq3A_72 = vector.broadcast %eq3A_71 : i32 to vector<256x128xi32>
    %eq3A_73 = arith.cmpi eq, %iota3A, %eq3A_72 : vector<256x128xi32>
    %jit3A_74 = arith.constant 0.000000e+00 : f32
    %broadcast_in_dim3A_75 = vector.shape_cast %logistic3A_43 : vector<256x1xf32> to vector<256x1xf32>
    %broadcast_in_dim3A_76 = vector.broadcast %broadcast_in_dim3A_75 : vector<256x1xf32> to vector<256x128xf32>
    %broadcast_in_dim3A_77 = vector.broadcast %jit3A_74 : f32 to vector<256x128xf32>
    %select_n3A_78 = arith.select %eq3A_73, %broadcast_in_dim3A_76, %broadcast_in_dim3A_77 : vector<256x128xi1>, vector<256x128xf32>
    %add3A_79 = arith.addf %add3A_70, %select_n3A_78 : vector<256x128xf32>
    %slice3A = vector.extract_strided_slice %add3A_79 {offsets = [0, 0], sizes = [256, 8], strides = [1, 1]} : vector<256x128xf32> to vector<256x8xf32>
    %swap3A = arith.constant 0 : index
    %swap3A_80 = arith.constant 0 : index
    %swap3A_81 = vector.load %arg4[%swap3A, %swap3A_80] : memref<256x8xf32, #tpu.memory_space<vmem>>, vector<256x8xf32>
    tpu.vector_store %arg4[%swap3A, %swap3A_80], %slice3A {strides = array<i32>} : memref<256x8xf32, #tpu.memory_space<vmem>>, vector<256x8xf32>,
    return
  }
  func.func @transform_0(%arg0: i32) -> (i32, i32) {
    %c0_i32 = arith.constant 0 : i32
    %c0_i32_0 = arith.constant 0 : i32
    return %arg0, %c0_i32 : i32, i32
  }
  func.func @transform_1(%arg0: i32) -> (i32, i32) {
    %c0_i32 = arith.constant 0 : i32
    %c0_i32_0 = arith.constant 0 : i32
    %c0_i32_1 = arith.constant 0 : i32
    return %c0_i32, %c0_i32_0 : i32, i32
  }
  func.func @transform_2(%arg0: i32) -> (i32, i32) {
    %c0_i32 = arith.constant 0 : i32
    %c0_i32_0 = arith.constant 0 : i32
    %c0_i32_1 = arith.constant 0 : i32
    return %c0_i32, %c0_i32_0 : i32, i32
  }
  func.func @transform_3(%arg0: i32) -> (i32, i32) {
    %c0_i32 = arith.constant 0 : i32
    %c0_i32_0 = arith.constant 0 : i32
    return %arg0, %c0_i32 : i32, i32
  }
}

module attributes {stable_mosaic.version = 14 : i64} {
  func.func @_mlp1_kernel(%arg0: i32, %arg1: memref<64xi32, #tpu.memory_space<smem>>, %arg2: memref<9x5xf32, #tpu.memory_space<smem>>, %arg3: memref<128x2048xf32, #tpu.memory_space<vmem>>, %arg4: memref<1x2048x2816xbf16, #tpu.memory_space<vmem>>, %arg5: memref<1x1x2816xf32, #tpu.memory_space<vmem>>, %arg6: memref<128x2816xbf16, #tpu.memory_space<vmem>>) attributes {dimension_semantics = [#tpu.dimension_semantics<arbitrary>], iteration_bounds = array<i64: 56>, scalar_prefetch = 2 : i64, scratch_operands = 0 : i64, tpu.core_type = #tpu.core_type<tc>, window_params = [{transform_indices = @transform_0, window_bounds = array<i64: 128, 2048>}, {transform_indices = @transform_1, window_bounds = array<i64: 1, 2048, 2816>}, {transform_indices = @transform_2, window_bounds = array<i64: 1, 1, 2816>}, {transform_indices = @transform_3, window_bounds = array<i64: 128, 2816>}]} {
    %get3A = arith.index_cast %arg0 : i32 to index
    %get3A_0 = memref.load %arg1[%get3A] : memref<64xi32, #tpu.memory_space<smem>>
    %get3A_1 = arith.constant 0 : index
    %get3A_2 = arith.constant 0 : index
    %get3A_3 = vector.load %arg3[%get3A_1, %get3A_2] : memref<128x2048xf32, #tpu.memory_space<vmem>>, vector<128x2048xf32>
    %convert_element_type3A = arith.truncf %get3A_3 : vector<128x2048xf32> to vector<128x2048xbf16>
    %get3A_4 = arith.constant 0 : index
    %get3A_5 = arith.constant 0 : index
    %get3A_6 = arith.constant 0 : index
    %get3A_7 = vector.load %arg4[%get3A_4, %get3A_5, %get3A_6] : memref<1x2048x2816xbf16, #tpu.memory_space<vmem>>, vector<1x2048x2816xbf16>
    %get3A_8 = vector.shape_cast %get3A_7 : vector<1x2048x2816xbf16> to vector<2048x2816xbf16>
    %dot_general3A = arith.constant dense<0.000000e+00> : vector<128x2816xf32>
    %dot_general3A_9 = tpu.matmul %convert_element_type3A, %get3A_8, %dot_general3A {dimension_numbers = #tpu.dot_dimension_numbers<[1], [0], [0], [1], [0, 0, 1, 1], [], []>, transpose_lhs_hint = false} : vector<128x2048xbf16>, vector<2048x2816xbf16>, vector<128x2816xf32> -> vector<128x2816xf32>
    %get3A_10 = arith.constant 0 : index
    %get3A_11 = arith.constant 0 : index
    %get3A_12 = arith.constant 0 : index
    %get3A_13 = vector.load %arg5[%get3A_10, %get3A_11, %get3A_12] : memref<1x1x2816xf32, #tpu.memory_space<vmem>>, vector<1x1x2816xf32>
    %get3A_14 = vector.shape_cast %get3A_13 : vector<1x1x2816xf32> to vector<2816xf32>
    %broadcast_in_dim3A = vector.shape_cast %get3A_14 : vector<2816xf32> to vector<1x2816xf32>
    %add3A = vector.broadcast %broadcast_in_dim3A : vector<1x2816xf32> to vector<128x2816xf32>
    %add3A_15 = arith.addf %dot_general3A_9, %add3A : vector<128x2816xf32>
    %roll3A = arith.constant 2815 : i32
    %roll3A_16 = tpu.dynamic_rotate %add3A_15 by %roll3A dim 1 : vector<128x2816xf32>, i32 -> vector<128x2816xf32>
    %get3A_17 = arith.index_cast %get3A_0 : i32 to index
    %get3A_18 = arith.constant 0 : index
    %get3A_19 = memref.load %arg2[%get3A_17, %get3A_18] : memref<9x5xf32, #tpu.memory_space<smem>>
    %get3A_20 = arith.index_cast %get3A_0 : i32 to index
    %get3A_21 = arith.constant 1 : index
    %get3A_22 = memref.load %arg2[%get3A_20, %get3A_21] : memref<9x5xf32, #tpu.memory_space<smem>>
    %get3A_23 = arith.index_cast %get3A_0 : i32 to index
    %get3A_24 = arith.constant 2 : index
    %get3A_25 = memref.load %arg2[%get3A_23, %get3A_24] : memref<9x5xf32, #tpu.memory_space<smem>>
    %get3A_26 = arith.index_cast %get3A_0 : i32 to index
    %get3A_27 = arith.constant 3 : index
    %get3A_28 = memref.load %arg2[%get3A_26, %get3A_27] : memref<9x5xf32, #tpu.memory_space<smem>>
    %broadcast_in_dim3A_29 = vector.broadcast %get3A_28 : f32 to vector<128x2816xf32>
    %exp3A = math.exp %broadcast_in_dim3A_29 : vector<128x2816xf32>
    %log1p3A = math.log1p %exp3A : vector<128x2816xf32>
    %get3A_30 = arith.index_cast %get3A_0 : i32 to index
    %get3A_31 = arith.constant 4 : index
    %get3A_32 = memref.load %arg2[%get3A_30, %get3A_31] : memref<9x5xf32, #tpu.memory_space<smem>>
    %broadcast_in_dim3A_33 = vector.broadcast %get3A_32 : f32 to vector<128x2816xf32>
    %exp3A_34 = math.exp %broadcast_in_dim3A_33 : vector<128x2816xf32>
    %log1p3A_35 = math.log1p %exp3A_34 : vector<128x2816xf32>
    %neg3A = arith.constant 0.000000e+00 : f32
    %neg3A_36 = vector.broadcast %neg3A : f32 to vector<128x2816xf32>
    %neg3A_37 = arith.subf %neg3A_36, %log1p3A : vector<128x2816xf32>
    %max3A = arith.maximumf %neg3A_37, %add3A_15 : vector<128x2816xf32>
    %min3A = arith.minimumf %log1p3A, %max3A : vector<128x2816xf32>
    %neg3A_38 = arith.constant 0.000000e+00 : f32
    %neg3A_39 = vector.broadcast %neg3A_38 : f32 to vector<128x2816xf32>
    %neg3A_40 = arith.subf %neg3A_39, %log1p3A_35 : vector<128x2816xf32>
    %max3A_41 = arith.maximumf %neg3A_40, %roll3A_16 : vector<128x2816xf32>
    %min3A_42 = arith.minimumf %log1p3A_35, %max3A_41 : vector<128x2816xf32>
    %mul3A = vector.broadcast %get3A_19 : f32 to vector<128x2816xf32>
    %mul3A_43 = arith.mulf %min3A, %mul3A : vector<128x2816xf32>
    %logistic3A = arith.negf %mul3A_43 : vector<128x2816xf32>
    %logistic3A_44 = math.exp %logistic3A : vector<128x2816xf32>
    %logistic3A_45 = arith.constant 1.000000e+00 : f32
    %logistic3A_46 = vector.broadcast %logistic3A_45 : f32 to vector<128x2816xf32>
    %logistic3A_47 = arith.addf %logistic3A_46, %logistic3A_44 : vector<128x2816xf32>
    %logistic3A_48 = arith.divf %logistic3A_46, %logistic3A_47 : vector<128x2816xf32>
    %mul3A_49 = arith.mulf %min3A, %logistic3A_48 : vector<128x2816xf32>
    %mul3A_50 = vector.broadcast %get3A_22 : f32 to vector<128x2816xf32>
    %mul3A_51 = arith.mulf %mul3A_49, %mul3A_50 : vector<128x2816xf32>
    %add3A_52 = vector.broadcast %get3A_25 : f32 to vector<128x2816xf32>
    %add3A_53 = arith.addf %min3A_42, %add3A_52 : vector<128x2816xf32>
    %mul3A_54 = arith.mulf %mul3A_51, %add3A_53 : vector<128x2816xf32>
    %iota3A = tpu.iota {dimensions = array<i32: 1>} : vector<128x2816xi32>
    %jit3A = arith.constant 2 : i32
    %eq3A = arith.constant 0 : i32
    %eq3A_55 = arith.cmpi eq, %jit3A, %eq3A : i32
    %jit3A_56 = arith.constant 1 : i32
    %select_n3A = arith.select %eq3A_55, %jit3A_56, %jit3A : i32
    %rem3A = vector.broadcast %select_n3A : i32 to vector<128x2816xi32>
    %rem3A_57 = arith.remsi %iota3A, %rem3A : vector<128x2816xi32>
    %ne3A = arith.constant 0 : i32
    %ne3A_58 = vector.broadcast %ne3A : i32 to vector<128x2816xi32>
    %ne3A_59 = arith.cmpi ne, %rem3A_57, %ne3A_58 : vector<128x2816xi32>
    %lt3A = arith.constant 0 : i32
    %lt3A_60 = vector.broadcast %lt3A : i32 to vector<128x2816xi32>
    %lt3A_61 = arith.cmpi slt, %rem3A_57, %lt3A_60 : vector<128x2816xi32>
    %lt3A_62 = arith.constant 0 : i32
    %lt3A_63 = arith.cmpi slt, %select_n3A, %lt3A_62 : i32
    %ne3A_64 = vector.broadcast %lt3A_63 : i1 to vector<128x2816xi1>
    %ne3A_65 = vector.broadcast %ne3A_64 : vector<128x2816xi1> to vector<128x2816xi1>
    %ne3A_66 = arith.xori %lt3A_61, %ne3A_65 : vector<128x2816xi1>
    %and3A = arith.andi %ne3A_66, %ne3A_59 : vector<128x2816xi1>
    %add3A_67 = vector.broadcast %select_n3A : i32 to vector<128x2816xi32>
    %add3A_68 = arith.addi %rem3A_57, %add3A_67 : vector<128x2816xi32>
    %select_n3A_69 = arith.select %and3A, %add3A_68, %rem3A_57 : vector<128x2816xi1>, vector<128x2816xi32>
    %eq3A_70 = arith.constant 0 : i32
    %eq3A_71 = vector.broadcast %eq3A_70 : i32 to vector<128x2816xi32>
    %eq3A_72 = arith.cmpi eq, %select_n3A_69, %eq3A_71 : vector<128x2816xi32>
    %jit3A_73 = arith.constant 0.000000e+00 : f32
    %broadcast_in_dim3A_74 = vector.broadcast %jit3A_73 : f32 to vector<128x2816xf32>
    %select_n3A_75 = arith.select %eq3A_72, %mul3A_54, %broadcast_in_dim3A_74 : vector<128x2816xi1>, vector<128x2816xf32>
    %convert_element_type3A_76 = arith.truncf %select_n3A_75 : vector<128x2816xf32> to vector<128x2816xbf16>
    %swap3A = arith.constant 0 : index
    %swap3A_77 = arith.constant 0 : index
    %swap3A_78 = vector.load %arg6[%swap3A, %swap3A_77] : memref<128x2816xbf16, #tpu.memory_space<vmem>>, vector<128x2816xbf16>
    tpu.vector_store %arg6[%swap3A, %swap3A_77], %convert_element_type3A_76 {strides = array<i32>} : memref<128x2816xbf16, #tpu.memory_space<vmem>>, vector<128x2816xbf16>,
    return
  }
  func.func @transform_0(%arg0: i32, %arg1: memref<64xi32, #tpu.memory_space<smem>>, %arg2: memref<9x5xf32, #tpu.memory_space<smem>>) -> (i32, i32) {
    %c0_i32 = arith.constant 0 : i32
    %c0_i32_0 = arith.constant 0 : i32
    return %arg0, %c0_i32 : i32, i32
  }
  func.func @transform_1(%arg0: i32, %arg1: memref<64xi32, #tpu.memory_space<smem>>, %arg2: memref<9x5xf32, #tpu.memory_space<smem>>) -> (i32, i32, i32) {
    %get3A = arith.index_cast %arg0 : i32 to index
    %get3A_0 = memref.load %arg1[%get3A] : memref<64xi32, #tpu.memory_space<smem>>
    %c0_i32 = arith.constant 0 : i32
    %c0_i32_1 = arith.constant 0 : i32
    %c0_i32_2 = arith.constant 0 : i32
    return %get3A_0, %c0_i32, %c0_i32_1 : i32, i32, i32
  }
  func.func @transform_2(%arg0: i32, %arg1: memref<64xi32, #tpu.memory_space<smem>>, %arg2: memref<9x5xf32, #tpu.memory_space<smem>>) -> (i32, i32, i32) {
    %get3A = arith.index_cast %arg0 : i32 to index
    %get3A_0 = memref.load %arg1[%get3A] : memref<64xi32, #tpu.memory_space<smem>>
    %c0_i32 = arith.constant 0 : i32
    %c0_i32_1 = arith.constant 0 : i32
    %c0_i32_2 = arith.constant 0 : i32
    return %get3A_0, %c0_i32, %c0_i32_1 : i32, i32, i32
  }
  func.func @transform_3(%arg0: i32, %arg1: memref<64xi32, #tpu.memory_space<smem>>, %arg2: memref<9x5xf32, #tpu.memory_space<smem>>) -> (i32, i32) {
    %c0_i32 = arith.constant 0 : i32
    %c0_i32_0 = arith.constant 0 : i32
    return %arg0, %c0_i32 : i32, i32
  }
}

module attributes {stable_mosaic.version = 14 : i64} {
  func.func @_mlp2_kernel(%arg0: i32, %arg1: memref<64xi32, #tpu.memory_space<smem>>, %arg2: memref<128x2816xbf16, #tpu.memory_space<vmem>>, %arg3: memref<1x2816x2048xbf16, #tpu.memory_space<vmem>>, %arg4: memref<1x1x2048xf32, #tpu.memory_space<vmem>>, %arg5: memref<128x8xf32, #tpu.memory_space<vmem>>, %arg6: memref<128x2048xf32, #tpu.memory_space<vmem>>) attributes {dimension_semantics = [#tpu.dimension_semantics<arbitrary>], iteration_bounds = array<i64: 56>, scalar_prefetch = 1 : i64, scratch_operands = 0 : i64, tpu.core_type = #tpu.core_type<tc>, window_params = [{transform_indices = @transform_0, window_bounds = array<i64: 128, 2816>}, {transform_indices = @transform_1, window_bounds = array<i64: 1, 2816, 2048>}, {transform_indices = @transform_2, window_bounds = array<i64: 1, 1, 2048>}, {transform_indices = @transform_3, window_bounds = array<i64: 128, 8>}, {transform_indices = @transform_4, window_bounds = array<i64: 128, 2048>}]} {
    %get3A = arith.constant 0 : index
    %get3A_0 = arith.constant 0 : index
    %get3A_1 = vector.load %arg2[%get3A, %get3A_0] : memref<128x2816xbf16, #tpu.memory_space<vmem>>, vector<128x2816xbf16>
    %get3A_2 = arith.constant 0 : index
    %get3A_3 = arith.constant 0 : index
    %get3A_4 = arith.constant 0 : index
    %get3A_5 = vector.load %arg3[%get3A_2, %get3A_3, %get3A_4] : memref<1x2816x2048xbf16, #tpu.memory_space<vmem>>, vector<1x2816x2048xbf16>
    %get3A_6 = vector.shape_cast %get3A_5 : vector<1x2816x2048xbf16> to vector<2816x2048xbf16>
    %dot_general3A = arith.constant dense<0.000000e+00> : vector<128x2048xf32>
    %dot_general3A_7 = tpu.matmul %get3A_1, %get3A_6, %dot_general3A {dimension_numbers = #tpu.dot_dimension_numbers<[1], [0], [0], [1], [0, 0, 1, 1], [], []>, transpose_lhs_hint = false} : vector<128x2816xbf16>, vector<2816x2048xbf16>, vector<128x2048xf32> -> vector<128x2048xf32>
    %get3A_8 = arith.constant 0 : index
    %get3A_9 = arith.constant 0 : index
    %get3A_10 = arith.constant 0 : index
    %get3A_11 = vector.load %arg4[%get3A_8, %get3A_9, %get3A_10] : memref<1x1x2048xf32, #tpu.memory_space<vmem>>, vector<1x1x2048xf32>
    %get3A_12 = vector.shape_cast %get3A_11 : vector<1x1x2048xf32> to vector<2048xf32>
    %broadcast_in_dim3A = vector.shape_cast %get3A_12 : vector<2048xf32> to vector<1x2048xf32>
    %add3A = vector.broadcast %broadcast_in_dim3A : vector<1x2048xf32> to vector<128x2048xf32>
    %add3A_13 = arith.addf %dot_general3A_7, %add3A : vector<128x2048xf32>
    %get3A_14 = arith.constant 0 : index
    %get3A_15 = arith.constant 0 : index
    %get3A_16 = vector.load %arg5[%get3A_14, %get3A_15] : memref<128x8xf32, #tpu.memory_space<vmem>>, vector<128x8xf32>
    %slice3A = vector.extract_strided_slice %get3A_16 {offsets = [0, 0], sizes = [128, 1], strides = [1, 1]} : vector<128x8xf32> to vector<128x1xf32>
    %mul3A = vector.broadcast %slice3A : vector<128x1xf32> to vector<128x2048xf32>
    %mul3A_17 = arith.mulf %add3A_13, %mul3A : vector<128x2048xf32>
    %swap3A = arith.constant 0 : index
    %swap3A_18 = arith.constant 0 : index
    %swap3A_19 = vector.load %arg6[%swap3A, %swap3A_18] : memref<128x2048xf32, #tpu.memory_space<vmem>>, vector<128x2048xf32>
    tpu.vector_store %arg6[%swap3A, %swap3A_18], %mul3A_17 {strides = array<i32>} : memref<128x2048xf32, #tpu.memory_space<vmem>>, vector<128x2048xf32>,
    return
  }
  func.func @transform_0(%arg0: i32, %arg1: memref<64xi32, #tpu.memory_space<smem>>) -> (i32, i32) {
    %c0_i32 = arith.constant 0 : i32
    %c0_i32_0 = arith.constant 0 : i32
    return %arg0, %c0_i32 : i32, i32
  }
  func.func @transform_1(%arg0: i32, %arg1: memref<64xi32, #tpu.memory_space<smem>>) -> (i32, i32, i32) {
    %get3A = arith.index_cast %arg0 : i32 to index
    %get3A_0 = memref.load %arg1[%get3A] : memref<64xi32, #tpu.memory_space<smem>>
    %c0_i32 = arith.constant 0 : i32
    %c0_i32_1 = arith.constant 0 : i32
    %c0_i32_2 = arith.constant 0 : i32
    return %get3A_0, %c0_i32, %c0_i32_1 : i32, i32, i32
  }
  func.func @transform_2(%arg0: i32, %arg1: memref<64xi32, #tpu.memory_space<smem>>) -> (i32, i32, i32) {
    %get3A = arith.index_cast %arg0 : i32 to index
    %get3A_0 = memref.load %arg1[%get3A] : memref<64xi32, #tpu.memory_space<smem>>
    %c0_i32 = arith.constant 0 : i32
    %c0_i32_1 = arith.constant 0 : i32
    %c0_i32_2 = arith.constant 0 : i32
    return %get3A_0, %c0_i32, %c0_i32_1 : i32, i32, i32
  }
  func.func @transform_3(%arg0: i32, %arg1: memref<64xi32, #tpu.memory_space<smem>>) -> (i32, i32) {
    %c0_i32 = arith.constant 0 : i32
    %c0_i32_0 = arith.constant 0 : i32
    return %arg0, %c0_i32 : i32, i32
  }
  func.func @transform_4(%arg0: i32, %arg1: memref<64xi32, #tpu.memory_space<smem>>) -> (i32, i32) {
    %c0_i32 = arith.constant 0 : i32
    %c0_i32_0 = arith.constant 0 : i32
    return %arg0, %c0_i32 : i32, i32
  }
}

</mosaic_0001>

<sc_bundles>
// kernel: kernel.11.cloned.1.call-start
scs
__scs_entry_jumppad:
0x0: {  	(pc) =	sbr.rel $0x88, $3  }
0x1: {  	(tag) =	ssettag $0x0;
	lr =	simm.s32 $0x1  }
0x2: {  	[smem:$0x3F8C] =	sst lr;
	_ =	strace $0xD0000000  }
0x3: {  	_ = 	snop  }
0x4: {  	_ = 	snop  }
0x5: {  	_ = 	snop  }
0x6: {  	_ = 	snop  }
0x7: {  	_ = 	snop  }
__scs_overlays_trampoline_lowered:
0x8: {  	[smem:$0x3F9B] =	sst s0  }
0x9: {  	[smem:$0x3F9C] =	sst s1  }
0xa: {  	[smem:$0x3F9D] =	sst s2  }
0xb: {  	[smem:$0x3F9E] =	sst s3  }
0xc: {  	[smem:$0x3F9F] =	sst s4  }
0xd: {  	[smem:$0x3FA0] =	sst s5  }
0xe: {  	[smem:$0x3FA1] =	sst s6  }
0xf: {  	[smem:$0x3FA2] =	sst s7  }
0x10: {  	[smem:$0x3FA3] =	sst s8  }
0x11: {  	[smem:$0x3FA4] =	sst s9;
	s0 =	simm.s32 @!p0 $0x0  }
0x12: {  	s1 =	sld [smem:$0x3F8A];
	s0 =	simm.s32 @p0 $0x1  }
0x13: {  	[smem:$0x3FA5] =	sst s0;
	s0 =	simm.s32 @!p1 $0x0  }
0x14: {  	s2 =	sld [smem:$0x3F89];
	s0 =	simm.s32 @p1 $0x1  }
0x15: {  	[smem:$0x3FA6] =	sst s0;
	s0 =	simm.s32 @!p2 $0x0  }
0x16: {  	s3 =	sld [smem:$0x3FDB];
	s0 =	simm.s32 @p2 $0x1  }
0x17: {  	s4 =	simm.s32 $0x1BF5;
	[smem:$0x3FA8] =	sst s0  }
0x18: {  	s0 =	sld [smem:$0x3F8B];
	_ =	swait.ge [sflag:s4], $0x0  }
0x19: {  	s7 =	sld [smem:$0x3F8C]  }
0x1a: {  	s8 =	sadd.s32 $0xFFFFE003, lr  }
0x1b: {  	s9 =	sadd.s32 $0xFFFFFEF7, lr;
	s5 =	simm.s32 $0xFFFFFFFF;
	p2 =	slt.u32 s8, $0xFFFFF086  }
0x1c: {  	p1 =	slt.u32 s9, $0xF7A;
	s5 =	simm.s32 @!p2 $0x0  }
0x1d: {  	s5 =	simm.s32 @p1 $0x1;
	p0 =	seq.s32 s7, s2  }
0x1e: {  	s7 =	smul.u32 @!p0 $0xF7A, s2;
	p2 =	seq.s32 @!p0 s5, $0x0  }
0x1f: {  	s9 =	smul.u32 $0xF7A, s1;
	s8 =	simm.s32 @!p0 $0x1BF5;
	p2 =	por !p2, p0  }
0x20: {  	[sflag:s8] =	ssyncset.s32 @!p0 $0xFFFFF086;
	s6 =	sadd.s32 @!p0 s3, s7;
	s7 =	simm.s32 @!p0 $0x108  }
0x21: {  	s3 =	sadd.s32 s3, s9;
	s6 =	sadd.s32 @!p0 $0x88, s6;
	s7 =	simm.s32 @p2 $0x1082  }
0x22: {  	[simem:s7], [sflag:s8] =	dma.local @!p0 [hbm:s6], $0xF7A  }
0x23: {  	s9 =	sor.u32 $0xD0000000, s2;
	s6 =	simm.s32 $0x108;
	_ =	swait.ge @!p0 [sflag:s8], $0x0  }
0x24: {  	s3 =	sadd.s32 $0x88, s3;
	s6 =	simm.s32 @!p1 $0x1082;
	[sflag:s4] =	ssyncset.s32 $0xFFFFF086  }
0x25: {  	[simem:s6], [sflag:s4] =	dma.local [hbm:s3], $0xF7A  }
0x26: {  	[smem:$0x3F8C] =	sst s1;
	(tag) =	ssettag s2;
	_ =	strace s9  }
0x27: {  	s1 =	sld [smem:$0x3F9C]  }
0x28: {  	s2 =	sld [smem:$0x3F9D]  }
0x29: {  	s4 =	sld [smem:$0x3F9F]  }
0x2a: {  	p0 =	seq.s32 s5, $0x0;
	s5 =	sld [smem:$0x3FA0]  }
0x2b: {  	s6 =	sld [smem:$0x3FA1]  }
0x2c: {  	s7 =	sld [smem:$0x3FA2]  }
0x2d: {  	s3 =	simm.s32 $0x108;
	s8 =	sld [smem:$0x3FA3]  }
0x2e: {  	s3 =	simm.s32 @!p0 $0x1082;
	s9 =	sld [smem:$0x3FA4]  }
0x2f: {  	lr =	sadd.s32 s0, s3;
	s0 =	sld [smem:$0x3F9B]  }
0x30: {  	s3 =	sld [smem:$0x3F9E]  }
0x31: {  	[smem:$0x3FA7] =	sst s10  }
0x32: {  	s10 =	sld [smem:$0x3FA5];
	_ =	sdelay $0x3  }
0x33: {  	p0 =	seq.s32 s10, $0x1;
	s10 =	sld [smem:$0x3FA7];
	_ =	sdelay $0x3  }
0x34: {  	[smem:$0x3FA7] =	sst s10  }
0x35: {  	s10 =	sld [smem:$0x3FA6];
	_ =	sdelay $0x3  }
0x36: {  	p1 =	seq.s32 s10, $0x1;
	s10 =	sld [smem:$0x3FA7];
	_ =	sdelay $0x3  }
0x37: {  	[smem:$0x3FA7] =	sst s10  }
0x38: {  	s10 =	sld [smem:$0x3FA8]  }
0x39: {  	_ = 	snop;
	(pc) =	sbr.ind lr, $3  }
0x3a: {  	_ = 	snop  }
0x3b: {  	_ = 	snop  }
0x3c: {  	p2 =	seq.s32 s10, $0x1;
	s10 =	sld [smem:$0x3FA7]  }
0x3d: {  	_ =	shalt  }
0x3e: {  	_ =	shalt  }
0x3f: {  	_ =	shalt  }
0x40: {  	_ =	shalt  }
0x41: {  	_ =	shalt  }
0x42: {  	_ =	shalt  }
0x43: {  	_ =	shalt  }
0x44: {  	_ =	shalt  }
0x45: {  	_ =	shalt  }
0x46: {  	_ =	shalt  }
0x47: {  	_ =	shalt  }
0x48: {  	_ =	shalt  }
0x49: {  	_ =	shalt  }
0x4a: {  	_ =	shalt  }
0x4b: {  	_ =	shalt  }
0x4c: {  	_ =	shalt  }
0x4d: {  	_ =	shalt  }
0x4e: {  	_ =	shalt  }
0x4f: {  	_ =	shalt  }
0x50: {  	_ =	shalt  }
0x51: {  	_ =	shalt  }
0x52: {  	_ =	shalt  }
0x53: {  	_ =	shalt  }
0x54: {  	_ =	shalt  }
0x55: {  	_ =	shalt  }
0x56: {  	_ =	shalt  }
0x57: {  	_ =	shalt  }
0x58: {  	_ =	shalt  }
0x59: {  	_ =	shalt  }
0x5a: {  	_ =	shalt  }
0x5b: {  	_ =	shalt  }
0x5c: {  	_ =	shalt  }
0x5d: {  	_ =	shalt  }
0x5e: {  	_ =	shalt  }
0x5f: {  	_ =	shalt  }
0x60: {  	_ =	shalt  }
0x61: {  	_ =	shalt  }
0x62: {  	_ =	shalt  }
0x63: {  	_ =	shalt  }
0x64: {  	_ =	shalt  }
0x65: {  	_ =	shalt  }
0x66: {  	_ =	shalt  }
0x67: {  	_ =	shalt  }
0x68: {  	_ =	shalt  }
0x69: {  	_ =	shalt  }
0x6a: {  	_ =	shalt  }
0x6b: {  	_ =	shalt  }
0x6c: {  	_ =	shalt  }
0x6d: {  	_ =	shalt  }
0x6e: {  	_ =	shalt  }
0x6f: {  	_ =	shalt  }
0x70: {  	_ =	shalt  }
0x71: {  	_ =	shalt  }
0x72: {  	_ =	shalt  }
0x73: {  	_ =	shalt  }
0x74: {  	_ =	shalt  }
0x75: {  	_ =	shalt  }
0x76: {  	_ =	shalt  }
0x77: {  	_ =	shalt  }
0x78: {  	_ =	shalt  }
0x79: {  	_ =	shalt  }
0x7a: {  	_ =	shalt  }
0x7b: {  	_ =	shalt  }
0x7c: {  	_ =	shalt  }
0x7d: {  	_ =	shalt  }
0x7e: {  	_ =	shalt  }
0x7f: {  	_ =	shalt  }
0x80: {  	_ =	shalt  }
0x81: {  	_ =	shalt  }
0x82: {  	_ =	shalt  }
0x83: {  	_ =	shalt  }
0x84: {  	_ =	shalt  }
0x85: {  	_ =	shalt  }
0x86: {  	_ =	shalt  }
0x87: {  	_ =	shalt  }
.Lfunc_end0:
.L_simem_size_0:
called_computation.2_lowered:
.L_overlay_start_0:
0x88: {  	s2 =	sld [smem:$0x3FD9]  }
0x89: {  	s3 =	sld [smem:$0x3FFE];
	_ =	sdelay $0x1  }
0x8a: {  	s1 =	srdreg.scid  }
0x8b: {  	s0 =	sand.u32 $0x1, s1  }
0x8c: {  	s17 =	sshll.u32 s0, $0xA;
	s2 =	sadd.s32 s3, s2  }
0x8d: {  	s2 =	sadd.s32 s2, s17  }
0x8e: {  	[smem:$0x3FB3] =	sst s2  }
0x8f: {  	_ = 	snop  }
0x90: {  	s18 =	sld [smem:$0x3FC9];
	(tm) =	ssettm $0x1  }
0x91: {  	s19 =	sld [smem:$0x3FFB];
	_ =	sdelay $0x3  }
0x92: {  	_ =	strace s19  }
0x93: {  	s2 =	sld [smem:$0x3FFC];
	_ =	sdelay $0x3  }
0x94: {  	_ =	strace s2  }
0x95: {  	s2 =	sld [smem:$0x3FFD];
	_ =	sdelay $0x3  }
0x96: {  	_ =	strace s2  }
0x97: {  	_ =	strace $0x8FFFFFFF  }
0x98: {  	s20 =	sld [smem:$0x3FDB];
	_ =	sdelay $0x1  }
0x99: {  	s4 =	simm.s32 $_scs_section_size  }
0x9a: {  	s5 =	simm.s32 $_size__tile_overlayer_lowered;
	s6 =	simm.s32 $_tile_overlayer_lowered  }
0x9b: {  	s7 =	simm.s32 $0x1BFF;
	s21 =	sshll.u32 s6, $0x1;
	s4 =	sadd.s32 s4, s20  }
0x9c: {  	s22 =	simm.s32 $0x0;
	s5 =	sshll.u32 s5, $0x1;
	s6 =	sadd.s32 s21, s4  }
0x9d: {  	[timem:s22], [sflag:s7] =	dma.local [hbm:s6], s5  }
0x9e: {  	_ =	swait.ge [sflag:s7], s5  }
0x9f: {  	s5 =	ssub.s32 $0x0, s5;
	[sflag:s7] =	ssyncset.done $0x0  }
0xa0: {  	[sflag:s7] =	ssyncadd.s32 s5;
	_ =	sdelay $0x1  }
0xa1: {  	s23 =	simm.s32 $0x1B8B  }
0xa2: {  	_ =	swait.ge [sflag:s23], $0x1  }
0xa3: {  	[sflag:s23] =	ssyncset.done $0x0  }
0xa4: {  	[sflag:s23] =	ssyncadd.s32 $0xFFFFFFFF  }
0xa5: {  	s5 =	sld [smem:$0x0]  }
0xa6: {  	s6 =	sand.u32 $0xFFFFFFFE, s1  }
0xa7: {  	p0 =	sne.s32 s1, s6  }
0xa8: {  	s6 =	sshll.u32 @p0 s6, $0xE  }
0xa9: {  	s6 =	sadd.s32 @p0 $0x11B8D, s6;
	s7 =	sshll.u32 @p0 s5, $0x11  }
0xaa: {  	s6 =	sor.u32 @p0 s7, s6  }
0xab: {  	[sflag:s6] =	ssyncadd.remote.s32 @p0 $0x1;
	_ =	sdelay $0x1  }
0xac: {  	s6 =	simm.s32 @p0 $0x1B8D  }
0xad: {  	_ =	swait.eq @p0 [sflag:s6], $0x1  }
0xae: {  	[sflag:s6] =	ssyncadd.s32 @p0 $0xFFFFFFFF  }
0xaf: {  	s7 =	sshll.u32 @!p0 s1, $0xE  }
0xb0: {  	s7 =	sor.u32 @!p0 $0x4000, s7;
	s6 =	simm.s32 @!p0 $0x1B8D  }
0xb1: {  	s5 =	sshll.u32 @!p0 s5, $0x11;
	s7 =	sadd.s32 @!p0 $0x11B8D, s7;
	_ =	swait.eq @!p0 [sflag:s6], $0x1  }
0xb2: {  	s5 =	sor.u32 @!p0 s5, s7;
	[sflag:s6] =	ssyncadd.s32 @!p0 $0xFFFFFFFF  }
0xb3: {  	s25 =	simm.s32 $0x1B8E;
	s24 =	sld [smem:$0x3FFE];
	[sflag:s5] =	ssyncadd.remote.s32 @!p0 $0x1  }
0xb4: {  	s26 =	simm.s32 $execute0_lowered;
	[smem:$0x3FD2] =	sst s25  }
0xb5: {  	s6 =	sshll.u32 s26, $0x1;
	_ =	strace $0x8000004C;
	[dreg:$0x1] =	wrdreg $0xFFFFFFFF  }
0xb6: {  	s28 =	simm.s32 $_size_execute0_lowered;
	s4 =	sadd.s32 s4, s6;
	[dreg:$0x0] =	wrdreg $0x0  }
0xb7: {  	s6 =	sshll.u32 s28, $0x1;
	[dreg:$0x2] =	wrdreg s4  }
0xb8: {  	[dreg:$0x3] =	wrdreg s6  }
0xb9: {  	[dreg:$0x4] =	wrdreg $0xC0  }
0xba: {  	_ =	task [dreg:s22], $0x5FFFF  }
0xbb: {  	[dreg:$0x1] =	wrdreg $0xFFFFFFFF  }
0xbc: {  	[dreg:$0x0] =	wrdreg $0x60  }
0xbd: {  	[dreg:$0x2] =	wrdreg s18  }
0xbe: {  	[dreg:$0x3] =	wrdreg s24  }
0xbf: {  	[dreg:$0x4] =	wrdreg $0xA  }
0xc0: {  	_ =	task.clear_ibuf [dreg:s22], $0x5FFFF;
	_ =	strace $0x9000004C  }
0xc1: {  	s29 =	simm.s32 $0xA;
	_ =	strace $0x8000004E  }
0xc2: {  	_ =	swait.ge [sflag:s29], $0x1  }
0xc3: {  	[sflag:s29] =	ssyncadd.s32 $0xFFFFFFFF  }
0xc4: {  	_ =	strace $0x9000004E  }
0xc5: {  	_ =	sfence  }
0xc6: {  	s30 =	sld [smem:$0x0];
	_ =	sdelay $0x2  }
0xc7: {  	s31 =	sshll.u32 s1, $0xD;
	s1 =	sshrl.u32 s1, $0x2  }
0xc8: {  	s4 =	sand.u32 $0x4000, s31;
	s1 =	sadd.s32 s1, s30  }
0xc9: {  	s0 =	sor.u32 s4, s0;
	s1 =	sshll.u32 s1, $0x11  }
0xca: {  	s0 =	sor.u32 s1, s0  }
0xcb: {  	s0 =	sadd.s32 $0x8F2B, s0  }
0xcc: {  	[sflag:s0] =	ssyncadd.remote.s32 $0x1  }
0xcd: {  	_ =	sfence.sel $0xFFFF  }
0xce: {  	[dreg:$0x0] =	wrdreg $0xFFFFFFFF;
	(pc) =	sbr.abs _section_cstart, $3  }
0xcf: {  	[dreg:$0x1] =	wrdreg $0xFFFFFFFF  }
0xd0: {  	_ =	task.clear_ibuf [dreg:s22], $0x2FFFF;
	_ =	strace $0x9FFFFFFF  }
0xd1: {  	(tm) =	ssettm $0x7FFFFFFF  }
tec
execute0_lowered:
.L_overlay_start_1:
0x0: {  	(tag) =	ssettag $0x1  }
0x1: {  	s0 =	srdreg.scid;
	s5 =	stileid.u32  }
0x2: {  	s2 =	rddreg [dreg:$0x0];
	s0 =	sand.u32 $0x1, s0;
	s1 =	smul.u32 $0x1C0, s5  }
0x3: {  	s4 =	rddreg [dreg:$0x1];
	s3 =	smul.u32 $0xE0, s0  }
0x4: {  	s7 =	simm.s32 $0x880;
	s8 =	simm.s32 $0x1080;
	s10 =	simm.s32 $0x1880  }
0x5: {  	s13 =	simm.s32 $0x2080;
	s1 =	sadd.s32 s3, s1;
	s3 =	simm.s32 $0x0  }
0x6: {  	s14 =	simm.s32 $0x2880;
	s15 =	simm.s32 $0x3080;
	[smem:$0x7FF] =	sst s3  }
0x7: {  	s16 =	simm.s32 $0x3880;
	_ =	strace $0x8000004D;
	[dreg:$0x4] =	wrdreg s7  }
0x8: {  	s17 =	simm.s32 $0x4080;
	s18 =	simm.s32 $0x4880;
	[dreg:$0x5] =	wrdreg s8  }
0x9: {  	s19 =	simm.s32 $0x5080;
	s20 =	simm.s32 $0x5880;
	[dreg:$0x6] =	wrdreg s10  }
0xa: {  	s21 =	simm.s32 $0x6080;
	s22 =	simm.s32 $0x6880;
	[dreg:$0x7] =	wrdreg s13  }
0xb: {  	s23 =	simm.s32 $0x7080;
	s24 =	simm.s32 $0x7880;
	[dreg:$0x8] =	wrdreg s14  }
0xc: {  	s25 =	simm.s32 $0x8080;
	s26 =	simm.s32 $0x8880;
	[dreg:$0x9] =	wrdreg s15  }
0xd: {  	s28 =	simm.s32 $0xF080;
	s29 =	simm.s32 $0xF880;
	[dreg:$0xa] =	wrdreg s16  }
0xe: {  	s30 =	simm.s32 $0x1;
	s31 =	simm.s32 $0x0;
	[dreg:$0xb] =	wrdreg s17  }
0xf: {  	s5 =	smul.u32 $0x1C000, s5;
	s9 =	ssub.s32 $0x2, s0;
	[dreg:$0xc] =	wrdreg s18  }
0x10: {  	s6 =	sadd.s32 $0x300, s2;
	s11 =	sshrl.u32 s9, $0x1;
	[dreg:$0xd] =	wrdreg s19  }
0x11: {  	s0 =	smul.u32 $0xE000, s0;
	s11 =	ssub.s32 s9, s11;
	[dreg:$0xe] =	wrdreg s20  }
0x12: {  	s12 =	sadd.s32 s5, s4;
	s11 =	smax.u32 s11, $0x1;
	[dreg:$0xf] =	wrdreg s21  }
0x13: {  	s5 =	sadd.s32 $0x200, s2;
	s9 =	sadd.s32 $0x600, s2;
	[dreg:$0x15] =	wrdreg s11  }
0x14: {  	s0 =	sadd.s32 s0, s12;
	s1 =	sshrl.u32 s1, $0x3;
	[dreg:$0x10] =	wrdreg s22  }
0x15: {  	s0 =	sadd.s32 $0x608000, s0;
	s1 =	sadd.s32 s1, s4;
	[dreg:$0x11] =	wrdreg s23  }
0x16: {  	s4 =	sadd.s32 $0x100, s2;
	s7 =	sadd.s32 $0x400, s2;
	[dreg:$0x16] =	wrdreg s0  }
0x17: {  	s8 =	sadd.s32 $0x500, s2;
	s10 =	sadd.s32 $0x700, s2;
	[dreg:$0x12] =	wrdreg s24  }
0x18: {  	s13 =	simm.s32 $0x2;
	[dreg:$0x13] =	wrdreg s25;
	s14 =	simm.s32 $0x80  }
0x19: {  	[dreg:$0x14] =	wrdreg s26;
	s15 =	simm.s32 $0x9080;
	s16 =	simm.s32 $0x9880  }
0x1a: {  	s17 =	simm.s32 $0xA080;
	s18 =	simm.s32 $0xA880;
	s19 =	simm.s32 $0xB080  }
0x1b: {  	v2 =	vlaneseq.u32;
	s20 =	simm.s32 $0xB880;
	s21 =	simm.s32 $0xC080;
	s22 =	simm.s32 $0xC880  }
0x1c: {  	vm0 =	vmmov $0xffff;
	v1 =	vshrl.u32 v2, $0x3;
	s23 =	simm.s32 $0xD080;
	s24 =	simm.s32 $0xD880;
	s1 =	sadd.s32 $0x3600, s1  }
0x1d: {  	v0 =	vand.u32 $0x7, v2;
	v2 =	vor.u32 $0x8, v2;
	v1 =	vmul.u32 $0x8, v1;
	s25 =	simm.s32 $0xE080;
	s26 =	simm.s32 $0xE880;
	[dreg:$0x3] =	wrdreg s1  }
.LBB2_1:
0x1e: {  	s12 =	rddreg [dreg:$0x16];
	s0 =	simm.s32 $0x0  }
.LBB2_2:
0x1f: {  	s11 =	rddreg [dreg:$0x3]  }
0x20: {  	s11 =	sadd.s32 s0, s11  }
0x21: {  	[tilespmem:s3], [sflag:$0x2] =	stream.linear.gather [hbm4b:s11+s3], $0x20, $0x38;
	[tilespmem:$0x10080] =	vst v63  }
0x22: {  	_ =	swait.ge [sflag:s13], $0x20  }
0x23: {  	[sflag:s13] =	ssyncset.done $0x0  }
0x24: {  	[sflag:s13] =	ssyncadd.s32 $0xFFFFFFE0  }
0x25: {  	v3 =	vld [tilespmem:$0x0];
	_ =	sdelay $0x4  }
0x26: {  	v4 =	vshll.u32 v3, $0x4  }
0x27: {  	v3 =	vand.u32 $0x7, v3;
	v4 =	vand.u32 $0xFFFFFF80, v4  }
0x28: {  	v3 =	vor.u32 v3, v4  }
0x29: {  	v4 =	vperm.xlane v3, v0;
	_ =	sdelay $0x1  }
0x2a: {  	v4 =	vadd.s32 v1, v4;
	_ =	sdelay $0x4  }
0x2b: {  	[tilespmem:s14], [sflag:$0x1] =	stream.indirect_vreg.gather [hbm4b:s2+s3], $0x80, v4, vm0, $0xb8;
	[tilespmem:$0x10080] =	vst v63  }
0x2c: {  	s11 =	rddreg [dreg:$0x4]  }
0x2d: {  	[tilespmem:s11], [sflag:$0x1] =	stream.indirect_vreg.gather [hbm4b:s4+s3], $0x80, v4, vm0, $0xb8;
	[tilespmem:$0x10080] =	vst v63  }
0x2e: {  	s1 =	rddreg [dreg:$0x5]  }
0x2f: {  	[tilespmem:s1], [sflag:$0x1] =	stream.indirect_vreg.gather [hbm4b:s5+s3], $0x80, v4, vm0, $0xb8;
	[tilespmem:$0x10080] =	vst v63  }
0x30: {  	s11 =	rddreg [dreg:$0x6]  }
0x31: {  	[tilespmem:s11], [sflag:$0x1] =	stream.indirect_vreg.gather [hbm4b:s6+s3], $0x80, v4, vm0, $0xb8;
	[tilespmem:$0x10080] =	vst v63  }
0x32: {  	s1 =	rddreg [dreg:$0x7]  }
0x33: {  	[tilespmem:s1], [sflag:$0x1] =	stream.indirect_vreg.gather [hbm4b:s7+s3], $0x80, v4, vm0, $0xb8;
	[tilespmem:$0x10080] =	vst v63  }
0x34: {  	v3 =	vperm.xlane v3, v2;
	s11 =	rddreg [dreg:$0x8]  }
0x35: {  	[tilespmem:s11], [sflag:$0x1] =	stream.indirect_vreg.gather [hbm4b:s8+s3], $0x80, v4, vm0, $0xb8;
	[tilespmem:$0x10080] =	vst v63  }
0x36: {  	v3 =	vadd.s32 v1, v3;
	s1 =	rddreg [dreg:$0x9]  }
0x37: {  	[tilespmem:s1], [sflag:$0x1] =	stream.indirect_vreg.gather [hbm4b:s9+s3], $0x80, v4, vm0, $0xb8;
	[tilespmem:$0x10080] =	vst v63  }
0x38: {  	s11 =	rddreg [dreg:$0xa]  }
0x39: {  	[tilespmem:s11], [sflag:$0x1] =	stream.indirect_vreg.gather [hbm4b:s10+s3], $0x80, v4, vm0, $0xb8;
	[tilespmem:$0x10080] =	vst v63  }
0x3a: {  	s1 =	rddreg [dreg:$0xb]  }
0x3b: {  	[tilespmem:s1], [sflag:$0x1] =	stream.indirect_vreg.gather [hbm4b:s2+s3], $0x80, v3, vm0, $0xb8;
	[tilespmem:$0x10080] =	vst v63  }
0x3c: {  	s11 =	rddreg [dreg:$0xc]  }
0x3d: {  	[tilespmem:s11], [sflag:$0x1] =	stream.indirect_vreg.gather [hbm4b:s4+s3], $0x80, v3, vm0, $0xb8;
	[tilespmem:$0x10080] =	vst v63  }
0x3e: {  	s1 =	rddreg [dreg:$0xd]  }
0x3f: {  	[tilespmem:s1], [sflag:$0x1] =	stream.indirect_vreg.gather [hbm4b:s5+s3], $0x80, v3, vm0, $0xb8;
	[tilespmem:$0x10080] =	vst v63  }
0x40: {  	s11 =	rddreg [dreg:$0xe]  }
0x41: {  	[tilespmem:s11], [sflag:$0x1] =	stream.indirect_vreg.gather [hbm4b:s6+s3], $0x80, v3, vm0, $0xb8;
	[tilespmem:$0x10080] =	vst v63  }
0x42: {  	s1 =	rddreg [dreg:$0xf]  }
0x43: {  	[tilespmem:s1], [sflag:$0x1] =	stream.indirect_vreg.gather [hbm4b:s7+s3], $0x80, v3, vm0, $0xb8;
	[tilespmem:$0x10080] =	vst v63  }
0x44: {  	s11 =	rddreg [dreg:$0x10]  }
0x45: {  	[tilespmem:s11], [sflag:$0x1] =	stream.indirect_vreg.gather [hbm4b:s8+s3], $0x80, v3, vm0, $0xb8;
	[tilespmem:$0x10080] =	vst v63  }
0x46: {  	s1 =	rddreg [dreg:$0x11]  }
0x47: {  	[tilespmem:s1], [sflag:$0x1] =	stream.indirect_vreg.gather [hbm4b:s9+s3], $0x80, v3, vm0, $0xb8;
	[tilespmem:$0x10080] =	vst v63  }
0x48: {  	s11 =	rddreg [dreg:$0x12]  }
0x49: {  	[tilespmem:s11], [sflag:$0x1] =	stream.indirect_vreg.gather [hbm4b:s10+s3], $0x80, v3, vm0, $0xb8;
	[tilespmem:$0x10080] =	vst v63  }
0x4a: {  	v3 =	vld [tilespmem:$0x10];
	_ =	sdelay $0x4  }
0x4b: {  	v63 =	vshll.u32 v3, $0x4  }
0x4c: {  	v3 =	vand.u32 $0x7, v3;
	v4 =	vand.u32 $0xFFFFFF80, v63  }
0x4d: {  	v3 =	vor.u32 v3, v4  }
0x4e: {  	v4 =	vperm.xlane v3, v0;
	_ =	sdelay $0x1  }
0x4f: {  	v4 =	vadd.s32 v1, v4;
	_ =	sdelay $0x3  }
0x50: {  	s1 =	rddreg [dreg:$0x13]  }
0x51: {  	[tilespmem:s1], [sflag:$0x1] =	stream.indirect_vreg.gather [hbm4b:s2+s3], $0x80, v4, vm0, $0xb8;
	[tilespmem:$0x10080] =	vst v63  }
0x52: {  	s11 =	rddreg [dreg:$0x14]  }
0x53: {  	[tilespmem:s11], [sflag:$0x1] =	stream.indirect_vreg.gather [hbm4b:s4+s3], $0x80, v4, vm0, $0xb8;
	[tilespmem:$0x10080] =	vst v63  }
0x54: {  	_ = 	snop  }
0x55: {  	[tilespmem:s15], [sflag:$0x1] =	stream.indirect_vreg.gather [hbm4b:s5+s3], $0x80, v4, vm0, $0xb8;
	[tilespmem:$0x10080] =	vst v63  }
0x56: {  	_ = 	snop  }
0x57: {  	[tilespmem:s16], [sflag:$0x1] =	stream.indirect_vreg.gather [hbm4b:s6+s3], $0x80, v4, vm0, $0xb8;
	[tilespmem:$0x10080] =	vst v63  }
0x58: {  	_ = 	snop  }
0x59: {  	[tilespmem:s17], [sflag:$0x1] =	stream.indirect_vreg.gather [hbm4b:s7+s3], $0x80, v4, vm0, $0xb8;
	[tilespmem:$0x10080] =	vst v63  }
0x5a: {  	v3 =	vperm.xlane v3, v2  }
0x5b: {  	[tilespmem:s18], [sflag:$0x1] =	stream.indirect_vreg.gather [hbm4b:s8+s3], $0x80, v4, vm0, $0xb8;
	[tilespmem:$0x10080] =	vst v63  }
0x5c: {  	v3 =	vadd.s32 v1, v3  }
0x5d: {  	[tilespmem:s19], [sflag:$0x1] =	stream.indirect_vreg.gather [hbm4b:s9+s3], $0x80, v4, vm0, $0xb8;
	[tilespmem:$0x10080] =	vst v63  }
0x5e: {  	_ = 	snop  }
0x5f: {  	[tilespmem:s20], [sflag:$0x1] =	stream.indirect_vreg.gather [hbm4b:s10+s3], $0x80, v4, vm0, $0xb8;
	[tilespmem:$0x10080] =	vst v63  }
0x60: {  	_ = 	snop  }
0x61: {  	[tilespmem:s21], [sflag:$0x1] =	stream.indirect_vreg.gather [hbm4b:s2+s3], $0x80, v3, vm0, $0xb8;
	[tilespmem:$0x10080] =	vst v63  }
0x62: {  	_ = 	snop  }
0x63: {  	[tilespmem:s22], [sflag:$0x1] =	stream.indirect_vreg.gather [hbm4b:s4+s3], $0x80, v3, vm0, $0xb8;
	[tilespmem:$0x10080] =	vst v63  }
0x64: {  	_ = 	snop  }
0x65: {  	[tilespmem:s23], [sflag:$0x1] =	stream.indirect_vreg.gather [hbm4b:s5+s3], $0x80, v3, vm0, $0xb8;
	[tilespmem:$0x10080] =	vst v63  }
0x66: {  	_ = 	snop  }
0x67: {  	[tilespmem:s24], [sflag:$0x1] =	stream.indirect_vreg.gather [hbm4b:s6+s3], $0x80, v3, vm0, $0xb8;
	[tilespmem:$0x10080] =	vst v63  }
0x68: {  	_ = 	snop  }
0x69: {  	[tilespmem:s25], [sflag:$0x1] =	stream.indirect_vreg.gather [hbm4b:s7+s3], $0x80, v3, vm0, $0xb8;
	[tilespmem:$0x10080] =	vst v63  }
0x6a: {  	_ = 	snop  }
0x6b: {  	[tilespmem:s26], [sflag:$0x1] =	stream.indirect_vreg.gather [hbm4b:s8+s3], $0x80, v3, vm0, $0xb8;
	[tilespmem:$0x10080] =	vst v63  }
0x6c: {  	_ = 	snop  }
0x6d: {  	[tilespmem:s28], [sflag:$0x1] =	stream.indirect_vreg.gather [hbm4b:s9+s3], $0x80, v3, vm0, $0xb8;
	[tilespmem:$0x10080] =	vst v63  }
0x6e: {  	_ = 	snop  }
0x6f: {  	[tilespmem:s29], [sflag:$0x1] =	stream.indirect_vreg.gather [hbm4b:s10+s3], $0x80, v3, vm0, $0xb8;
	[tilespmem:$0x10080] =	vst v63  }
0x70: {  	_ =	swait.ge [sflag:s30], $0x10000  }
0x71: {  	p0 =	sne.s32 s0, $0x18;
	[sflag:s30] =	ssyncset.done $0x0  }
.Ltmp0:
0x72: {  	[sflag:s30] =	ssyncadd.s32 $0xFFFF0000;
	(pc) =	sbr.rel @p0 .LBB2_2-.Ltmp0, $4  }
0x73: {  	[hbm4b:s12+s3] =	stream.linear.scatter [tilespmem:s14], [sflag:$0x2], $0x10000, $0x38;
	[tilespmem:$0x10080] =	vst v63  }
0x74: {  	_ =	swait.ge [sflag:s13], $0x10000  }
0x75: {  	[sflag:s13] =	ssyncset.done $0x0  }
0x76: {  	s0 =	sadd.s32 $0x4, s0;
	s12 =	sadd.s32 $0x2000, s12;
	[sflag:s13] =	ssyncadd.s32 $0xFFFF0000  }
0x77: {  	s31 =	sadd.s32 $0x1, s31;
	s0 =	rddreg [dreg:$0x15]  }
0x78: {  	p0 =	sne.s32 s31, s0  }
.Ltmp1:
0x79: {  	_ = 	snop;
	(pc) =	sbr.rel @p0 .LBB2_1-.Ltmp1, $1  }
0x7a: {  	_ =	sdelay $0x3  }
0x7b: {  	_ =	sfence.sel $0x180000  }
0x7c: {  	[bflag:$0x0] =	sbarrier.arrive $0xFFFF  }
0x7d: {  	_ =	strace $0x9000004D  }
0x7e: {  	s0 =	stileid.u32;
	[bflag:$0x2] =	sbarrier.arrive $0xFFFF  }
0x7f: {  	p0 =	sne.s32 s0, $0x0;
	s0 =	rddreg [dreg:$0x2]  }
0x80: {  	s0 =	sadd.s32 @!p0 $0x100000, s0  }
0x81: {  	[sflag:s0] =	ssyncadd.tile.s32 @!p0 $0x1;
	_ =	shalt  }
.Lfunc_end2:
_tile_overlayer_lowered:
.L_overlay_start_2:
0x82: {  	(tag) =	ssettag $0x2  }
0x83: {  	s0 =	rddreg [dreg:$0x0];
	s2 =	stileid.u32  }
0x84: {  	s1 =	rddreg [dreg:$0x1];
	p0 =	sne.s32 s2, $0x0  }
0x85: {  	s3 =	rddreg [dreg:$0x2];
	[bflag:$0x3] =	sbarrier.arrive $0xFFFF;
	s2 =	simm.s32 @!p0 $0x1C02  }
0x86: {  	[timem:s3], [sflag:s2] =	dma.local @!p0 [hbm:s0], s1  }
0x87: {  	s0 =	simm.s32 @!p0 $0x2  }
0x88: {  	_ =	swait.ge @!p0 [sflag:s0], s1  }
0x89: {  	s1 =	ssub.s32 @!p0 $0x0, s1;
	[sflag:s0] =	ssyncset.done @!p0 $0x0  }
0x8a: {  	[sflag:s0] =	ssyncadd.s32 @!p0 s1  }
0x8b: {  	[bflag:$0x3] =	sbarrier.arrive $0xFFFF  }
0x8c: {  	_ =	shalt  }

// kernel: kernel.14.cloned.1.call-start
scs
__scs_entry_jumppad:
0x0: {  	(pc) =	sbr.rel $0x88, $3  }
0x1: {  	(tag) =	ssettag $0x0;
	lr =	simm.s32 $0x1  }
0x2: {  	[smem:$0x3F8C] =	sst lr;
	_ =	strace $0xD0000000  }
0x3: {  	_ = 	snop  }
0x4: {  	_ = 	snop  }
0x5: {  	_ = 	snop  }
0x6: {  	_ = 	snop  }
0x7: {  	_ = 	snop  }
__scs_overlays_trampoline_lowered:
0x8: {  	[smem:$0x3F9B] =	sst s0  }
0x9: {  	[smem:$0x3F9C] =	sst s1  }
0xa: {  	[smem:$0x3F9D] =	sst s2  }
0xb: {  	[smem:$0x3F9E] =	sst s3  }
0xc: {  	[smem:$0x3F9F] =	sst s4  }
0xd: {  	[smem:$0x3FA0] =	sst s5  }
0xe: {  	[smem:$0x3FA1] =	sst s6  }
0xf: {  	[smem:$0x3FA2] =	sst s7  }
0x10: {  	[smem:$0x3FA3] =	sst s8  }
0x11: {  	[smem:$0x3FA4] =	sst s9;
	s0 =	simm.s32 @!p0 $0x0  }
0x12: {  	s1 =	sld [smem:$0x3F8A];
	s0 =	simm.s32 @p0 $0x1  }
0x13: {  	[smem:$0x3FA5] =	sst s0;
	s0 =	simm.s32 @!p1 $0x0  }
0x14: {  	s2 =	sld [smem:$0x3F89];
	s0 =	simm.s32 @p1 $0x1  }
0x15: {  	[smem:$0x3FA6] =	sst s0;
	s0 =	simm.s32 @!p2 $0x0  }
0x16: {  	s3 =	sld [smem:$0x3FDB];
	s0 =	simm.s32 @p2 $0x1  }
0x17: {  	s4 =	simm.s32 $0x1BF5;
	[smem:$0x3FA8] =	sst s0  }
0x18: {  	s0 =	sld [smem:$0x3F8B];
	_ =	swait.ge [sflag:s4], $0x0  }
0x19: {  	s7 =	sld [smem:$0x3F8C]  }
0x1a: {  	s8 =	sadd.s32 $0xFFFFE003, lr  }
0x1b: {  	s9 =	sadd.s32 $0xFFFFFEF7, lr;
	s5 =	simm.s32 $0xFFFFFFFF;
	p2 =	slt.u32 s8, $0xFFFFF086  }
0x1c: {  	p1 =	slt.u32 s9, $0xF7A;
	s5 =	simm.s32 @!p2 $0x0  }
0x1d: {  	s5 =	simm.s32 @p1 $0x1;
	p0 =	seq.s32 s7, s2  }
0x1e: {  	s7 =	smul.u32 @!p0 $0xF7A, s2;
	p2 =	seq.s32 @!p0 s5, $0x0  }
0x1f: {  	s9 =	smul.u32 $0xF7A, s1;
	s8 =	simm.s32 @!p0 $0x1BF5;
	p2 =	por !p2, p0  }
0x20: {  	[sflag:s8] =	ssyncset.s32 @!p0 $0xFFFFF086;
	s6 =	sadd.s32 @!p0 s3, s7;
	s7 =	simm.s32 @!p0 $0x108  }
0x21: {  	s3 =	sadd.s32 s3, s9;
	s6 =	sadd.s32 @!p0 $0x88, s6;
	s7 =	simm.s32 @p2 $0x1082  }
0x22: {  	[simem:s7], [sflag:s8] =	dma.local @!p0 [hbm:s6], $0xF7A  }
0x23: {  	s9 =	sor.u32 $0xD0000000, s2;
	s6 =	simm.s32 $0x108;
	_ =	swait.ge @!p0 [sflag:s8], $0x0  }
0x24: {  	s3 =	sadd.s32 $0x88, s3;
	s6 =	simm.s32 @!p1 $0x1082;
	[sflag:s4] =	ssyncset.s32 $0xFFFFF086  }
0x25: {  	[simem:s6], [sflag:s4] =	dma.local [hbm:s3], $0xF7A  }
0x26: {  	[smem:$0x3F8C] =	sst s1;
	(tag) =	ssettag s2;
	_ =	strace s9  }
0x27: {  	s1 =	sld [smem:$0x3F9C]  }
0x28: {  	s2 =	sld [smem:$0x3F9D]  }
0x29: {  	s4 =	sld [smem:$0x3F9F]  }
0x2a: {  	p0 =	seq.s32 s5, $0x0;
	s5 =	sld [smem:$0x3FA0]  }
0x2b: {  	s6 =	sld [smem:$0x3FA1]  }
0x2c: {  	s7 =	sld [smem:$0x3FA2]  }
0x2d: {  	s3 =	simm.s32 $0x108;
	s8 =	sld [smem:$0x3FA3]  }
0x2e: {  	s3 =	simm.s32 @!p0 $0x1082;
	s9 =	sld [smem:$0x3FA4]  }
0x2f: {  	lr =	sadd.s32 s0, s3;
	s0 =	sld [smem:$0x3F9B]  }
0x30: {  	s3 =	sld [smem:$0x3F9E]  }
0x31: {  	[smem:$0x3FA7] =	sst s10  }
0x32: {  	s10 =	sld [smem:$0x3FA5];
	_ =	sdelay $0x3  }
0x33: {  	p0 =	seq.s32 s10, $0x1;
	s10 =	sld [smem:$0x3FA7];
	_ =	sdelay $0x3  }
0x34: {  	[smem:$0x3FA7] =	sst s10  }
0x35: {  	s10 =	sld [smem:$0x3FA6];
	_ =	sdelay $0x3  }
0x36: {  	p1 =	seq.s32 s10, $0x1;
	s10 =	sld [smem:$0x3FA7];
	_ =	sdelay $0x3  }
0x37: {  	[smem:$0x3FA7] =	sst s10  }
0x38: {  	s10 =	sld [smem:$0x3FA8]  }
0x39: {  	_ = 	snop;
	(pc) =	sbr.ind lr, $3  }
0x3a: {  	_ = 	snop  }
0x3b: {  	_ = 	snop  }
0x3c: {  	p2 =	seq.s32 s10, $0x1;
	s10 =	sld [smem:$0x3FA7]  }
0x3d: {  	_ =	shalt  }
0x3e: {  	_ =	shalt  }
0x3f: {  	_ =	shalt  }
0x40: {  	_ =	shalt  }
0x41: {  	_ =	shalt  }
0x42: {  	_ =	shalt  }
0x43: {  	_ =	shalt  }
0x44: {  	_ =	shalt  }
0x45: {  	_ =	shalt  }
0x46: {  	_ =	shalt  }
0x47: {  	_ =	shalt  }
0x48: {  	_ =	shalt  }
0x49: {  	_ =	shalt  }
0x4a: {  	_ =	shalt  }
0x4b: {  	_ =	shalt  }
0x4c: {  	_ =	shalt  }
0x4d: {  	_ =	shalt  }
0x4e: {  	_ =	shalt  }
0x4f: {  	_ =	shalt  }
0x50: {  	_ =	shalt  }
0x51: {  	_ =	shalt  }
0x52: {  	_ =	shalt  }
0x53: {  	_ =	shalt  }
0x54: {  	_ =	shalt  }
0x55: {  	_ =	shalt  }
0x56: {  	_ =	shalt  }
0x57: {  	_ =	shalt  }
0x58: {  	_ =	shalt  }
0x59: {  	_ =	shalt  }
0x5a: {  	_ =	shalt  }
0x5b: {  	_ =	shalt  }
0x5c: {  	_ =	shalt  }
0x5d: {  	_ =	shalt  }
0x5e: {  	_ =	shalt  }
0x5f: {  	_ =	shalt  }
0x60: {  	_ =	shalt  }
0x61: {  	_ =	shalt  }
0x62: {  	_ =	shalt  }
0x63: {  	_ =	shalt  }
0x64: {  	_ =	shalt  }
0x65: {  	_ =	shalt  }
0x66: {  	_ =	shalt  }
0x67: {  	_ =	shalt  }
0x68: {  	_ =	shalt  }
0x69: {  	_ =	shalt  }
0x6a: {  	_ =	shalt  }
0x6b: {  	_ =	shalt  }
0x6c: {  	_ =	shalt  }
0x6d: {  	_ =	shalt  }
0x6e: {  	_ =	shalt  }
0x6f: {  	_ =	shalt  }
0x70: {  	_ =	shalt  }
0x71: {  	_ =	shalt  }
0x72: {  	_ =	shalt  }
0x73: {  	_ =	shalt  }
0x74: {  	_ =	shalt  }
0x75: {  	_ =	shalt  }
0x76: {  	_ =	shalt  }
0x77: {  	_ =	shalt  }
0x78: {  	_ =	shalt  }
0x79: {  	_ =	shalt  }
0x7a: {  	_ =	shalt  }
0x7b: {  	_ =	shalt  }
0x7c: {  	_ =	shalt  }
0x7d: {  	_ =	shalt  }
0x7e: {  	_ =	shalt  }
0x7f: {  	_ =	shalt  }
0x80: {  	_ =	shalt  }
0x81: {  	_ =	shalt  }
0x82: {  	_ =	shalt  }
0x83: {  	_ =	shalt  }
0x84: {  	_ =	shalt  }
0x85: {  	_ =	shalt  }
0x86: {  	_ =	shalt  }
0x87: {  	_ =	shalt  }
.Lfunc_end0:
.L_simem_size_0:
called_computation.3_lowered:
.L_overlay_start_0:
0x88: {  	s2 =	sld [smem:$0x3FD9]  }
0x89: {  	s3 =	sld [smem:$0x3FFE];
	_ =	sdelay $0x1  }
0x8a: {  	s1 =	srdreg.scid  }
0x8b: {  	s0 =	sand.u32 $0x1, s1  }
0x8c: {  	s17 =	sshll.u32 s0, $0xA;
	s2 =	sadd.s32 s3, s2  }
0x8d: {  	s2 =	sadd.s32 s2, s17  }
0x8e: {  	[smem:$0x3FB3] =	sst s2  }
0x8f: {  	_ = 	snop  }
0x90: {  	s2 =	sld [smem:$0x3FD0];
	(tm) =	ssettm $0x1  }
0x91: {  	s18 =	sld [smem:$0x3FFB];
	_ =	sdelay $0x3  }
0x92: {  	_ =	strace s18  }
0x93: {  	s3 =	sld [smem:$0x3FFC];
	_ =	sdelay $0x3  }
0x94: {  	_ =	strace s3  }
0x95: {  	s3 =	sld [smem:$0x3FFD];
	_ =	sdelay $0x3  }
0x96: {  	_ =	strace s3  }
0x97: {  	_ =	strace $0x8FFFFFFF  }
0x98: {  	s19 =	sld [smem:$0x3FDB];
	_ =	sdelay $0x1  }
0x99: {  	s4 =	simm.s32 $_scs_section_size  }
0x9a: {  	s5 =	simm.s32 $_size__tile_overlayer_lowered;
	s6 =	simm.s32 $_tile_overlayer_lowered  }
0x9b: {  	s22 =	simm.s32 $0x1BFF;
	s21 =	sshll.u32 s6, $0x1;
	s3 =	sadd.s32 s4, s19  }
0x9c: {  	s7 =	simm.s32 $0x0;
	s20 =	sshll.u32 s5, $0x1;
	s5 =	sadd.s32 s21, s3  }
0x9d: {  	[timem:s7], [sflag:s22] =	dma.local [hbm:s5], s20  }
0x9e: {  	_ =	swait.ge [sflag:s22], s20  }
0x9f: {  	s4 =	ssub.s32 $0x0, s20;
	[sflag:s22] =	ssyncset.done $0x0  }
0xa0: {  	[sflag:s22] =	ssyncadd.s32 s4;
	_ =	sdelay $0x1  }
0xa1: {  	s23 =	simm.s32 $0x1B8B  }
0xa2: {  	_ =	swait.ge [sflag:s23], $0x1  }
0xa3: {  	[sflag:s23] =	ssyncset.done $0x0  }
0xa4: {  	s25 =	simm.s32 $0x1B8E;
	s24 =	sld [smem:$0x3FFE];
	[sflag:s23] =	ssyncadd.s32 $0xFFFFFFFF  }
0xa5: {  	s26 =	simm.s32 $execute0_lowered;
	[smem:$0x3FD2] =	sst s25  }
0xa6: {  	s5 =	sshll.u32 s26, $0x1;
	_ =	strace $0x8000004F;
	[dreg:$0x1] =	wrdreg $0xFFFFFFFF  }
0xa7: {  	s28 =	simm.s32 $_size_execute0_lowered;
	s3 =	sadd.s32 s3, s5;
	[dreg:$0x0] =	wrdreg $0x0  }
0xa8: {  	s5 =	sshll.u32 s28, $0x1;
	[dreg:$0x2] =	wrdreg s3  }
0xa9: {  	[dreg:$0x3] =	wrdreg s5  }
0xaa: {  	[dreg:$0x4] =	wrdreg $0xC0  }
0xab: {  	_ =	task [dreg:s7], $0x5FFFF  }
0xac: {  	[dreg:$0x1] =	wrdreg $0xFFFFFFFF  }
0xad: {  	[dreg:$0x0] =	wrdreg $0x60  }
0xae: {  	[dreg:$0x2] =	wrdreg s24  }
0xaf: {  	[dreg:$0x3] =	wrdreg s2  }
0xb0: {  	[dreg:$0x4] =	wrdreg $0x9  }
0xb1: {  	_ =	task.clear_ibuf [dreg:s7], $0x5FFFF;
	_ =	strace $0x9000004F  }
0xb2: {  	s29 =	simm.s32 $0x9;
	_ =	strace $0x80000051  }
0xb3: {  	_ =	swait.ge [sflag:s29], $0x1  }
0xb4: {  	[sflag:s29] =	ssyncadd.s32 $0xFFFFFFFF  }
0xb5: {  	_ =	strace $0x90000051  }
0xb6: {  	_ =	sfence  }
0xb7: {  	s30 =	sld [smem:$0x0];
	_ =	sdelay $0x2  }
0xb8: {  	s31 =	sshll.u32 s1, $0xD;
	s1 =	sshrl.u32 s1, $0x2  }
0xb9: {  	s3 =	sand.u32 $0x4000, s31;
	s1 =	sadd.s32 s1, s30  }
0xba: {  	s0 =	sor.u32 s3, s0;
	s1 =	sshll.u32 s1, $0x11  }
0xbb: {  	s0 =	sor.u32 s1, s0  }
0xbc: {  	s0 =	sadd.s32 $0x8F2B, s0  }
0xbd: {  	[sflag:s0] =	ssyncadd.remote.s32 $0x1  }
0xbe: {  	_ =	sfence.sel $0xFFFF  }
0xbf: {  	[dreg:$0x0] =	wrdreg $0xFFFFFFFF;
	(pc) =	sbr.abs _section_cstart, $3  }
0xc0: {  	[dreg:$0x1] =	wrdreg $0xFFFFFFFF  }
0xc1: {  	_ =	task.clear_ibuf [dreg:s7], $0x2FFFF;
	_ =	strace $0x9FFFFFFF  }
0xc2: {  	(tm) =	ssettm $0x7FFFFFFF  }
0xc3: {  	_ =	shalt  }
tec
execute0_lowered:
.L_overlay_start_1:
0x0: {  	(tag) =	ssettag $0x1  }
0x1: {  	s0 =	rddreg [dreg:$0x0];
	s2 =	simm.s32 $0x0;
	s1 =	srdreg.scid  }
0x2: {  	s7 =	stileid.u32;
	s17 =	simm.s32 $0x4;
	s30 =	simm.s32 $0xE100  }
0x3: {  	s31 =	simm.s32 $0xE900;
	s16 =	simm.s32 $0x10100;
	s18 =	simm.s32 $0x3  }
0x4: {  	[smem:$0x7FF] =	sst s2;
	s4 =	sadd.s32 $0x31D800, s0;
	s5 =	sadd.s32 $0x2E00, s0  }
0x5: {  	s6 =	sadd.s32 $0x3000, s0;
	s28 =	sshll.u32 s7, $0x7;
	s7 =	sadd.s32 $0x31D900, s0  }
0x6: {  	s20 =	simm.s32 $0x0;
	s8 =	sadd.s32 $0x31DA00, s0;
	s9 =	sadd.s32 $0x31DB00, s0  }
0x7: {  	s1 =	sand.u32 $0x1, s1;
	s10 =	sadd.s32 $0x31DC00, s0;
	s12 =	sadd.s32 $0x31DD00, s0  }
0x8: {  	s13 =	sadd.s32 $0x31DE00, s0;
	s14 =	sadd.s32 $0x31DF00, s0;
	s26 =	ssub.s32 $0x2, s1  }
0x9: {  	s15 =	sadd.s32 $0x45D800, s0;
	s0 =	simm.s32 $0xF100;
	s3 =	sshrl.u32 s26, $0x1  }
0xa: {  	v2 =	vlaneseq.u32;
	_ =	strace $0x80000050;
	s1 =	sshll.u32 s1, $0x6;
	s2 =	ssub.s32 s26, s3  }
0xb: {  	vm0 =	vmmov $0xffff;
	v1 =	vshrl.u32 v2, $0x3;
	s11 =	sor.u32 s1, s28;
	s1 =	simm.s32 $0x1;
	s29 =	smax.u32 s2, $0x1  }
0xc: {  	v0 =	vand.u32 $0x7, v2;
	v2 =	vor.u32 $0x8, v2;
	v1 =	vmul.u32 $0x8, v1;
	s3 =	simm.s32 $0xF900;
	s2 =	simm.s32 $0x2;
	[dreg:$0x3] =	wrdreg s29  }
.LBB2_1:
0xd: {  	[dreg:$0x4] =	wrdreg s20;
	s19 =	simm.s32 $0x0  }
.LBB2_2:
0xe: {  	s20 =	sshll.u32 s19, $0x4  }
0xf: {  	s21 =	sadd.s32 s11, s20  }
0x10: {  	s22 =	sshrl.u32 s21, $0x3  }
0x11: {  	s20 =	simm.s32 $0x0;
	s23 =	sadd.s32 s5, s22  }
0x12: {  	[tilespmem:s20], [sflag:$0x4] =	stream.linear.gather [hbm4b:s23+s20], $0x10, $0x38;
	[tilespmem:$0x18100] =	vst v63  }
0x13: {  	_ =	swait.ge [sflag:s17], $0x10  }
0x14: {  	[sflag:s17] =	ssyncset.done $0x0  }
0x15: {  	s29 =	simm.s32 $0x80;
	s22 =	sadd.s32 s6, s22;
	[sflag:s17] =	ssyncadd.s32 $0xFFFFFFF0  }
0x16: {  	[tilespmem:s29], [sflag:$0x4] =	stream.linear.gather [hbm4b:s22+s20], $0x10, $0x38;
	[tilespmem:$0x18100] =	vst v63  }
0x17: {  	_ =	swait.ge [sflag:s17], $0x10  }
0x18: {  	[sflag:s17] =	ssyncset.done $0x0  }
0x19: {  	[sflag:s17] =	ssyncadd.s32 $0xFFFFFFF0  }
0x1a: {  	v3 =	vld [tilespmem:$0x0];
	_ =	sdelay $0x4  }
0x1b: {  	v4 =	vshll.u32 v3, $0x4  }
0x1c: {  	v3 =	vand.u32 $0x7, v3;
	v4 =	vand.u32 $0xFFFFFF80, v4  }
0x1d: {  	v3 =	vor.u32 v3, v4  }
0x1e: {  	v4 =	vperm.xlane v3, v0;
	_ =	sdelay $0x1  }
0x1f: {  	v4 =	vadd.s32 v1, v4;
	_ =	sdelay $0x3  }
0x20: {  	s24 =	simm.s32 $0x100  }
0x21: {  	[tilespmem:s24], [sflag:$0x1] =	stream.indirect_vreg.gather [hbm4b:s4+s20], $0x80, v4, vm0, $0xb8;
	[tilespmem:$0x18100] =	vst v63  }
0x22: {  	s25 =	simm.s32 $0x900  }
0x23: {  	[tilespmem:s25], [sflag:$0x1] =	stream.indirect_vreg.gather [hbm4b:s7+s20], $0x80, v4, vm0, $0xb8;
	[tilespmem:$0x18100] =	vst v63  }
0x24: {  	s26 =	simm.s32 $0x1100  }
0x25: {  	[tilespmem:s26], [sflag:$0x1] =	stream.indirect_vreg.gather [hbm4b:s8+s20], $0x80, v4, vm0, $0xb8;
	[tilespmem:$0x18100] =	vst v63  }
0x26: {  	s28 =	simm.s32 $0x1900  }
0x27: {  	[tilespmem:s28], [sflag:$0x1] =	stream.indirect_vreg.gather [hbm4b:s9+s20], $0x80, v4, vm0, $0xb8;
	[tilespmem:$0x18100] =	vst v63  }
0x28: {  	s29 =	simm.s32 $0x2100  }
0x29: {  	[tilespmem:s29], [sflag:$0x1] =	stream.indirect_vreg.gather [hbm4b:s10+s20], $0x80, v4, vm0, $0xb8;
	[tilespmem:$0x18100] =	vst v63  }
0x2a: {  	s23 =	simm.s32 $0x2900;
	v3 =	vperm.xlane v3, v2  }
0x2b: {  	[tilespmem:s23], [sflag:$0x1] =	stream.indirect_vreg.gather [hbm4b:s12+s20], $0x80, v4, vm0, $0xb8;
	[tilespmem:$0x18100] =	vst v63  }
0x2c: {  	v3 =	vadd.s32 v1, v3;
	s24 =	simm.s32 $0x3100  }
0x2d: {  	[tilespmem:s24], [sflag:$0x1] =	stream.indirect_vreg.gather [hbm4b:s13+s20], $0x80, v4, vm0, $0xb8;
	[tilespmem:$0x18100] =	vst v63  }
0x2e: {  	s25 =	simm.s32 $0x3900  }
0x2f: {  	[tilespmem:s25], [sflag:$0x1] =	stream.indirect_vreg.gather [hbm4b:s14+s20], $0x80, v4, vm0, $0xb8;
	[tilespmem:$0x18100] =	vst v63  }
0x30: {  	s26 =	simm.s32 $0x4100  }
0x31: {  	[tilespmem:s26], [sflag:$0x1] =	stream.indirect_vreg.gather [hbm4b:s4+s20], $0x80, v3, vm0, $0xb8;
	[tilespmem:$0x18100] =	vst v63  }
0x32: {  	s28 =	simm.s32 $0x4900  }
0x33: {  	[tilespmem:s28], [sflag:$0x1] =	stream.indirect_vreg.gather [hbm4b:s7+s20], $0x80, v3, vm0, $0xb8;
	[tilespmem:$0x18100] =	vst v63  }
0x34: {  	s29 =	simm.s32 $0x5100  }
0x35: {  	[tilespmem:s29], [sflag:$0x1] =	stream.indirect_vreg.gather [hbm4b:s8+s20], $0x80, v3, vm0, $0xb8;
	[tilespmem:$0x18100] =	vst v63  }
0x36: {  	s23 =	simm.s32 $0x5900  }
0x37: {  	[tilespmem:s23], [sflag:$0x1] =	stream.indirect_vreg.gather [hbm4b:s9+s20], $0x80, v3, vm0, $0xb8;
	[tilespmem:$0x18100] =	vst v63  }
0x38: {  	s24 =	simm.s32 $0x6100  }
0x39: {  	[tilespmem:s24], [sflag:$0x1] =	stream.indirect_vreg.gather [hbm4b:s10+s20], $0x80, v3, vm0, $0xb8;
	[tilespmem:$0x18100] =	vst v63  }
0x3a: {  	s25 =	simm.s32 $0x6900  }
0x3b: {  	[tilespmem:s25], [sflag:$0x1] =	stream.indirect_vreg.gather [hbm4b:s12+s20], $0x80, v3, vm0, $0xb8;
	[tilespmem:$0x18100] =	vst v63  }
0x3c: {  	s26 =	simm.s32 $0x7100  }
0x3d: {  	[tilespmem:s26], [sflag:$0x1] =	stream.indirect_vreg.gather [hbm4b:s13+s20], $0x80, v3, vm0, $0xb8;
	[tilespmem:$0x18100] =	vst v63  }
0x3e: {  	s28 =	simm.s32 $0x7900  }
0x3f: {  	[tilespmem:s28], [sflag:$0x1] =	stream.indirect_vreg.gather [hbm4b:s14+s20], $0x80, v3, vm0, $0xb8;
	[tilespmem:$0x18100] =	vst v63  }
0x40: {  	v3 =	vld [tilespmem:$0x80];
	_ =	sdelay $0x4  }
0x41: {  	v63 =	vshll.u32 v3, $0x4  }
0x42: {  	v3 =	vand.u32 $0x7, v3;
	v4 =	vand.u32 $0xFFFFFF80, v63  }
0x43: {  	v3 =	vor.u32 v3, v4  }
0x44: {  	v4 =	vperm.xlane v3, v0;
	_ =	sdelay $0x1  }
0x45: {  	v4 =	vadd.s32 v1, v4;
	_ =	sdelay $0x3  }
0x46: {  	s29 =	simm.s32 $0x8100  }
0x47: {  	[tilespmem:s29], [sflag:$0x2] =	stream.indirect_vreg.gather [hbm4b:s4+s20], $0x80, v4, vm0, $0xb8;
	[tilespmem:$0x18100] =	vst v63  }
0x48: {  	s23 =	simm.s32 $0x8900  }
0x49: {  	[tilespmem:s23], [sflag:$0x2] =	stream.indirect_vreg.gather [hbm4b:s7+s20], $0x80, v4, vm0, $0xb8;
	[tilespmem:$0x18100] =	vst v63  }
0x4a: {  	s24 =	simm.s32 $0x9100  }
0x4b: {  	[tilespmem:s24], [sflag:$0x2] =	stream.indirect_vreg.gather [hbm4b:s8+s20], $0x80, v4, vm0, $0xb8;
	[tilespmem:$0x18100] =	vst v63  }
0x4c: {  	s25 =	simm.s32 $0x9900  }
0x4d: {  	[tilespmem:s25], [sflag:$0x2] =	stream.indirect_vreg.gather [hbm4b:s9+s20], $0x80, v4, vm0, $0xb8;
	[tilespmem:$0x18100] =	vst v63  }
0x4e: {  	s26 =	simm.s32 $0xA100  }
0x4f: {  	[tilespmem:s26], [sflag:$0x2] =	stream.indirect_vreg.gather [hbm4b:s10+s20], $0x80, v4, vm0, $0xb8;
	[tilespmem:$0x18100] =	vst v63  }
0x50: {  	s28 =	simm.s32 $0xA900;
	v3 =	vperm.xlane v3, v2  }
0x51: {  	[tilespmem:s28], [sflag:$0x2] =	stream.indirect_vreg.gather [hbm4b:s12+s20], $0x80, v4, vm0, $0xb8;
	[tilespmem:$0x18100] =	vst v63  }
0x52: {  	v3 =	vadd.s32 v1, v3;
	s29 =	simm.s32 $0xB100  }
0x53: {  	[tilespmem:s29], [sflag:$0x2] =	stream.indirect_vreg.gather [hbm4b:s13+s20], $0x80, v4, vm0, $0xb8;
	[tilespmem:$0x18100] =	vst v63  }
0x54: {  	s23 =	simm.s32 $0xB900  }
0x55: {  	[tilespmem:s23], [sflag:$0x2] =	stream.indirect_vreg.gather [hbm4b:s14+s20], $0x80, v4, vm0, $0xb8;
	[tilespmem:$0x18100] =	vst v63  }
0x56: {  	s24 =	simm.s32 $0xC100  }
0x57: {  	[tilespmem:s24], [sflag:$0x2] =	stream.indirect_vreg.gather [hbm4b:s4+s20], $0x80, v3, vm0, $0xb8;
	[tilespmem:$0x18100] =	vst v63  }
0x58: {  	s25 =	simm.s32 $0xC900  }
0x59: {  	[tilespmem:s25], [sflag:$0x2] =	stream.indirect_vreg.gather [hbm4b:s7+s20], $0x80, v3, vm0, $0xb8;
	[tilespmem:$0x18100] =	vst v63  }
0x5a: {  	s26 =	simm.s32 $0xD100  }
0x5b: {  	[tilespmem:s26], [sflag:$0x2] =	stream.indirect_vreg.gather [hbm4b:s8+s20], $0x80, v3, vm0, $0xb8;
	[tilespmem:$0x18100] =	vst v63  }
0x5c: {  	s28 =	simm.s32 $0xD900  }
0x5d: {  	[tilespmem:s28], [sflag:$0x2] =	stream.indirect_vreg.gather [hbm4b:s9+s20], $0x80, v3, vm0, $0xb8;
	[tilespmem:$0x18100] =	vst v63  }
0x5e: {  	_ = 	snop  }
0x5f: {  	[tilespmem:s30], [sflag:$0x2] =	stream.indirect_vreg.gather [hbm4b:s10+s20], $0x80, v3, vm0, $0xb8;
	[tilespmem:$0x18100] =	vst v63  }
0x60: {  	_ = 	snop  }
0x61: {  	[tilespmem:s31], [sflag:$0x2] =	stream.indirect_vreg.gather [hbm4b:s12+s20], $0x80, v3, vm0, $0xb8;
	[tilespmem:$0x18100] =	vst v63  }
0x62: {  	_ = 	snop  }
0x63: {  	[tilespmem:s0], [sflag:$0x2] =	stream.indirect_vreg.gather [hbm4b:s13+s20], $0x80, v3, vm0, $0xb8;
	[tilespmem:$0x18100] =	vst v63  }
0x64: {  	s21 =	sshll.u32 s21, $0x8  }
0x65: {  	[tilespmem:s3], [sflag:$0x2] =	stream.indirect_vreg.gather [hbm4b:s14+s20], $0x80, v3, vm0, $0xb8;
	[tilespmem:$0x18100] =	vst v63  }
0x66: {  	s29 =	sadd.s32 s21, s15  }
0x67: {  	[tilespmem:s16], [sflag:$0x3] =	stream.linear.gather [hbm4b:s29+s20], $0x8000, $0x38;
	[tilespmem:$0x18100] =	vst v63  }
0x68: {  	_ =	swait.ge [sflag:s1], $0x8000  }
0x69: {  	[sflag:s1] =	ssyncset.done $0x0  }
0x6a: {  	[sflag:s1] =	ssyncadd.s32 $0xFFFF8000  }
0x6b: {  	_ =	swait.ge [sflag:s2], $0x8000  }
0x6c: {  	[sflag:s2] =	ssyncset.done $0x0  }
0x6d: {  	[sflag:s2] =	ssyncadd.s32 $0xFFFF8000  }
0x6e: {  	_ =	swait.ge [sflag:s18], $0x8000  }
0x6f: {  	[sflag:s18] =	ssyncset.done $0x0  }
0x70: {  	s22 =	simm.s32 $0x0;
	[sflag:s18] =	ssyncadd.s32 $0xFFFF8000  }
.LBB2_3:
0x71: {  	s23 =	sshll.u32 s22, $0xB;
	s24 =	sshll.u32 s22, $0x7  }
0x72: {  	s23 =	sand.u32 $0x4000, s23;
	s24 =	sand.u32 $0x380, s24  }
0x73: {  	s26 =	sand.u32 $0x3C00, s20;
	s24 =	sor.u32 s23, s24  }
0x74: {  	s25 =	sand.u32 $0x70, s20;
	s23 =	sor.u32 s26, s24  }
0x75: {  	s23 =	sor.u32 s25, s23  }
0x76: {  	v4 =	vld [tilespmem:s23+$0x100]  }
0x77: {  	v5 =	vld [tilespmem:s23+$0x8100];
	_ =	sdelay $0x1  }
0x78: {  	v3 =	vld [tilespmem:s23+$0x10100]  }
0x79: {  	s25 =	simm.s32 $0x80  }
0x7a: {  	s26 =	simm.s32 $0x10;
	s29 =	sand.u32 $0x3C00, s25  }
0x7b: {  	s28 =	sand.u32 $0x70, s26;
	s26 =	simm.s32 $0x20;
	s29 =	sor.u32 s29, s24;
	v4 =	vadd.f32 v5, v4  }
.LBB2_4:
0x7c: {  	p0 =	sne.s32 s26, $0x7F0;
	s28 =	sor.u32 s28, s29  }
0x7d: {  	v5 =	vld [tilespmem:s28+$0x100];
	v3 =	vadd.f32 v3, v4  }
0x7e: {  	v4 =	vld [tilespmem:s28+$0x8100]  }
.Ltmp0:
0x7f: {  	[tilespmem:s23+$0x10100] =	vst v3;
	s23 =	smov.u32 s28;
	(pc) =	sbr.rel @p0 .LBB2_4-.Ltmp0, $4  }
0x80: {  	v3 =	vld [tilespmem:s23+$0x10100]  }
0x81: {  	s25 =	sadd.s32 $0x80, s25  }
0x82: {  	s29 =	sand.u32 $0x3C00, s25  }
0x83: {  	s29 =	sor.u32 s29, s24;
	s28 =	sand.u32 $0x70, s26;
	s26 =	sadd.s32 $0x10, s26;
	v4 =	vadd.f32 v4, v5  }
0x84: {  	s24 =	sor.u32 s28, s29  }
0x85: {  	v5 =	vld [tilespmem:s24+$0x100];
	v3 =	vadd.f32 v3, v4  }
0x86: {  	v63 =	vld [tilespmem:s24+$0x8100]  }
0x87: {  	[tilespmem:s23+$0x10100] =	vst v3  }
0x88: {  	v3 =	vld [tilespmem:s24+$0x10100]  }
0x89: {  	s22 =	sadd.s32 $0x1, s22  }
0x8a: {  	p0 =	sne.s32 s22, $0x10  }
.Ltmp1:
0x8b: {  	v4 =	vadd.f32 v63, v5;
	(pc) =	sbr.rel @p0 .LBB2_3-.Ltmp1, $3  }
0x8c: {  	_ = 	snop  }
0x8d: {  	v3 =	vadd.f32 v3, v4;
	_ =	sdelay $0x1  }
0x8e: {  	[tilespmem:s24+$0x10100] =	vst v3  }
0x8f: {  	s19 =	sadd.s32 $0x1, s19  }
0x90: {  	s20 =	rddreg [dreg:$0x1];
	p0 =	sne.s32 s19, $0x4  }
.Ltmp2:
0x91: {  	s29 =	simm.s32 $0x0;
	s20 =	sadd.s32 s20, s21;
	(pc) =	sbr.rel @p0 .LBB2_2-.Ltmp2, $4  }
0x92: {  	[hbm4b:s20+s29] =	stream.linear.scatter [tilespmem:s16], [sflag:$0x4], $0x8000, $0x38;
	[tilespmem:$0x18100] =	vst v63  }
0x93: {  	_ =	swait.ge [sflag:s17], $0x8000  }
0x94: {  	[sflag:s17] =	ssyncset.done $0x0  }
0x95: {  	[sflag:s17] =	ssyncadd.s32 $0xFFFF8000  }
0x96: {  	s20 =	rddreg [dreg:$0x4]  }
0x97: {  	s19 =	rddreg [dreg:$0x3];
	s20 =	sadd.s32 $0x1, s20  }
0x98: {  	p0 =	sne.s32 s20, s19  }
.Ltmp3:
0x99: {  	_ = 	snop;
	(pc) =	sbr.rel @p0 .LBB2_1-.Ltmp3, $1  }
0x9a: {  	_ =	sdelay $0x3  }
0x9b: {  	_ =	sfence.sel $0x180000  }
0x9c: {  	[bflag:$0x0] =	sbarrier.arrive $0xFFFF  }
0x9d: {  	_ =	strace $0x90000050  }
0x9e: {  	s0 =	stileid.u32;
	[bflag:$0x2] =	sbarrier.arrive $0xFFFF  }
0x9f: {  	p0 =	sne.s32 s0, $0x0;
	s0 =	rddreg [dreg:$0x2]  }
0xa0: {  	s0 =	sadd.s32 @!p0 $0x100000, s0  }
0xa1: {  	[sflag:s0] =	ssyncadd.tile.s32 @!p0 $0x1;
	_ =	shalt  }
.Lfunc_end2:
_tile_overlayer_lowered:
.L_overlay_start_2:
0xa2: {  	(tag) =	ssettag $0x2  }
0xa3: {  	s0 =	rddreg [dreg:$0x0];
	s2 =	stileid.u32  }
0xa4: {  	s1 =	rddreg [dreg:$0x1];
	p0 =	sne.s32 s2, $0x0  }
0xa5: {  	s3 =	rddreg [dreg:$0x2];
	[bflag:$0x3] =	sbarrier.arrive $0xFFFF;
	s2 =	simm.s32 @!p0 $0x1C04  }
0xa6: {  	[timem:s3], [sflag:s2] =	dma.local @!p0 [hbm:s0], s1  }
0xa7: {  	s0 =	simm.s32 @!p0 $0x4  }
0xa8: {  	_ =	swait.ge @!p0 [sflag:s0], s1  }
0xa9: {  	s1 =	ssub.s32 @!p0 $0x0, s1;
	[sflag:s0] =	ssyncset.done @!p0 $0x0  }
0xaa: {  	[sflag:s0] =	ssyncadd.s32 @!p0 s1  }
0xab: {  	[bflag:$0x3] =	sbarrier.arrive $0xFFFF  }
0xac: {  	_ =	shalt  }

// kernel: kernel.8.cloned.1.call-start
scs
__scs_entry_jumppad:
0x0: {  	(pc) =	sbr.rel $0x88, $3  }
0x1: {  	(tag) =	ssettag $0x0;
	lr =	simm.s32 $0x1  }
0x2: {  	[smem:$0x3F8C] =	sst lr;
	_ =	strace $0xD0000000  }
0x3: {  	_ = 	snop  }
0x4: {  	_ = 	snop  }
0x5: {  	_ = 	snop  }
0x6: {  	_ = 	snop  }
0x7: {  	_ = 	snop  }
__scs_overlays_trampoline_lowered:
0x8: {  	[smem:$0x3F9B] =	sst s0  }
0x9: {  	[smem:$0x3F9C] =	sst s1  }
0xa: {  	[smem:$0x3F9D] =	sst s2  }
0xb: {  	[smem:$0x3F9E] =	sst s3  }
0xc: {  	[smem:$0x3F9F] =	sst s4  }
0xd: {  	[smem:$0x3FA0] =	sst s5  }
0xe: {  	[smem:$0x3FA1] =	sst s6  }
0xf: {  	[smem:$0x3FA2] =	sst s7  }
0x10: {  	[smem:$0x3FA3] =	sst s8  }
0x11: {  	[smem:$0x3FA4] =	sst s9;
	s0 =	simm.s32 @!p0 $0x0  }
0x12: {  	s1 =	sld [smem:$0x3F8A];
	s0 =	simm.s32 @p0 $0x1  }
0x13: {  	[smem:$0x3FA5] =	sst s0;
	s0 =	simm.s32 @!p1 $0x0  }
0x14: {  	s2 =	sld [smem:$0x3F89];
	s0 =	simm.s32 @p1 $0x1  }
0x15: {  	[smem:$0x3FA6] =	sst s0;
	s0 =	simm.s32 @!p2 $0x0  }
0x16: {  	s3 =	sld [smem:$0x3FDB];
	s0 =	simm.s32 @p2 $0x1  }
0x17: {  	s4 =	simm.s32 $0x1BF5;
	[smem:$0x3FA8] =	sst s0  }
0x18: {  	s0 =	sld [smem:$0x3F8B];
	_ =	swait.ge [sflag:s4], $0x0  }
0x19: {  	s7 =	sld [smem:$0x3F8C]  }
0x1a: {  	s8 =	sadd.s32 $0xFFFFE003, lr  }
0x1b: {  	s9 =	sadd.s32 $0xFFFFFEF7, lr;
	s5 =	simm.s32 $0xFFFFFFFF;
	p2 =	slt.u32 s8, $0xFFFFF086  }
0x1c: {  	p1 =	slt.u32 s9, $0xF7A;
	s5 =	simm.s32 @!p2 $0x0  }
0x1d: {  	s5 =	simm.s32 @p1 $0x1;
	p0 =	seq.s32 s7, s2  }
0x1e: {  	s7 =	smul.u32 @!p0 $0xF7A, s2;
	p2 =	seq.s32 @!p0 s5, $0x0  }
0x1f: {  	s9 =	smul.u32 $0xF7A, s1;
	s8 =	simm.s32 @!p0 $0x1BF5;
	p2 =	por !p2, p0  }
0x20: {  	[sflag:s8] =	ssyncset.s32 @!p0 $0xFFFFF086;
	s6 =	sadd.s32 @!p0 s3, s7;
	s7 =	simm.s32 @!p0 $0x108  }
0x21: {  	s3 =	sadd.s32 s3, s9;
	s6 =	sadd.s32 @!p0 $0x88, s6;
	s7 =	simm.s32 @p2 $0x1082  }
0x22: {  	[simem:s7], [sflag:s8] =	dma.local @!p0 [hbm:s6], $0xF7A  }
0x23: {  	s9 =	sor.u32 $0xD0000000, s2;
	s6 =	simm.s32 $0x108;
	_ =	swait.ge @!p0 [sflag:s8], $0x0  }
0x24: {  	s3 =	sadd.s32 $0x88, s3;
	s6 =	simm.s32 @!p1 $0x1082;
	[sflag:s4] =	ssyncset.s32 $0xFFFFF086  }
0x25: {  	[simem:s6], [sflag:s4] =	dma.local [hbm:s3], $0xF7A  }
0x26: {  	[smem:$0x3F8C] =	sst s1;
	(tag) =	ssettag s2;
	_ =	strace s9  }
0x27: {  	s1 =	sld [smem:$0x3F9C]  }
0x28: {  	s2 =	sld [smem:$0x3F9D]  }
0x29: {  	s4 =	sld [smem:$0x3F9F]  }
0x2a: {  	p0 =	seq.s32 s5, $0x0;
	s5 =	sld [smem:$0x3FA0]  }
0x2b: {  	s6 =	sld [smem:$0x3FA1]  }
0x2c: {  	s7 =	sld [smem:$0x3FA2]  }
0x2d: {  	s3 =	simm.s32 $0x108;
	s8 =	sld [smem:$0x3FA3]  }
0x2e: {  	s3 =	simm.s32 @!p0 $0x1082;
	s9 =	sld [smem:$0x3FA4]  }
0x2f: {  	lr =	sadd.s32 s0, s3;
	s0 =	sld [smem:$0x3F9B]  }
0x30: {  	s3 =	sld [smem:$0x3F9E]  }
0x31: {  	[smem:$0x3FA7] =	sst s10  }
0x32: {  	s10 =	sld [smem:$0x3FA5];
	_ =	sdelay $0x3  }
0x33: {  	p0 =	seq.s32 s10, $0x1;
	s10 =	sld [smem:$0x3FA7];
	_ =	sdelay $0x3  }
0x34: {  	[smem:$0x3FA7] =	sst s10  }
0x35: {  	s10 =	sld [smem:$0x3FA6];
	_ =	sdelay $0x3  }
0x36: {  	p1 =	seq.s32 s10, $0x1;
	s10 =	sld [smem:$0x3FA7];
	_ =	sdelay $0x3  }
0x37: {  	[smem:$0x3FA7] =	sst s10  }
0x38: {  	s10 =	sld [smem:$0x3FA8]  }
0x39: {  	_ = 	snop;
	(pc) =	sbr.ind lr, $3  }
0x3a: {  	_ = 	snop  }
0x3b: {  	_ = 	snop  }
0x3c: {  	p2 =	seq.s32 s10, $0x1;
	s10 =	sld [smem:$0x3FA7]  }
0x3d: {  	_ =	shalt  }
0x3e: {  	_ =	shalt  }
0x3f: {  	_ =	shalt  }
0x40: {  	_ =	shalt  }
0x41: {  	_ =	shalt  }
0x42: {  	_ =	shalt  }
0x43: {  	_ =	shalt  }
0x44: {  	_ =	shalt  }
0x45: {  	_ =	shalt  }
0x46: {  	_ =	shalt  }
0x47: {  	_ =	shalt  }
0x48: {  	_ =	shalt  }
0x49: {  	_ =	shalt  }
0x4a: {  	_ =	shalt  }
0x4b: {  	_ =	shalt  }
0x4c: {  	_ =	shalt  }
0x4d: {  	_ =	shalt  }
0x4e: {  	_ =	shalt  }
0x4f: {  	_ =	shalt  }
0x50: {  	_ =	shalt  }
0x51: {  	_ =	shalt  }
0x52: {  	_ =	shalt  }
0x53: {  	_ =	shalt  }
0x54: {  	_ =	shalt  }
0x55: {  	_ =	shalt  }
0x56: {  	_ =	shalt  }
0x57: {  	_ =	shalt  }
0x58: {  	_ =	shalt  }
0x59: {  	_ =	shalt  }
0x5a: {  	_ =	shalt  }
0x5b: {  	_ =	shalt  }
0x5c: {  	_ =	shalt  }
0x5d: {  	_ =	shalt  }
0x5e: {  	_ =	shalt  }
0x5f: {  	_ =	shalt  }
0x60: {  	_ =	shalt  }
0x61: {  	_ =	shalt  }
0x62: {  	_ =	shalt  }
0x63: {  	_ =	shalt  }
0x64: {  	_ =	shalt  }
0x65: {  	_ =	shalt  }
0x66: {  	_ =	shalt  }
0x67: {  	_ =	shalt  }
0x68: {  	_ =	shalt  }
0x69: {  	_ =	shalt  }
0x6a: {  	_ =	shalt  }
0x6b: {  	_ =	shalt  }
0x6c: {  	_ =	shalt  }
0x6d: {  	_ =	shalt  }
0x6e: {  	_ =	shalt  }
0x6f: {  	_ =	shalt  }
0x70: {  	_ =	shalt  }
0x71: {  	_ =	shalt  }
0x72: {  	_ =	shalt  }
0x73: {  	_ =	shalt  }
0x74: {  	_ =	shalt  }
0x75: {  	_ =	shalt  }
0x76: {  	_ =	shalt  }
0x77: {  	_ =	shalt  }
0x78: {  	_ =	shalt  }
0x79: {  	_ =	shalt  }
0x7a: {  	_ =	shalt  }
0x7b: {  	_ =	shalt  }
0x7c: {  	_ =	shalt  }
0x7d: {  	_ =	shalt  }
0x7e: {  	_ =	shalt  }
0x7f: {  	_ =	shalt  }
0x80: {  	_ =	shalt  }
0x81: {  	_ =	shalt  }
0x82: {  	_ =	shalt  }
0x83: {  	_ =	shalt  }
0x84: {  	_ =	shalt  }
0x85: {  	_ =	shalt  }
0x86: {  	_ =	shalt  }
0x87: {  	_ =	shalt  }
.Lfunc_end0:
.L_simem_size_0:
called_computation.1_lowered:
.L_overlay_start_0:
0x88: {  	s2 =	sld [smem:$0x3FD9]  }
0x89: {  	s3 =	sld [smem:$0x3FFE];
	_ =	sdelay $0x1  }
0x8a: {  	s1 =	srdreg.scid  }
0x8b: {  	s0 =	sand.u32 $0x1, s1  }
0x8c: {  	s17 =	sshll.u32 s0, $0xA;
	s2 =	sadd.s32 s3, s2  }
0x8d: {  	s2 =	sadd.s32 s2, s17  }
0x8e: {  	[smem:$0x3FB3] =	sst s2  }
0x8f: {  	_ = 	snop  }
0x90: {  	s2 =	sld [smem:$0x3FD0];
	(tm) =	ssettm $0x1  }
0x91: {  	s18 =	sld [smem:$0x3FFB];
	_ =	sdelay $0x3  }
0x92: {  	_ =	strace s18  }
0x93: {  	s3 =	sld [smem:$0x3FFC];
	_ =	sdelay $0x3  }
0x94: {  	_ =	strace s3  }
0x95: {  	s3 =	sld [smem:$0x3FFD];
	_ =	sdelay $0x3  }
0x96: {  	_ =	strace s3  }
0x97: {  	_ =	strace $0x8FFFFFFF  }
0x98: {  	s19 =	sld [smem:$0x3FDB];
	_ =	sdelay $0x1  }
0x99: {  	s4 =	simm.s32 $_scs_section_size  }
0x9a: {  	s5 =	simm.s32 $_size__tile_overlayer_lowered;
	s6 =	simm.s32 $_tile_overlayer_lowered  }
0x9b: {  	s22 =	simm.s32 $0x1BFF;
	s21 =	sshll.u32 s6, $0x1;
	s3 =	sadd.s32 s4, s19  }
0x9c: {  	s7 =	simm.s32 $0x0;
	s20 =	sshll.u32 s5, $0x1;
	s5 =	sadd.s32 s21, s3  }
0x9d: {  	[timem:s7], [sflag:s22] =	dma.local [hbm:s5], s20  }
0x9e: {  	_ =	swait.ge [sflag:s22], s20  }
0x9f: {  	s4 =	ssub.s32 $0x0, s20;
	[sflag:s22] =	ssyncset.done $0x0  }
0xa0: {  	[sflag:s22] =	ssyncadd.s32 s4;
	_ =	sdelay $0x1  }
0xa1: {  	s23 =	simm.s32 $0x1B8B  }
0xa2: {  	_ =	swait.ge [sflag:s23], $0x1  }
0xa3: {  	[sflag:s23] =	ssyncset.done $0x0  }
0xa4: {  	s25 =	simm.s32 $0x1B8E;
	s24 =	sld [smem:$0x3FFE];
	[sflag:s23] =	ssyncadd.s32 $0xFFFFFFFF  }
0xa5: {  	s26 =	simm.s32 $execute0_lowered;
	[smem:$0x3FD2] =	sst s25  }
0xa6: {  	s5 =	sshll.u32 s26, $0x1;
	_ =	strace $0x80000046;
	[dreg:$0x1] =	wrdreg $0xFFFFFFFF  }
0xa7: {  	s28 =	simm.s32 $_size_execute0_lowered;
	s3 =	sadd.s32 s3, s5;
	[dreg:$0x0] =	wrdreg $0x0  }
0xa8: {  	s5 =	sshll.u32 s28, $0x1;
	[dreg:$0x2] =	wrdreg s3  }
0xa9: {  	[dreg:$0x3] =	wrdreg s5  }
0xaa: {  	[dreg:$0x4] =	wrdreg $0xC0  }
0xab: {  	_ =	task [dreg:s7], $0x5FFFF  }
0xac: {  	[dreg:$0x1] =	wrdreg $0xFFFFFFFF  }
0xad: {  	[dreg:$0x0] =	wrdreg $0x60  }
0xae: {  	[dreg:$0x2] =	wrdreg s24  }
0xaf: {  	[dreg:$0x3] =	wrdreg s2  }
0xb0: {  	[dreg:$0x4] =	wrdreg $0xA  }
0xb1: {  	_ =	task.clear_ibuf [dreg:s7], $0x5FFFF;
	_ =	strace $0x90000046  }
0xb2: {  	s29 =	simm.s32 $0xA;
	_ =	strace $0x80000048  }
0xb3: {  	_ =	swait.ge [sflag:s29], $0x1  }
0xb4: {  	[sflag:s29] =	ssyncadd.s32 $0xFFFFFFFF  }
0xb5: {  	_ =	strace $0x90000048  }
0xb6: {  	_ =	sfence  }
0xb7: {  	s30 =	sld [smem:$0x0];
	_ =	sdelay $0x2  }
0xb8: {  	s31 =	sshll.u32 s1, $0xD;
	s1 =	sshrl.u32 s1, $0x2  }
0xb9: {  	s3 =	sand.u32 $0x4000, s31;
	s1 =	sadd.s32 s1, s30  }
0xba: {  	s0 =	sor.u32 s3, s0;
	s1 =	sshll.u32 s1, $0x11  }
0xbb: {  	s0 =	sor.u32 s1, s0  }
0xbc: {  	s0 =	sadd.s32 $0x8F2B, s0  }
0xbd: {  	[sflag:s0] =	ssyncadd.remote.s32 $0x1  }
0xbe: {  	_ =	sfence.sel $0xFFFF  }
0xbf: {  	[dreg:$0x0] =	wrdreg $0xFFFFFFFF;
	(pc) =	sbr.abs _section_cstart, $3  }
0xc0: {  	[dreg:$0x1] =	wrdreg $0xFFFFFFFF  }
0xc1: {  	_ =	task.clear_ibuf [dreg:s7], $0x2FFFF;
	_ =	strace $0x9FFFFFFF  }
0xc2: {  	(tm) =	ssettm $0x7FFFFFFF  }
0xc3: {  	_ =	shalt  }
tec
execute0_lowered:
.L_overlay_start_1:
0x0: {  	(tag) =	ssettag $0x1  }
0x1: {  	s13 =	rddreg [dreg:$0x0]  }
0x2: {  	s10 =	rddreg [dreg:$0x1]  }
0x3: {  	s0 =	rddreg [dreg:$0x2];
	s1 =	simm.s32 $0x0  }
0x4: {  	s4 =	srdreg.scid;
	s14 =	simm.s32 $0x1;
	s15 =	simm.s32 $0x6200  }
0x5: {  	s16 =	simm.s32 $0x6100;
	s17 =	simm.s32 $0x4000;
	s18 =	simm.s32 $0x4880  }
0x6: {  	s19 =	simm.s32 $0x5100;
	s20 =	simm.s32 $0x6280;
	s21 =	simm.s32 $0x6180  }
0x7: {  	s22 =	simm.s32 $0x0;
	[smem:$0x7FF] =	sst s1;
	s2 =	sadd.s32 $0x2C00, s13  }
0x8: {  	s3 =	sadd.s32 $0x3600, s13;
	s5 =	sadd.s32 $0x3C00, s13;
	s6 =	sadd.s32 $0x3A00, s13  }
0x9: {  	s8 =	sand.u32 $0x1, s4;
	s7 =	sadd.s32 $0x3400, s13;
	s4 =	stileid.u32  }
0xa: {  	v0 =	vlaneseq.u32;
	v2 =	vimm.s32 $0x30201000;
	s12 =	sadd.s32 $0x3880, s13;
	s13 =	sadd.s32 $0x3E80, s13;
	_ =	strace $0x80000047  }
0xb: {  	v3 =	vimm.s32 $0x70605040;
	vm0 =	vcmask $0xF00;
	vm1 =	vcmask $0x1F10;
	s9 =	ssub.s32 $0x2, s8;
	p0 =	seq.s32 s8, $0x0;
	p1 =	slt.u32 s4, $0x8  }
.Ltmp0:
0xc: {  	v6 =	vimm.f32 $0.0e+00;
	v1 =	vmul.u32 $0x8, v0;
	v4 =	vunpack.c.0.s8.s32 v2;
	p2 =	seq.s32 s4, $0x8;
	s30 =	sshll.u32 s4, $0x1;
	(pc) =	sbr.rel .LBB2_1-.Ltmp0, $4  }
0xd: {  	v9 =	vimm.f32 $1.000000000e+00;
	v5 =	vunpack.c.0.s8.s32 v3;
	s31 =	sshll.u32 s4, $0x9;
	v2 =	vmov s4;
	s29 =	sshrl.u32 s9, $0x1;
	p1 =	por !p0, !p1  }
0xe: {  	p2 =	por !p0, !p2;
	s8 =	sadd.s32 s7, s30;
	v3 =	vor.u32 $0x1, v1;
	v4 =	vnsel vm0, $0x70, v4;
	vm0 =	vgt.u32 v2, v0;
	s11 =	ssub.s32 s9, s29  }
0xf: {  	v7 =	vor.u32 $0x2, v1;
	v8 =	vor.u32 $0x3, v1;
	vm2 =	veq.s32 v2, v0;
	p0 =	por !p1, !p1;
	p1 =	por !p2, !p2;
	s9 =	sadd.s32 s10, s31  }
0x10: {  	s10 =	sadd.s32 $0x1000, s10;
	v4 =	vsel vm1, v5, v4;
	v5 =	vimm.s32 $0x0;
	vm1 =	vmmov $0xff;
	p2 =	por p0, p1;
	s11 =	smax.u32 s11, $0x1  }
.LBB2_31:
0x11: {  	v16 =	vsel vm3, $0x1, v5;
	v17 =	vsel vm4, $0x1, v5;
	vm3 =	vge.s32 v18, v15  }
0x12: {  	v55 =	vadd.s32 v17, v16;
	v56 =	vsel vm3, $0x1, v5;
	vm3 =	vge.s32 v18, v14  }
0x13: {  	v57 =	vadd.s32 v56, v55;
	v58 =	vsel vm3, $0x1, v5;
	vm3 =	vge.s32 v18, v13  }
0x14: {  	v59 =	vadd.s32 v58, v57;
	v60 =	vsel vm3, $0x1, v5;
	vm3 =	vge.s32 v18, v12  }
0x15: {  	v61 =	vadd.s32 v60, v59;
	v62 =	vsel vm3, $0x1, v5;
	vm3 =	vge.s32 v18, v11  }
0x16: {  	v11 =	vadd.s32 v62, v61;
	v63 =	vsel vm3, $0x1, v5;
	vm3 =	vge.s32 v18, v10  }
0x17: {  	v10 =	vadd.s32 v63, v11;
	v11 =	vsel vm3, $0x1, v5  }
0x18: {  	[tilespmem:s23+$0x0] =	vst v19;
	s31 =	sadd.s32 $0x10, s23;
	v10 =	vadd.s32 v11, v10  }
0x19: {  	[tilespmem:s31+$0x0] =	vst v10  }
0x1a: {  	[hbm4b:s6+s1] =	stream.linear.scatter [tilespmem:s21], [sflag:$0x1], $0x80, $0x38;
	[tilespmem:$0x6300] =	vst v63  }
0x1b: {  	_ =	swait.ge [sflag:s14], $0x80  }
0x1c: {  	[sflag:s14] =	ssyncset.done $0x0  }
0x1d: {  	[sflag:s14] =	ssyncadd.s32 $0xFFFFFF80  }
.LBB2_32:
0x1e: {  	s22 =	sadd.s32 $0x1, s22  }
0x1f: {  	p3 =	sne.s32 s22, s11  }
.Ltmp1:
0x20: {  	_ = 	snop;
	(pc) =	sbr.rel @!p3 .LBB2_33-.Ltmp1, $2  }
0x21: {  	_ =	sdelay $0x1  }
0x22: {  	[bflag:$0x0] =	sbarrier.arrive $0xFFFF;
	_ =	sdelay $0x1  }
.LBB2_1:
.Ltmp2:
0x23: {  	(pc) =	sbr.rel @!p2 .LBB2_38-.Ltmp2, $1  }
0x24: {  	_ =	sdelay $0x3  }
.Ltmp3:
0x25: {  	s23 =	simm.s32 $0x0;
	(pc) =	sbr.rel @!p0 .LBB2_20-.Ltmp3, $4  }
0x26: {  	[tilespmem:s23], [sflag:$0x1] =	stream.linear.gather [hbm4b:s2+s23], $0x4000, $0x38;
	[tilespmem:$0x6300] =	vst v63  }
0x27: {  	_ =	swait.ge [sflag:s14], $0x4000  }
0x28: {  	[sflag:s14] =	ssyncset.done $0x0  }
0x29: {  	v10 =	vimm.s32 $0x0;
	[sflag:s14] =	ssyncadd.s32 $0xFFFFC000  }
0x2a: {  	v11 =	vor.u32 s23, v1  }
0x2b: {  	v12 =	vor.u32 s23, v3;
	_ =	sdelay $0x3  }
0x2c: {  	v11 =	vld.idx.msk [tilespmem:v11+s1+$0x0], $0xffff  }
0x2d: {  	v12 =	vld.idx.msk [tilespmem:v12+s1+$0x0], $0xffff  }
0x2e: {  	s31 =	simm.s32 $0x80  }
0x2f: {  	v13 =	vor.u32 s31, v1  }
0x30: {  	v15 =	vor.u32 s31, v3  }
0x31: {  	v11 =	vtrunc.f32 v11  }
0x32: {  	v12 =	vtrunc.f32 v12;
	v11 =	vcvt.f32.s32 v11  }
0x33: {  	s24 =	simm.s32 $0x100;
	v12 =	vcvt.f32.s32 v12  }
0x34: {  	v14 =	vor.u32 s24, v1;
	vm3 =	veq.s32 v2, v11;
	v11 =	vld.idx.msk [tilespmem:v13+s1+$0x0], $0xffff  }
0x35: {  	v16 =	vmpcnt.ones.xlane vm3;
	vm3 =	veq.s32 v2, v12;
	v12 =	vld.idx.msk [tilespmem:v15+s1+$0x0], $0xffff;
	v15 =	vor.u32 s24, v3;
	_ =	sdelay $0x2  }
0x36: {  	s23 =	simm.s32 $0x180;
	v13 =	vmpcnt.ones.xlane vm3  }
.LBB2_4:
0x37: {  	v17 =	vtrunc.f32 v11;
	v11 =	vld.idx.msk [tilespmem:v14+s1+$0x0], $0xffff;
	v14 =	vor.u32 s23, v1;
	v10 =	vadd.s32 v10, v16;
	s24 =	smov.u32 s23;
	p3 =	sne.s32 s23, $0x3F80  }
.Ltmp4:
0x38: {  	s23 =	sadd.s32 $0x80, s23;
	v16 =	vcvt.f32.s32 v17;
	v17 =	vtrunc.f32 v12;
	v12 =	vld.idx.msk [tilespmem:v15+s1+$0x0], $0xffff;
	v10 =	vadd.s32 v13, v10;
	(pc) =	sbr.rel @p3 .LBB2_4-.Ltmp4, $4  }
0x39: {  	v15 =	vor.u32 s24, v3;
	v13 =	vcvt.f32.s32 v17  }
0x3a: {  	vm3 =	veq.s32 v2, v16  }
0x3b: {  	v16 =	vmpcnt.ones.xlane vm3;
	vm3 =	veq.s32 v2, v13  }
0x3c: {  	v13 =	vmpcnt.ones.xlane vm3  }
0x3d: {  	_ =	sdelay $0x3  }
0x3e: {  	v14 =	vld.idx.msk [tilespmem:v14+s1+$0x0], $0xffff  }
0x3f: {  	v15 =	vld.idx.msk [tilespmem:v15+s1+$0x0], $0xffff;
	_ =	sdelay $0x1  }
0x40: {  	v11 =	vtrunc.f32 v11  }
0x41: {  	v12 =	vtrunc.f32 v12;
	v11 =	vcvt.f32.s32 v11  }
0x42: {  	v10 =	vadd.s32 v10, v16;
	v12 =	vcvt.f32.s32 v12;
	v14 =	vtrunc.f32 v14  }
0x43: {  	vm3 =	veq.s32 v2, v11;
	v60 =	vtrunc.f32 v15;
	v11 =	vcvt.f32.s32 v14  }
0x44: {  	v61 =	vmpcnt.ones.xlane vm3;
	vm3 =	veq.s32 v2, v12;
	v62 =	vcvt.f32.s32 v60  }
0x45: {  	v10 =	vadd.s32 v13, v10;
	v63 =	vmpcnt.ones.xlane vm3;
	vm3 =	veq.s32 v2, v11  }
0x46: {  	v10 =	vadd.s32 v10, v61;
	v11 =	vmpcnt.ones.xlane vm3;
	vm3 =	veq.s32 v2, v62  }
0x47: {  	v10 =	vadd.s32 v63, v10;
	v12 =	vmpcnt.ones.xlane vm3  }
0x48: {  	v10 =	vadd.s32 v10, v11  }
0x49: {  	v10 =	vadd.s32 v12, v10  }
0x4a: {  	[tilespmem:$0x6200] =	vst v10  }
0x4b: {  	[hbm4b:s8+s1] =	stream.linear.scatter [tilespmem:s15], [sflag:$0x1], $0x10, $0x38;
	[tilespmem:$0x6300] =	vst v63  }
0x4c: {  	_ =	swait.ge [sflag:s14], $0x10  }
0x4d: {  	[sflag:s14] =	ssyncset.done $0x0  }
0x4e: {  	[sflag:s14] =	ssyncadd.s32 $0xFFFFFFF0  }
.Ltmp5:
0x4f: {  	[bflag:$0x0] =	sbarrier.arrive $0xFFFF;
	(pc) =	sbr.rel @!p0 .LBB2_21-.Ltmp5, $4  }
0x50: {  	[tilespmem:s16], [sflag:$0x1] =	stream.linear.gather [hbm4b:s7+s1], $0x80, $0x38;
	[tilespmem:$0x6300] =	vst v63  }
0x51: {  	_ =	swait.ge [sflag:s14], $0x80  }
0x52: {  	[sflag:s14] =	ssyncset.done $0x0  }
0x53: {  	[sflag:s14] =	ssyncadd.s32 $0xFFFFFF80  }
0x54: {  	_ =	sdelay $0x3  }
0x55: {  	v10 =	vld.idx.msk [tilespmem:v4+s16+$0x0], $0xffff;
	_ =	sdelay $0x4  }
0x56: {  	v10 =	vadd.s32 $0x7F, v10  }
0x57: {  	v11 =	vshra.s32 v10, $0x1F;
	v12 =	vand.u32 $0x7F, v10  }
0x58: {  	vm4 =	vlt.s32 v10, $0x1;
	vm3 =	vne.s32 v12, $0x0;
	v11 =	vshrl.u32 v11, $0x19  }
0x59: {  	v10 =	vadd.s32 v11, v10;
	vm3 =	vmand vm4, vm3  }
0x5a: {  	v10 =	vshrl.u32 v10, $0x7;
	v11 =	vsel vm3, $0xFFFFFFFF, v5  }
0x5b: {  	v10 =	vadd.s32 v11, v10  }
0x5c: {  	v10 =	vshll.u32 v10, $0x7  }
0x5d: {  	v10 =	vnsel vm1, $0x0, v10  }
0x5e: {  	v11 =	vnsel vm0, $0x0, v10  }
0x5f: {  	(xrf0) =	vadd.scan.msk.s32 $0xffff, v11;
	_ =	sdelay $0x5  }
0x60: {  	v11, _, _ =	vpop (xrf0)  }
0x61: {  	(v2sf) =	vpush v11, $0xF;
	_ =	sdelay $0xe  }
0x62: {  	s24 =	simm.s32 $0x40;
	s25 =	simm.s32 $0x0;
	s23 =	spop (v2sf)  }
.LBB2_7:
0x63: {  	p3 =	seq.s32 s24, $0x2000;
	[tilespmem:s25+$0x4000] =	vst v5;
	s26 =	smov.u32 s24;
	s24 =	sadd.s32 $0x40, s24  }
.Ltmp6:
0x64: {  	[tilespmem:s25+$0x4880] =	vst v6;
	(pc) =	sbr.rel @!p3 .LBB2_7-.Ltmp6, $2  }
0x65: {  	_ =	sdelay $0x2  }
0x66: {  	s25 =	sshra.s32 s26, $0x2  }
0x67: {  	[tilespmem:s25+$0x4000] =	vst v5  }
0x68: {  	[tilespmem:s25+$0x4880] =	vst v6;
	s24 =	simm.s32 $0x40;
	s25 =	simm.s32 $0x0  }
.LBB2_9:
0x69: {  	p3 =	seq.s32 s24, $0x3FC0;
	[tilespmem:s25+$0x5100] =	vst v5;
	s25 =	smov.u32 s24;
	s24 =	sadd.s32 $0x40, s24  }
.Ltmp7:
0x6a: {  	(pc) =	sbr.rel @!p3 .LBB2_9-.Ltmp7, $2  }
0x6b: {  	_ =	sdelay $0x2  }
0x6c: {  	s25 =	sshra.s32 s25, $0x2  }
0x6d: {  	[tilespmem:s25+$0x5100] =	vst v5;
	v11 =	vbroadcast v11, $0xF;
	v12 =	vimm.s32 $0x0;
	s24 =	simm.s32 $0x0;
	s25 =	simm.s32 $0x0  }
.LBB2_11:
0x6e: {  	v13 =	vor.u32 s25, v1;
	_ =	sdelay $0x4  }
0x6f: {  	v13 =	vld.idx.msk [tilespmem:v13+s1+$0x0], $0xffff;
	_ =	sdelay $0x4  }
0x70: {  	v13 =	vtrunc.f32 v13  }
0x71: {  	v13 =	vcvt.f32.s32 v13;
	_ =	sdelay $0x1  }
0x72: {  	vm3 =	veq.s32 v2, v13  }
0x73: {  	v13 =	vsel vm3, $0x1, v5  }
0x74: {  	(xrf0) =	vadd.scan.msk.s32 $0xffff, v13;
	_ =	sdelay $0x3  }
0x75: {  	v14 =	vor.u32 s25, v7;
	_ =	sdelay $0x1  }
0x76: {  	v15, _, _ =	vpop (xrf0)  }
0x77: {  	v13 =	vsub.s32 v15, v13  }
0x78: {  	v13 =	vadd.s32 v12, v13  }
0x79: {  	v14 =	vld.idx.msk [tilespmem:v14+s1+$0x0], $0xffff;
	v15 =	vor.u32 s24, v0  }
0x7a: {  	v16 =	vshll.u32 v15, $0x1  }
0x7b: {  	v17 =	vor.u32 s25, v3;
	_ =	sdelay $0x1  }
0x7c: {  	[tilespmem:v13+s17+$0x0] =	vst.idx.msk vm3, v15  }
0x7d: {  	[tilespmem:v13+s18+$0x0] =	vst.idx.msk vm3, v14;
	v13 =	vadd.s32 v11, v13  }
0x7e: {  	[tilespmem:v16+s19+$0x0] =	vst.idx.msk vm3, v13  }
0x7f: {  	v13 =	vld.idx.msk [tilespmem:v17+s1+$0x0], $0xffff;
	_ =	sdelay $0x4  }
0x80: {  	v13 =	vtrunc.f32 v13  }
0x81: {  	v13 =	vcvt.f32.s32 v13;
	_ =	sdelay $0x1  }
0x82: {  	vm4 =	veq.s32 v2, v13  }
0x83: {  	v13 =	vsel vm4, $0x1, v5  }
0x84: {  	(xrf0) =	vadd.scan.msk.s32 $0xffff, v13;
	_ =	sdelay $0x3  }
0x85: {  	v14 =	vor.u32 s25, v8  }
0x86: {  	v63 =	vmpcnt.ones.xlane vm3  }
0x87: {  	v18, _, _ =	vpop (xrf0)  }
0x88: {  	v12 =	vadd.s32 v12, v63;
	v13 =	vsub.s32 v18, v13  }
0x89: {  	v13 =	vadd.s32 v12, v13  }
0x8a: {  	v14 =	vld.idx.msk [tilespmem:v14+s1+$0x0], $0xffff  }
0x8b: {  	p3 =	sne.s32 s25, $0x3F80;
	v16 =	vor.u32 $0x1, v16  }
.Ltmp8:
0x8c: {  	_ = 	snop;
	(pc) =	sbr.rel @p3 .LBB2_11-.Ltmp8, $4  }
0x8d: {  	_ = 	snop  }
0x8e: {  	[tilespmem:v13+s17+$0x0] =	vst.idx.msk vm4, v15;
	v15 =	vmpcnt.ones.xlane vm4  }
0x8f: {  	[tilespmem:v13+s18+$0x0] =	vst.idx.msk vm4, v14;
	v13 =	vadd.s32 v11, v13  }
0x90: {  	s24 =	sadd.s32 $0x10, s24;
	s25 =	sadd.s32 $0x80, s25;
	[tilespmem:v16+s19+$0x0] =	vst.idx.msk vm4, v13;
	v12 =	vadd.s32 v12, v15  }
0x91: {  	v10 =	vnsel vm2, $0x0, v10  }
0x92: {  	(xrf0) =	vadd.scan.msk.s32 $0xffff, v10;
	_ =	sdelay $0x5  }
0x93: {  	v10, _, _ =	vpop (xrf0)  }
0x94: {  	(v2sf) =	vpush v10, $0xF;
	_ =	sdelay $0xe  }
0x95: {  	s24 =	spop (v2sf)  }
0x96: {  	s25 =	sand.u32 $0x7F, s24  }
0x97: {  	s31 =	sshra.s32 s24, $0x1F;
	p4 =	slt.s32 s24, $0x1;
	p3 =	sne.s32 s25, $0x0  }
0x98: {  	s25 =	sshrl.u32 s31, $0x19;
	p3 =	por !p4, !p3  }
0x99: {  	s24 =	sadd.s32 s25, s24;
	s25 =	simm.s32 $0x1;
	p3 =	por !p3, !p3  }
0x9a: {  	s24 =	sshra.s32 s24, $0x7;
	s25 =	simm.s32 @!p3 $0x0  }
0x9b: {  	s25 =	ssub.s32 s24, s25  }
0x9c: {  	p3 =	slt.s32 s25, $0x1  }
.Ltmp9:
0x9d: {  	_ = 	snop;
	(pc) =	sbr.rel @p3 .LBB2_19-.Ltmp9, $1  }
0x9e: {  	_ =	sdelay $0x3  }
0x9f: {  	p4 =	sne.s32 s25, $0x1  }
.Ltmp10:
0xa0: {  	_ = 	snop;
	(pc) =	sbr.rel @!p4 .LBB2_14-.Ltmp10, $3  }
0xa1: {  	_ =	sdelay $0x1  }
0xa2: {  	s24 =	simm.s32 $0x4880;
	s26 =	simm.s32 $0x4000  }
0xa3: {  	s29 =	sadd.s32 $0xFFFFFFFF, s25;
	s25 =	sshrl.u32 s23, $0x3;
	p3 =	por $0x0, $0x0  }
0xa4: {  	s28 =	sadd.s32 s3, s25  }
0xa5: {  	[hbm4b:s28+s1] =	stream.linear.scatter [tilespmem:s26], [sflag:$0x1], $0x80, $0x38;
	[tilespmem:$0x6300] =	vst v63  }
0xa6: {  	p4 =	sne.s32 s29, $0x1;
	_ =	swait.ge [sflag:s14], $0x80  }
.Ltmp11:
0xa7: {  	s31 =	sadd.s32 s5, s25;
	[sflag:s14] =	ssyncset.done $0x0;
	(pc) =	sbr.rel @!p4 .LBB2_16-.Ltmp11, $4  }
0xa8: {  	s29 =	sadd.s32 $0xFFFFFFFF, s29;
	p3 =	por $0x1, $0x1;
	[sflag:s14] =	ssyncadd.s32 $0xFFFFFF80  }
0xa9: {  	[hbm4b:s31+s1] =	stream.linear.scatter [tilespmem:s24], [sflag:$0x1], $0x80, $0x38;
	[tilespmem:$0x6300] =	vst v63  }
0xaa: {  	s28 =	sadd.s32 $0x80, s23;
	s26 =	simm.s32 $0x4080;
	_ =	swait.ge [sflag:s14], $0x80  }
0xab: {  	s23 =	simm.s32 $0x4880;
	s25 =	sshrl.u32 s28, $0x3;
	[sflag:s14] =	ssyncset.done $0x0  }
.LBB2_17:
0xac: {  	s30 =	sadd.s32 s3, s25;
	[sflag:s14] =	ssyncadd.s32 $0xFFFFFF80;
	s23 =	sadd.s32 $0x80, s23  }
0xad: {  	[hbm4b:s30+s1] =	stream.linear.scatter [tilespmem:s26], [sflag:$0x1], $0x80, $0x38;
	[tilespmem:$0x6300] =	vst v63  }
0xae: {  	p4 =	sne.s32 s29, $0x1;
	s29 =	sadd.s32 $0xFFFFFFFF, s29;
	_ =	swait.ge [sflag:s14], $0x80  }
.Ltmp12:
0xaf: {  	[sflag:s14] =	ssyncset.done $0x0;
	(pc) =	sbr.rel @p4 .LBB2_17-.Ltmp12, $4  }
0xb0: {  	s25 =	sadd.s32 s5, s25;
	[sflag:s14] =	ssyncadd.s32 $0xFFFFFF80  }
0xb1: {  	[hbm4b:s25+s1] =	stream.linear.scatter [tilespmem:s23], [sflag:$0x1], $0x80, $0x38;
	[tilespmem:$0x6300] =	vst v63  }
0xb2: {  	s28 =	sadd.s32 $0x80, s28;
	_ =	swait.ge [sflag:s14], $0x80  }
0xb3: {  	s26 =	sadd.s32 $0x80, s26;
	s25 =	sshrl.u32 s28, $0x3;
	[sflag:s14] =	ssyncset.done $0x0  }
.LBB2_18:
0xb4: {  	s28 =	sadd.s32 s3, s25;
	[sflag:s14] =	ssyncadd.s32 @p3 $0xFFFFFF80  }
0xb5: {  	[hbm4b:s28+s1] =	stream.linear.scatter [tilespmem:s26], [sflag:$0x1], $0x80, $0x38;
	[tilespmem:$0x6300] =	vst v63  }
0xb6: {  	_ =	swait.ge [sflag:s14], $0x80  }
0xb7: {  	s23 =	sadd.s32 @p3 $0x80, s23;
	[sflag:s14] =	ssyncset.done $0x0  }
0xb8: {  	s31 =	sadd.s32 s5, s25;
	s24 =	smov.u32 @p3 s23;
	[sflag:s14] =	ssyncadd.s32 $0xFFFFFF80  }
0xb9: {  	[hbm4b:s31+s1] =	stream.linear.scatter [tilespmem:s24], [sflag:$0x1], $0x80, $0x38;
	[tilespmem:$0x6300] =	vst v63  }
0xba: {  	_ =	swait.ge [sflag:s14], $0x80  }
0xbb: {  	[sflag:s14] =	ssyncset.done $0x0  }
0xbc: {  	[sflag:s14] =	ssyncadd.s32 $0xFFFFFF80  }
.LBB2_19:
.Ltmp13:
0xbd: {  	(pc) =	sbr.rel .LBB2_21-.Ltmp13, $4  }
0xbe: {  	[hbm4b:s9+s1] =	stream.linear.scatter [tilespmem:s19], [sflag:$0x1], $0x1000, $0x38;
	[tilespmem:$0x6300] =	vst v63  }
0xbf: {  	_ =	swait.ge [sflag:s14], $0x1000  }
0xc0: {  	[sflag:s14] =	ssyncset.done $0x0  }
0xc1: {  	[sflag:s14] =	ssyncadd.s32 $0xFFFFF000  }
.LBB2_38:
.Ltmp14:
0xc2: {  	(pc) =	sbr.rel .LBB2_21-.Ltmp14, $2  }
0xc3: {  	_ =	sdelay $0x1  }
0xc4: {  	[bflag:$0x0] =	sbarrier.arrive $0xFFFF;
	_ =	sdelay $0x1  }
.LBB2_20:
0xc5: {  	[bflag:$0x0] =	sbarrier.arrive $0xFFFF  }
0xc6: {  	[tilespmem:s16], [sflag:$0x1] =	stream.linear.gather [hbm4b:s7+s1], $0x80, $0x38;
	[tilespmem:$0x6300] =	vst v63  }
0xc7: {  	_ =	swait.ge [sflag:s14], $0x80  }
0xc8: {  	[sflag:s14] =	ssyncset.done $0x0  }
0xc9: {  	[sflag:s14] =	ssyncadd.s32 $0xFFFFFF80  }
.LBB2_21:
.Ltmp15:
0xca: {  	(pc) =	sbr.rel @!p1 .LBB2_32-.Ltmp15, $1  }
0xcb: {  	_ =	sdelay $0x3  }
0xcc: {  	_ =	sdelay $0x3  }
0xcd: {  	v10 =	vld.idx.msk [tilespmem:v4+s16+$0x0], $0xffff;
	_ =	sdelay $0x4  }
0xce: {  	v10 =	vadd.s32 $0x7F, v10  }
0xcf: {  	v11 =	vshra.s32 v10, $0x1F;
	v12 =	vand.u32 $0x7F, v10  }
0xd0: {  	vm4 =	vlt.s32 v10, $0x1;
	vm3 =	vne.s32 v12, $0x0;
	v11 =	vshrl.u32 v11, $0x19  }
0xd1: {  	v10 =	vadd.s32 v11, v10;
	vm3 =	vmand vm4, vm3  }
0xd2: {  	v10 =	vshrl.u32 v10, $0x7;
	v11 =	vsel vm3, $0xFFFFFFFF, v5  }
0xd3: {  	v10 =	vadd.s32 v11, v10  }
0xd4: {  	v10 =	vshll.u32 v10, $0x7  }
0xd5: {  	v10 =	vnsel vm1, $0x0, v10  }
0xd6: {  	(xrf0) =	vadd.scan.msk.s32 $0xffff, v10;
	_ =	sdelay $0x5  }
0xd7: {  	v11, _, _ =	vpop (xrf0)  }
0xd8: {  	(v2sf) =	vpush v11, $0xF;
	_ =	sdelay $0xe  }
0xd9: {  	s25 =	simm.s32 $0x0;
	s24 =	simm.s32 $0x0;
	s23 =	spop (v2sf)  }
.LBB2_23:
0xda: {  	p3 =	sne.s32 s24, $0x3FC0  }
.Ltmp16:
0xdb: {  	_ = 	snop;
	(pc) =	sbr.rel @p3 .LBB2_23-.Ltmp16, $3  }
0xdc: {  	_ =	sdelay $0x1  }
0xdd: {  	s26 =	sshra.s32 s24, $0x2  }
0xde: {  	s24 =	sadd.s32 $0x40, s24;
	[tilespmem:s26+$0x5100] =	vst v5  }
0xdf: {  	s24 =	simm.s32 $0x4000;
	v11 =	vor.u32 s25, v0  }
0xe0: {  	s25 =	simm.s32 $0x4880;
	[tilespmem:s24+$0x0] =	vst v11  }
0xe1: {  	s26 =	simm.s32 $0x10;
	[tilespmem:s25+$0x0] =	vst v9  }
.LBB2_25:
0xe2: {  	p3 =	sne.s32 s26, $0x7F0  }
.Ltmp17:
0xe3: {  	_ = 	snop;
	(pc) =	sbr.rel @p3 .LBB2_25-.Ltmp17, $4  }
0xe4: {  	_ = 	snop  }
0xe5: {  	v11 =	vor.u32 s26, v0;
	s24 =	sadd.s32 $0x10, s24  }
0xe6: {  	s26 =	sadd.s32 $0x10, s26;
	s25 =	sadd.s32 $0x10, s25;
	[tilespmem:s24+$0x0] =	vst v11  }
0xe7: {  	[tilespmem:s25+$0x0] =	vst v9  }
0xe8: {  	[tilespmem:$0x6280] =	vst v6;
	s24 =	ssub.s32 $0x1400, s23  }
0xe9: {  	[tilespmem:$0x6290] =	vst v6;
	s24 =	sshra.s32 s24, $0x7  }
0xea: {  	[tilespmem:$0x62A0] =	vst v6;
	p3 =	slt.s32 s24, $0x1  }
.Ltmp18:
0xeb: {  	[tilespmem:$0x62B0] =	vst v6;
	(pc) =	sbr.rel @p3 .LBB2_27-.Ltmp18, $4  }
0xec: {  	[tilespmem:$0x62C0] =	vst v6  }
0xed: {  	[tilespmem:$0x62D0] =	vst v6  }
0xee: {  	[tilespmem:$0x62E0] =	vst v6  }
0xef: {  	[tilespmem:$0x62F0] =	vst v6  }
0xf0: {  	p4 =	seq.s32 s24, $0x1  }
.Ltmp19:
0xf1: {  	_ = 	snop;
	(pc) =	sbr.rel @p4 .LBB2_37-.Ltmp19, $2  }
0xf2: {  	_ =	sdelay $0x2  }
0xf3: {  	s25 =	sadd.s32 $0xFFFFFFFF, s24;
	s24 =	sshrl.u32 s23, $0x3;
	p3 =	por $0x0, $0x0  }
0xf4: {  	s26 =	sadd.s32 s3, s24  }
0xf5: {  	[hbm4b:s26+s1] =	stream.linear.scatter [tilespmem:s19], [sflag:$0x1], $0x80, $0x38;
	[tilespmem:$0x6300] =	vst v63  }
0xf6: {  	p4 =	seq.s32 s25, $0x1;
	_ =	swait.ge [sflag:s14], $0x80  }
.Ltmp20:
0xf7: {  	[sflag:s14] =	ssyncset.done $0x0;
	(pc) =	sbr.rel @p4 .LBB2_37-.Ltmp20, $4  }
0xf8: {  	s31 =	sadd.s32 s5, s24;
	[sflag:s14] =	ssyncadd.s32 $0xFFFFFF80  }
0xf9: {  	[hbm4b:s31+s1] =	stream.linear.scatter [tilespmem:s20], [sflag:$0x1], $0x80, $0x38;
	[tilespmem:$0x6300] =	vst v63  }
0xfa: {  	s25 =	sadd.s32 $0xFFFFFFFF, s25;
	s23 =	sadd.s32 $0x80, s23;
	_ =	swait.ge [sflag:s14], $0x80  }
0xfb: {  	p3 =	por $0x1, $0x1;
	s24 =	sshrl.u32 s23, $0x3;
	[sflag:s14] =	ssyncset.done $0x0  }
.LBB2_36:
0xfc: {  	p4 =	seq.s32 s25, $0x1;
	s26 =	sadd.s32 s3, s24;
	[sflag:s14] =	ssyncadd.s32 $0xFFFFFF80  }
0xfd: {  	[hbm4b:s26+s1] =	stream.linear.scatter [tilespmem:s19], [sflag:$0x1], $0x80, $0x38;
	[tilespmem:$0x6300] =	vst v63  }
0xfe: {  	s25 =	sadd.s32 $0xFFFFFFFF, s25;
	_ =	swait.ge [sflag:s14], $0x80  }
.Ltmp21:
0xff: {  	[sflag:s14] =	ssyncset.done $0x0;
	(pc) =	sbr.rel @!p4 .LBB2_36-.Ltmp21, $4  }
0x100: {  	s24 =	sadd.s32 s5, s24;
	[sflag:s14] =	ssyncadd.s32 $0xFFFFFF80  }
0x101: {  	[hbm4b:s24+s1] =	stream.linear.scatter [tilespmem:s20], [sflag:$0x1], $0x80, $0x38;
	[tilespmem:$0x6300] =	vst v63  }
0x102: {  	s23 =	sadd.s32 $0x80, s23;
	_ =	swait.ge [sflag:s14], $0x80  }
0x103: {  	s24 =	sshrl.u32 s23, $0x3;
	[sflag:s14] =	ssyncset.done $0x0  }
.LBB2_37:
0x104: {  	s23 =	sadd.s32 s3, s24;
	[sflag:s14] =	ssyncadd.s32 @p3 $0xFFFFFF80  }
0x105: {  	[hbm4b:s23+s1] =	stream.linear.scatter [tilespmem:s19], [sflag:$0x1], $0x80, $0x38;
	[tilespmem:$0x6300] =	vst v63  }
0x106: {  	_ =	swait.ge [sflag:s14], $0x80  }
0x107: {  	[sflag:s14] =	ssyncset.done $0x0  }
0x108: {  	s31 =	sadd.s32 s5, s24;
	[sflag:s14] =	ssyncadd.s32 $0xFFFFFF80  }
0x109: {  	[hbm4b:s31+s1] =	stream.linear.scatter [tilespmem:s20], [sflag:$0x1], $0x80, $0x38;
	[tilespmem:$0x6300] =	vst v63  }
0x10a: {  	_ =	swait.ge [sflag:s14], $0x80  }
0x10b: {  	[sflag:s14] =	ssyncset.done $0x0  }
0x10c: {  	[sflag:s14] =	ssyncadd.s32 $0xFFFFFF80  }
.LBB2_27:
0x10d: {  	s24 =	simm.s32 $0x4000;
	s25 =	sadd.s32 $0x0, s12  }
0x10e: {  	[hbm4b:s25+s1] =	stream.linear.scatter [tilespmem:s24], [sflag:$0x1], $0x80, $0x38;
	[tilespmem:$0x6300] =	vst v63  }
0x10f: {  	_ =	swait.ge [sflag:s14], $0x80  }
0x110: {  	[sflag:s14] =	ssyncset.done $0x0  }
0x111: {  	s23 =	simm.s32 $0x4880;
	s31 =	sadd.s32 $0x0, s13;
	[sflag:s14] =	ssyncadd.s32 $0xFFFFFF80  }
0x112: {  	[hbm4b:s31+s1] =	stream.linear.scatter [tilespmem:s23], [sflag:$0x1], $0x80, $0x38;
	[tilespmem:$0x6300] =	vst v63  }
0x113: {  	s26 =	simm.s32 $0x20;
	s25 =	simm.s32 $0x4080;
	_ =	swait.ge [sflag:s14], $0x80  }
0x114: {  	s24 =	simm.s32 $0x4900;
	s23 =	simm.s32 $0x10;
	[sflag:s14] =	ssyncset.done $0x0  }
.LBB2_28:
0x115: {  	s28 =	sadd.s32 s23, s12  }
0x116: {  	[sflag:s14] =	ssyncadd.s32 $0xFFFFFF80;
	s29 =	smov.u32 s26;
	s30 =	sadd.s32 $0x10, s26  }
0x117: {  	[hbm4b:s28+s1] =	stream.linear.scatter [tilespmem:s25], [sflag:$0x1], $0x80, $0x38;
	[tilespmem:$0x6300] =	vst v63  }
0x118: {  	p3 =	sne.s32 s26, $0xF0;
	_ =	swait.ge [sflag:s14], $0x80  }
.Ltmp22:
0x119: {  	[sflag:s14] =	ssyncset.done $0x0;
	(pc) =	sbr.rel @p3 .LBB2_28-.Ltmp22, $4  }
0x11a: {  	s26 =	sadd.s32 s23, s13;
	s23 =	smov.u32 s29;
	[sflag:s14] =	ssyncadd.s32 $0xFFFFFF80  }
0x11b: {  	[hbm4b:s26+s1] =	stream.linear.scatter [tilespmem:s24], [sflag:$0x1], $0x80, $0x38;
	[tilespmem:$0x6300] =	vst v63  }
0x11c: {  	s25 =	sadd.s32 $0x80, s25;
	_ =	swait.ge [sflag:s14], $0x80  }
0x11d: {  	s24 =	sadd.s32 $0x80, s24;
	s26 =	smov.u32 s30;
	[sflag:s14] =	ssyncset.done $0x0  }
0x11e: {  	s26 =	sadd.s32 s23, s12;
	[sflag:s14] =	ssyncadd.s32 $0xFFFFFF80  }
0x11f: {  	[hbm4b:s26+s1] =	stream.linear.scatter [tilespmem:s25], [sflag:$0x1], $0x80, $0x38;
	[tilespmem:$0x6300] =	vst v63  }
0x120: {  	_ =	swait.ge [sflag:s14], $0x80  }
0x121: {  	[sflag:s14] =	ssyncset.done $0x0  }
0x122: {  	s29 =	sadd.s32 s23, s13;
	[sflag:s14] =	ssyncadd.s32 $0xFFFFFF80  }
0x123: {  	[hbm4b:s29+s1] =	stream.linear.scatter [tilespmem:s24], [sflag:$0x1], $0x80, $0x38;
	[tilespmem:$0x6300] =	vst v63  }
0x124: {  	_ =	swait.ge [sflag:s14], $0x80  }
0x125: {  	[sflag:s14] =	ssyncset.done $0x0  }
0x126: {  	s30 =	simm.s32 $0x0;
	[sflag:s14] =	ssyncadd.s32 $0xFFFFFF80  }
0x127: {  	[hbm4b:s10+s30] =	stream.linear.scatter [tilespmem:s19], [sflag:$0x1], $0x1000, $0x38;
	[tilespmem:$0x6300] =	vst v63  }
0x128: {  	v10 =	vshra.s32 v10, $0x7;
	_ =	swait.ge [sflag:s14], $0x1000  }
0x129: {  	(xrf0) =	vadd.scan.msk.s32 $0xffff, v10;
	_ =	sdelay $0x5  }
0x12a: {  	v10, _, _ =	vpop (xrf0)  }
0x12b: {  	v16 =	vbroadcast v10, $0x0  }
0x12c: {  	v17 =	vbroadcast v10, $0x1;
	v15 =	vbroadcast v10, $0x2  }
0x12d: {  	v14 =	vbroadcast v10, $0x3;
	v13 =	vbroadcast v10, $0x4  }
0x12e: {  	v18 =	vor.u32 s30, v0;
	v12 =	vbroadcast v10, $0x5;
	v11 =	vbroadcast v10, $0x6  }
0x12f: {  	v10 =	vbroadcast v10, $0x7;
	vm3 =	vge.s32 v18, v16;
	vm4 =	vge.s32 v18, v17  }
0x130: {  	v19 =	vsel vm3, $0x1, v5;
	v20 =	vsel vm4, $0x1, v5;
	vm3 =	vge.s32 v18, v15  }
0x131: {  	v19 =	vadd.s32 v20, v19;
	v20 =	vsel vm3, $0x1, v5;
	vm3 =	vge.s32 v18, v14  }
0x132: {  	v19 =	vadd.s32 v20, v19;
	v20 =	vsel vm3, $0x1, v5;
	vm3 =	vge.s32 v18, v13  }
0x133: {  	v19 =	vadd.s32 v20, v19;
	v20 =	vsel vm3, $0x1, v5;
	vm3 =	vge.s32 v18, v12  }
0x134: {  	v19 =	vadd.s32 v20, v19;
	v20 =	vsel vm3, $0x1, v5;
	vm3 =	vge.s32 v18, v11  }
0x135: {  	s31 =	simm.s32 $0x10;
	v19 =	vadd.s32 v20, v19;
	v20 =	vsel vm3, $0x1, v5;
	vm3 =	vge.s32 v18, v10  }
0x136: {  	[sflag:s14] =	ssyncset.done $0x0;
	v18 =	vor.u32 s31, v0;
	v19 =	vadd.s32 v20, v19;
	v20 =	vsel vm3, $0x1, v5  }
0x137: {  	s23 =	simm.s32 $0x6180;
	s24 =	simm.s32 $0x20;
	[sflag:s14] =	ssyncadd.s32 $0xFFFFF000;
	vm3 =	vge.s32 v18, v16;
	vm4 =	vge.s32 v18, v17;
	v19 =	vadd.s32 v20, v19  }
.LBB2_30:
0x138: {  	p3 =	sne.s32 s24, $0x30  }
0x139: {  	v20 =	vsel vm3, $0x1, v5;
	v21 =	vsel vm4, $0x1, v5;
	vm3 =	vge.s32 v18, v15;
	[tilespmem:s23+$0x0] =	vst v19;
	s23 =	sadd.s32 $0x10, s23;
	s25 =	smov.u32 s24;
	s24 =	sadd.s32 $0x10, s24  }
0x13a: {  	v19 =	vadd.s32 v21, v20;
	v20 =	vsel vm3, $0x1, v5;
	vm3 =	vge.s32 v18, v14  }
0x13b: {  	v19 =	vadd.s32 v20, v19;
	v20 =	vsel vm3, $0x1, v5;
	vm3 =	vge.s32 v18, v13  }
.Ltmp23:
0x13c: {  	v19 =	vadd.s32 v20, v19;
	v20 =	vsel vm3, $0x1, v5;
	vm3 =	vge.s32 v18, v12;
	(pc) =	sbr.rel @p3 .LBB2_30-.Ltmp23, $4  }
0x13d: {  	v19 =	vadd.s32 v20, v19;
	v20 =	vsel vm3, $0x1, v5;
	vm3 =	vge.s32 v18, v11  }
0x13e: {  	v19 =	vadd.s32 v20, v19;
	v20 =	vsel vm3, $0x1, v5;
	vm3 =	vge.s32 v18, v10  }
0x13f: {  	v18 =	vor.u32 s25, v0;
	v19 =	vadd.s32 v20, v19;
	v20 =	vsel vm3, $0x1, v5  }
0x140: {  	vm3 =	vge.s32 v18, v16;
	vm4 =	vge.s32 v18, v17;
	v19 =	vadd.s32 v20, v19  }
.Ltmp24:
0x141: {  	_ = 	snop;
	(pc) =	sbr.rel .LBB2_31-.Ltmp24, $1  }
0x142: {  	_ =	sdelay $0x3  }
.LBB2_14:
.Ltmp25:
0x143: {  	(pc) =	sbr.rel .LBB2_18-.Ltmp25, $2  }
0x144: {  	_ =	sdelay $0x2  }
0x145: {  	s23 =	simm.s32 $0x4880  }
.LBB2_16:
.Ltmp26:
0x146: {  	(pc) =	sbr.rel .LBB2_18-.Ltmp26, $2  }
0x147: {  	_ =	sdelay $0x2  }
0x148: {  	s23 =	simm.s32 $0x4880  }
.LBB2_33:
0x149: {  	_ =	sfence.sel $0x180000  }
0x14a: {  	[bflag:$0x0] =	sbarrier.arrive $0xFFFF  }
0x14b: {  	p0 =	sne.s32 s4, $0x0;
	_ =	strace $0x90000047  }
0x14c: {  	s0 =	sadd.s32 @!p0 $0x100000, s0;
	[bflag:$0x2] =	sbarrier.arrive $0xFFFF  }
0x14d: {  	[sflag:s0] =	ssyncadd.tile.s32 @!p0 $0x1;
	_ =	shalt  }
.Lfunc_end2:
_tile_overlayer_lowered:
.L_overlay_start_2:
0x14e: {  	(tag) =	ssettag $0x2  }
0x14f: {  	s0 =	rddreg [dreg:$0x0];
	s2 =	stileid.u32  }
0x150: {  	s1 =	rddreg [dreg:$0x1];
	p0 =	sne.s32 s2, $0x0  }
0x151: {  	s3 =	rddreg [dreg:$0x2];
	[bflag:$0x3] =	sbarrier.arrive $0xFFFF;
	s2 =	simm.s32 @!p0 $0x1C01  }
0x152: {  	[timem:s3], [sflag:s2] =	dma.local @!p0 [hbm:s0], s1  }
0x153: {  	s0 =	simm.s32 @!p0 $0x1  }
0x154: {  	_ =	swait.ge @!p0 [sflag:s0], s1  }
0x155: {  	s1 =	ssub.s32 @!p0 $0x0, s1;
	[sflag:s0] =	ssyncset.done @!p0 $0x0  }
0x156: {  	[sflag:s0] =	ssyncadd.s32 @!p0 s1  }
0x157: {  	[bflag:$0x3] =	sbarrier.arrive $0xFFFF  }
0x158: {  	_ =	shalt  }

// kernel: sparse-core-data-format-call.cloned.1.call-start
scs
called_computation_lowered:
.L_overlay_start_0:
0x0: {  	s2 =	sld [smem:$0x3FD9]  }
0x1: {  	s3 =	sld [smem:$0x3FFE];
	_ =	sdelay $0x1  }
0x2: {  	s1 =	srdreg.scid  }
0x3: {  	s0 =	sand.u32 $0x1, s1  }
0x4: {  	s18 =	sshll.u32 s0, $0xA;
	s2 =	sadd.s32 s3, s2  }
0x5: {  	s2 =	sadd.s32 s2, s18  }
0x6: {  	[smem:$0x3FB3] =	sst s2  }
0x7: {  	_ = 	snop  }
0x8: {  	(tm) =	ssettm $0x1  }
0x9: {  	s19 =	sld [smem:$0x3FFB];
	_ =	sdelay $0x3  }
0xa: {  	_ =	strace s19  }
0xb: {  	s2 =	sld [smem:$0x3FFC];
	_ =	sdelay $0x3  }
0xc: {  	_ =	strace s2  }
0xd: {  	s2 =	sld [smem:$0x3FFD];
	_ =	sdelay $0x3  }
0xe: {  	_ =	strace s2  }
0xf: {  	_ =	strace $0x8FFFFFFF  }
0x10: {  	s20 =	sld [smem:$0x3FDB];
	_ =	sdelay $0x1  }
0x11: {  	s21 =	simm.s32 $_scs_section_size  }
0x12: {  	s4 =	simm.s32 $_size__tile_overlayer_lowered;
	s5 =	simm.s32 $_tile_overlayer_lowered  }
0x13: {  	s6 =	simm.s32 $0x1BFF;
	s22 =	sshll.u32 s5, $0x1;
	s3 =	sadd.s32 s21, s20  }
0x14: {  	s23 =	simm.s32 $0x0;
	s4 =	sshll.u32 s4, $0x1;
	s5 =	sadd.s32 s22, s3  }
0x15: {  	[timem:s23], [sflag:s6] =	dma.local [hbm:s5], s4  }
0x16: {  	_ =	swait.ge [sflag:s6], s4  }
0x17: {  	s4 =	ssub.s32 $0x0, s4;
	[sflag:s6] =	ssyncset.done $0x0  }
0x18: {  	[sflag:s6] =	ssyncadd.s32 s4;
	_ =	sdelay $0x1  }
0x19: {  	s24 =	simm.s32 $0x1B8B  }
0x1a: {  	_ =	swait.ge [sflag:s24], $0x1  }
0x1b: {  	[sflag:s24] =	ssyncset.done $0x0  }
0x1c: {  	[sflag:s24] =	ssyncadd.s32 $0xFFFFFFFF  }
0x1d: {  	s4 =	sld [smem:$0x0]  }
0x1e: {  	s5 =	sand.u32 $0xFFFFFFFE, s1  }
0x1f: {  	p0 =	sne.s32 s1, s5  }
0x20: {  	s5 =	sshll.u32 @p0 s5, $0xE  }
0x21: {  	s5 =	sadd.s32 @p0 $0x11B8D, s5;
	s6 =	sshll.u32 @p0 s4, $0x11  }
0x22: {  	s5 =	sor.u32 @p0 s6, s5  }
0x23: {  	[sflag:s5] =	ssyncadd.remote.s32 @p0 $0x1;
	_ =	sdelay $0x1  }
0x24: {  	s5 =	simm.s32 @p0 $0x1B8D  }
0x25: {  	_ =	swait.eq @p0 [sflag:s5], $0x1  }
0x26: {  	[sflag:s5] =	ssyncadd.s32 @p0 $0xFFFFFFFF  }
0x27: {  	s6 =	sshll.u32 @!p0 s1, $0xE  }
0x28: {  	s6 =	sor.u32 @!p0 $0x4000, s6;
	s5 =	simm.s32 @!p0 $0x1B8D  }
0x29: {  	s4 =	sshll.u32 @!p0 s4, $0x11;
	s6 =	sadd.s32 @!p0 $0x11B8D, s6;
	_ =	swait.eq @!p0 [sflag:s5], $0x1  }
0x2a: {  	s4 =	sor.u32 @!p0 s4, s6;
	[sflag:s5] =	ssyncadd.s32 @!p0 $0xFFFFFFFF  }
0x2b: {  	s26 =	simm.s32 $0x1B8E;
	s25 =	sld [smem:$0x3FFE];
	[sflag:s4] =	ssyncadd.remote.s32 @!p0 $0x1  }
0x2c: {  	s27 =	simm.s32 $execute0_lowered;
	[smem:$0x3FD2] =	sst s26  }
0x2d: {  	s5 =	sshll.u32 s27, $0x1;
	_ =	strace $0x80000049;
	[dreg:$0x1] =	wrdreg $0xFFFFFFFF  }
0x2e: {  	s28 =	simm.s32 $_size_execute0_lowered;
	s3 =	sadd.s32 s3, s5;
	[dreg:$0x0] =	wrdreg $0x0  }
0x2f: {  	s5 =	sshll.u32 s28, $0x1;
	[dreg:$0x2] =	wrdreg s3  }
0x30: {  	[dreg:$0x3] =	wrdreg s5  }
0x31: {  	[dreg:$0x4] =	wrdreg $0xC0  }
0x32: {  	_ =	task [dreg:s23], $0x5FFFF  }
0x33: {  	[dreg:$0x1] =	wrdreg $0xFFFFFFFF  }
0x34: {  	[dreg:$0x0] =	wrdreg $0x60  }
0x35: {  	[dreg:$0x2] =	wrdreg s25  }
0x36: {  	[dreg:$0x3] =	wrdreg $0x9  }
0x37: {  	_ =	task.clear_ibuf [dreg:s23], $0x4FFFF;
	_ =	strace $0x90000049  }
0x38: {  	s29 =	simm.s32 $0x9;
	_ =	strace $0x8000004B  }
0x39: {  	_ =	swait.ge [sflag:s29], $0x1  }
0x3a: {  	[sflag:s29] =	ssyncadd.s32 $0xFFFFFFFF  }
0x3b: {  	_ =	strace $0x9000004B  }
0x3c: {  	_ =	sfence  }
0x3d: {  	s30 =	sld [smem:$0x0];
	_ =	sdelay $0x2  }
0x3e: {  	s31 =	sshll.u32 s1, $0xD;
	s1 =	sshrl.u32 s1, $0x2  }
0x3f: {  	s4 =	sand.u32 $0x4000, s31;
	s1 =	sadd.s32 s1, s30  }
0x40: {  	s0 =	sor.u32 s4, s0;
	s1 =	sshll.u32 s1, $0x11  }
0x41: {  	s0 =	sor.u32 s1, s0  }
0x42: {  	s0 =	sadd.s32 $0x8F2B, s0  }
0x43: {  	[sflag:s0] =	ssyncadd.remote.s32 $0x1  }
0x44: {  	_ =	sfence.sel $0xFFFF  }
0x45: {  	[dreg:$0x0] =	wrdreg $0xFFFFFFFF;
	(pc) =	sbr.abs _section_cstart, $3  }
0x46: {  	[dreg:$0x1] =	wrdreg $0xFFFFFFFF  }
0x47: {  	_ =	task.clear_ibuf [dreg:s23], $0x2FFFF;
	_ =	strace $0x9FFFFFFF  }
0x48: {  	(tm) =	ssettm $0x7FFFFFFF  }
0x49: {  	_ =	shalt  }
tec
execute0_lowered:
.L_overlay_start_1:
0x0: {  	(tag) =	ssettag $0x1  }
0x1: {  	s0 =	stileid.u32;
	s1 =	srdreg.scid  }
0x2: {  	s8 =	rddreg [dreg:$0x0];
	s2 =	sshll.u32 s0, $0x6;
	s1 =	sshll.u32 s1, $0xA  }
0x3: {  	s9 =	simm.s32 $0x2;
	s3 =	sshll.u32 s0, $0x3;
	s2 =	sor.u32 s2, s1  }
0x4: {  	s17 =	simm.s32 $0x0;
	s1 =	sand.u32 $0x8, s3;
	s2 =	sand.u32 $0x780, s2  }
0x5: {  	s11 =	simm.s32 $0x80;
	s3 =	ssub.s32 $0x580, s1;
	s4 =	ssub.s32 $0x800, s2  }
0x6: {  	s12 =	simm.s32 $0x800;
	s5 =	sshrl.u32 s3, $0x4;
	s6 =	sand.u32 $0x780, s4  }
0x7: {  	s3 =	sshrl.u32 s3, $0x3;
	p0 =	sne.s32 s6, $0x0;
	s6 =	simm.s32 $0x1  }
0x8: {  	s7 =	sand.u32 $0x1, s3;
	s4 =	sshrl.u32 s4, $0xB;
	s6 =	simm.s32 @!p0 $0x0  }
0x9: {  	s13 =	simm.s32 $0x0;
	s5 =	sadd.s32 s5, s7;
	s6 =	sadd.s32 s6, s4  }
0xa: {  	s18 =	simm.s32 $0x0;
	s19 =	simm.s32 $0x0;
	s6 =	smul.u32 s6, s5  }
.Ltmp0:
0xb: {  	s15 =	simm.s32 $0x0;
	s16 =	simm.s32 $0x0;
	(pc) =	sbr.rel .LBB1_1-.Ltmp0, $4  }
0xc: {  	s14 =	smov.u32 s1;
	s3 =	rddreg [dreg:$0x1];
	_ =	strace $0x8000004A  }
0xd: {  	s7 =	sshll.u32 s2, $0x3;
	s4 =	simm.s32 $0x1;
	s6 =	smul.u32 $0x9, s6  }
0xe: {  	s5 =	sadd.s32 $0x164000, s8;
	[sflag:s4] =	ssyncpa.u1 $0x0;
	s8 =	sadd.s32 $0x2F0000, s8  }
0xf: {  	[sflag:s9] =	ssyncpa.u1 $0x0;
	s9 =	sand.u32 $0x400, s7;
	s10 =	sadd.s32 $0x1, s6  }
.LBB1_4:
0x10: {  	[tilespmem:s20+$0x30] =	vst v10;
	v8 =	vpack.i.b32.b16 v11, v8  }
0x11: {  	v51 =	vunpack.i.l.s16.s32 v4;
	v7 =	vpack.i.b32.b16 v9, v7;
	v52 =	vunpack.i.l.s16.s32 v5;
	[tilespmem:s20+$0xFFFFFFC0] =	vst v8  }
0x12: {  	v53 =	vunpack.i.u.s16.s32 v4;
	v54 =	vunpack.i.u.s16.s32 v5;
	[tilespmem:s20+$0x40] =	vst v7;
	v55 =	vpack.i.b32.b16 v52, v51  }
0x13: {  	v56 =	vunpack.i.l.s16.s32 v2;
	v57 =	vunpack.i.l.s16.s32 v3;
	s19 =	smul.u32 $0x58000, s19;
	v4 =	vpack.i.b32.b16 v54, v53;
	[tilespmem:s20+$0xFFFFFFD0] =	vst v55  }
0x14: {  	v58 =	vunpack.i.l.s16.s32 v6;
	v59 =	vpack.i.b32.b16 v57, v56;
	[tilespmem:s20+$0x50] =	vst v4  }
0x15: {  	v60 =	vunpack.i.u.s16.s32 v6;
	s18 =	sshll.u32 s18, $0x8;
	s17 =	sshrl.u32 s17, $0x3;
	v1 =	vpack.i.b32.b16 v1, v58;
	[tilespmem:s20+$0xFFFFFFE0] =	vst v59;
	s19 =	sadd.s32 s8, s19  }
0x16: {  	v61 =	vunpack.i.u.s16.s32 v2;
	v62 =	vunpack.i.u.s16.s32 v3;
	v0 =	vpack.i.b32.b16 v0, v60;
	s31 =	sand.u32 $0x80, s17;
	[tilespmem:s20+$0xFFFFFF80] =	vst v1;
	s18 =	sadd.s32 s18, s19  }
0x17: {  	v63 =	vpack.i.b32.b16 v62, v61;
	s17 =	sand.u32 $0x70, s17;
	[tilespmem:s22+$0x0] =	vst v0;
	s18 =	sadd.s32 s31, s18  }
0x18: {  	[tilespmem:s22+$0x60] =	vst v63;
	s17 =	sadd.s32 s17, s18  }
0x19: {  	[hbm4b:s17+s11] =	stream.strided.scatter [tilespmem:s21], [sflag:$0x2], $0x400, s12, s11, $0x38;
	[tilespmem:$0x1000] =	vst v63  }
.LBB1_5:
0x1a: {  	s20 =	sadd.s32 $0x10, s14  }
0x1b: {  	s17 =	simm.s32 $0x1;
	p1 =	sgt.s32 s20, $0x57F  }
0x1c: {  	s17 =	simm.s32 @!p1 $0x0  }
0x1d: {  	s22 =	sadd.s32 s17, s15  }
0x1e: {  	s20 =	smov.u32 @p1 s1;
	p1 =	sgt.s32 s22, $0x8  }
0x1f: {  	s22 =	simm.s32 @p1 $0x0;
	p1 =	sne.s32 s16, s10  }
.Ltmp1:
0x20: {  	p0 =	slt.u32 s16, $0x2;
	(pc) =	sbr.rel @!p1 .LBB1_6-.Ltmp1, $4  }
0x21: {  	s18 =	smov.u32 s14;
	s21 =	simm.s32 @!p0 $0x2  }
0x22: {  	s19 =	smov.u32 s15;
	s13 =	sadd.s32 $0x800, s13;
	_ =	swait.ge @!p0 [sflag:s21], $0x400  }
0x23: {  	[sflag:s21] =	ssyncset.done @!p0 $0x0;
	s17 =	smov.u32 s2;
	s14 =	smov.u32 s20  }
0x24: {  	[sflag:s21] =	ssyncadd.s32 @!p0 $0xFFFFFC00;
	s16 =	sadd.s32 $0x1, s16;
	s15 =	smov.u32 s22  }
.LBB1_1:
0x25: {  	p0 =	sge.u32 s16, s6;
	s22 =	smov.u32 s15  }
0x26: {  	s24 =	smov.u32 s14;
	s31 =	sadd.s32 $0xFFFFFFFF, s16;
	s20 =	sshll.u32 @!p0 s14, $0xB  }
0x27: {  	s21 =	sshll.u32 @!p0 s14, $0x7;
	p1 =	sgt.s32 @!p0 s15, $0x8;
	s23 =	sshra.s32 @!p0 s15, $0x1F  }
0x28: {  	s25 =	sshra.s32 @!p0 s14, $0x1F;
	s20 =	sand.u32 @!p0 $0xFFFFC000, s20;
	s21 =	sand.u32 @!p0 $0x300, s21  }
0x29: {  	p1 =	por !p1, p0;
	s23 =	sand.u32 @!p0 s23, s15;
	s25 =	sand.u32 @!p0 s25, s14  }
0x2a: {  	s20 =	sor.u32 @!p0 s7, s20;
	s22 =	simm.s32 @p1 $0x8;
	p1 =	sgt.s32 @!p0 s14, $0x578  }
0x2b: {  	s21 =	sor.u32 @!p0 s9, s21;
	s20 =	sshrl.u32 @!p0 s20, $0xB;
	p1 =	por !p1, p0  }
0x2c: {  	s22 =	ssub.s32 @!p0 s22, s23;
	s21 =	sshrl.u32 @!p0 s21, $0x4;
	s24 =	simm.s32 @p1 $0x578  }
0x2d: {  	s23 =	smulhi.u32 @!p0 $0x2E8BA3, s20;
	s22 =	sadd.s32 @!p0 $0xFFFFFFF8, s22;
	s24 =	ssub.s32 @!p0 s24, s25  }
0x2e: {  	p1 =	sgt.s32 @!p0 s22, $0x0;
	s22 =	sshll.u32 @!p0 s22, $0x6;
	s25 =	sadd.s32 @!p0 $0xFFFFFA88, s24  }
0x2f: {  	s23 =	smul.u32 @!p0 $0x580, s23;
	s24 =	ssub.s32 @!p0 $0x580, s24;
	s22 =	ssub.s32 @!p0 $0x40, s22  }
0x30: {  	p1 =	por !p1, p0;
	p2 =	sgt.s32 @!p0 s25, $0x7;
	s25 =	smul.u32 @!p0 $0x2C000, s15  }
0x31: {  	s22 =	simm.s32 @!p1 $0x0;
	p2 =	por !p2, p0;
	s20 =	ssub.s32 @!p0 s20, s23  }
0x32: {  	s24 =	simm.s32 @!p2 $0x0;
	s23 =	sadd.s32 @!p0 s5, s25;
	s20 =	sshll.u32 @!p0 s20, $0x7  }
0x33: {  	s22 =	smul.u32 @!p0 s24, s22;
	s24 =	sxor.u32 @!p0 $0xFFFFFFFF, s16;
	s21 =	sadd.s32 @!p0 s21, s23  }
0x34: {  	s23 =	simm.s32 @!p0 $0x200;
	s20 =	sadd.s32 @!p0 s20, s21;
	s21 =	sshll.u32 @!p0 s24, $0xA  }
0x35: {  	s24 =	simm.s32 @!p0 $0xC60000;
	s22 =	sand.u32 @!p0 $0x3FFFFFC0, s22;
	s21 =	sand.u32 @!p0 $0x400, s21  }
0x36: {  	[tilespmem:s21], [sflag:$0x1] =	stream.strided.gather @!p0 [hbm4b:s20+s23], s22, s24, s23, $0x38;
	[tilespmem:$0x1000] =	vst v63  }
0x37: {  	p0 =	sge.u32 s31, s6  }
.Ltmp2:
0x38: {  	_ = 	snop;
	(pc) =	sbr.rel @p0 .LBB1_5-.Ltmp2, $1  }
0x39: {  	_ =	sdelay $0x3  }
0x3a: {  	p0 =	sgt.s32 s19, $0x8;
	s20 =	smov.u32 s19  }
0x3b: {  	s21 =	sshra.s32 s19, $0x1F;
	s22 =	smov.u32 s18;
	s23 =	sshra.s32 s18, $0x1F  }
0x3c: {  	s20 =	simm.s32 @!p0 $0x8;
	s21 =	sand.u32 s21, s19;
	p0 =	sgt.s32 s18, $0x578  }
0x3d: {  	s28 =	sand.u32 s23, s18;
	s20 =	ssub.s32 s20, s21;
	s22 =	simm.s32 @!p0 $0x578  }
0x3e: {  	s20 =	sadd.s32 $0xFFFFFFF8, s20;
	s21 =	ssub.s32 s22, s28  }
0x3f: {  	p0 =	sgt.s32 s20, $0x0;
	s22 =	sadd.s32 $0xFFFFFA88, s21;
	s20 =	sshll.u32 s20, $0x6  }
0x40: {  	s21 =	ssub.s32 $0x580, s21;
	p1 =	sgt.s32 s22, $0x7;
	s20 =	ssub.s32 $0x40, s20  }
0x41: {  	s21 =	simm.s32 @p1 $0x0;
	s20 =	simm.s32 @p0 $0x0  }
0x42: {  	s20 =	smul.u32 s21, s20;
	_ =	sdelay $0x1  }
0x43: {  	s20 =	sand.u32 $0x3FFFFFC0, s20  }
0x44: {  	s29 =	sshrl.u32 s13, $0x1;
	_ =	swait.ge [sflag:s4], s20  }
0x45: {  	s21 =	sand.u32 $0x400, s29;
	s20 =	ssub.s32 $0x0, s20;
	[sflag:s4] =	ssyncset.done $0x0  }
0x46: {  	s30 =	sor.u32 $0x200, s21;
	[sflag:s4] =	ssyncadd.s32 s20  }
0x47: {  	v0 =	vld [tilespmem:s30+$0xFFFFFE70]  }
0x48: {  	v1 =	vld [tilespmem:s30+$0x70]  }
0x49: {  	v2 =	vld [tilespmem:s30+$0x0]  }
0x4a: {  	v3 =	vld [tilespmem:s30+$0xFFFFFE10]  }
0x4b: {  	v4 =	vld [tilespmem:s30+$0x10]  }
0x4c: {  	v5 =	vld [tilespmem:s30+$0xFFFFFE20]  }
0x4d: {  	v7 =	vld [tilespmem:s30+$0x20]  }
0x4e: {  	v12 =	vld [tilespmem:s30+$0xFFFFFE40];
	v6 =	vunpack.i.l.s16.s32 v0;
	v8 =	vunpack.i.u.s16.s32 v0;
	v9 =	vunpack.i.u.s16.s32 v1  }
0x4f: {  	v10 =	vunpack.i.l.s16.s32 v1;
	v0 =	vunpack.i.u.s16.s32 v2;
	v1 =	vunpack.i.l.s16.s32 v2;
	v2 =	vld [tilespmem:s30+$0xFFFFFE30]  }
0x50: {  	s20 =	sor.u32 $0x880, s21;
	v11 =	vld [tilespmem:s30+$0x30];
	v8 =	vpack.i.b32.b16 v9, v8;
	v9 =	vunpack.i.u.s16.s32 v3;
	v3 =	vunpack.i.l.s16.s32 v3  }
0x51: {  	v6 =	vpack.i.b32.b16 v10, v6;
	[tilespmem:s20+$0x70] =	vst v8;
	v8 =	vunpack.i.u.s16.s32 v4;
	v4 =	vunpack.i.l.s16.s32 v4  }
0x52: {  	v13 =	vld [tilespmem:s30+$0x40];
	v10 =	vunpack.i.u.s16.s32 v5;
	v5 =	vunpack.i.l.s16.s32 v5;
	[tilespmem:s20+$0xFFFFFFF0] =	vst v6;
	v3 =	vpack.i.b32.b16 v4, v3  }
0x53: {  	v6 =	vunpack.i.u.s16.s32 v7;
	v7 =	vunpack.i.l.s16.s32 v7;
	v4 =	vld [tilespmem:s30+$0xFFFFFE50];
	[tilespmem:s20+$0xFFFFFF90] =	vst v3;
	v3 =	vpack.i.b32.b16 v8, v9  }
0x54: {  	v8 =	vunpack.i.l.s16.s32 v12;
	[tilespmem:s20+$0x10] =	vst v3;
	v3 =	vpack.i.b32.b16 v7, v5;
	v9 =	vunpack.i.u.s16.s32 v2;
	v5 =	vld [tilespmem:s30+$0x50]  }
0x55: {  	s31 =	sshll.u32 s16, $0xA;
	v7 =	vunpack.i.l.s16.s32 v2;
	v2 =	vld [tilespmem:s30+$0xFFFFFE60];
	[tilespmem:s20+$0xFFFFFFA0] =	vst v3;
	v3 =	vpack.i.b32.b16 v6, v10;
	v6 =	vunpack.i.l.s16.s32 v11  }
0x56: {  	s23 =	simm.s32 $0x0;
	s21 =	sand.u32 $0x400, s31;
	v10 =	vunpack.i.u.s16.s32 v11;
	[tilespmem:s20+$0x20] =	vst v3;
	v11 =	vpack.i.b32.b16 v6, v7;
	v7 =	vunpack.i.u.s16.s32 v12;
	v3 =	vld [tilespmem:s30+$0x60]  }
0x57: {  	s24 =	sadd.s32 $0x80, s30;
	s21 =	sor.u32 $0x800, s21;
	s22 =	smov.u32 s20;
	v6 =	vld [tilespmem:s30+$0xFFFFFE00];
	v10 =	vpack.i.b32.b16 v10, v9;
	v9 =	vunpack.i.u.s16.s32 v13;
	[tilespmem:s20+$0xFFFFFFB0] =	vst v11;
	v11 =	vunpack.i.l.s16.s32 v13  }
.LBB1_3:
0x58: {  	v12 =	vld [tilespmem:s24+$0xFFFFFE70];
	[tilespmem:s20+$0x30] =	vst v10;
	v8 =	vpack.i.b32.b16 v11, v8;
	v10 =	vunpack.i.u.s16.s32 v4;
	v4 =	vunpack.i.l.s16.s32 v4  }
0x59: {  	s23 =	sadd.s32 $0x2, s23;
	v7 =	vpack.i.b32.b16 v9, v7;
	v11 =	vld [tilespmem:s24+$0x70];
	[tilespmem:s20+$0xFFFFFFC0] =	vst v8;
	v8 =	vunpack.i.u.s16.s32 v5;
	v5 =	vunpack.i.l.s16.s32 v5  }
0x5a: {  	p0 =	slt.u32 s23, $0x6;
	v9 =	vld [tilespmem:s24+$0x0];
	[tilespmem:s20+$0x40] =	vst v7;
	v4 =	vpack.i.b32.b16 v5, v4;
	v5 =	vunpack.i.u.s16.s32 v2;
	v2 =	vunpack.i.l.s16.s32 v2  }
0x5b: {  	v7 =	vld [tilespmem:s24+$0xFFFFFE10];
	[tilespmem:s20+$0xFFFFFFD0] =	vst v4;
	v4 =	vpack.i.b32.b16 v8, v10;
	v8 =	vunpack.i.u.s16.s32 v3;
	v3 =	vunpack.i.l.s16.s32 v3  }
0x5c: {  	v13 =	vunpack.i.u.s16.s32 v6;
	v6 =	vunpack.i.l.s16.s32 v6;
	v10 =	vld [tilespmem:s24+$0x10];
	[tilespmem:s20+$0x50] =	vst v4;
	v2 =	vpack.i.b32.b16 v3, v2  }
0x5d: {  	v1 =	vpack.i.b32.b16 v1, v6;
	v6 =	vpack.i.b32.b16 v0, v13;
	v3 =	vld [tilespmem:s24+$0xFFFFFE20];
	v4 =	vunpack.i.l.s16.s32 v12;
	[tilespmem:s20+$0xFFFFFFE0] =	vst v2  }
0x5e: {  	v12 =	vunpack.i.u.s16.s32 v12;
	v2 =	vld [tilespmem:s24+$0x20];
	v13 =	vunpack.i.u.s16.s32 v11;
	v11 =	vunpack.i.l.s16.s32 v11;
	[tilespmem:s20+$0xFFFFFF80] =	vst v1  }
0x5f: {  	s20 =	sadd.s32 $0x100, s20;
	v0 =	vunpack.i.u.s16.s32 v9;
	v1 =	vunpack.i.l.s16.s32 v9;
	v9 =	vld [tilespmem:s24+$0xFFFFFE30];
	v12 =	vpack.i.b32.b16 v13, v12;
	[tilespmem:s22+$0x0] =	vst v6  }
0x60: {  	v5 =	vpack.i.b32.b16 v8, v5;
	v6 =	vunpack.i.u.s16.s32 v7;
	v7 =	vunpack.i.l.s16.s32 v7;
	v13 =	vld [tilespmem:s24+$0x30];
	[tilespmem:s20+$0x70] =	vst v12  }
0x61: {  	v4 =	vpack.i.b32.b16 v11, v4;
	v8 =	vunpack.i.u.s16.s32 v10;
	v10 =	vunpack.i.l.s16.s32 v10;
	v12 =	vld [tilespmem:s24+$0xFFFFFE40];
	[tilespmem:s22+$0x60] =	vst v5;
	s22 =	smov.u32 s20  }
0x62: {  	v5 =	vpack.i.b32.b16 v10, v7;
	v7 =	vunpack.i.u.s16.s32 v3;
	v3 =	vunpack.i.l.s16.s32 v3;
	v11 =	vld [tilespmem:s24+$0x40];
	[tilespmem:s20+$0xFFFFFFF0] =	vst v4  }
.Ltmp3:
0x63: {  	[tilespmem:s20+$0xFFFFFF90] =	vst v5;
	v5 =	vpack.i.b32.b16 v8, v6;
	v6 =	vunpack.i.u.s16.s32 v2;
	v2 =	vunpack.i.l.s16.s32 v2;
	v4 =	vld [tilespmem:s24+$0xFFFFFE50];
	(pc) =	sbr.rel @p0 .LBB1_3-.Ltmp3, $4  }
0x64: {  	[tilespmem:s20+$0x10] =	vst v5;
	v2 =	vpack.i.b32.b16 v2, v3;
	v10 =	vunpack.i.u.s16.s32 v9;
	v3 =	vunpack.i.l.s16.s32 v9;
	v5 =	vld [tilespmem:s24+$0x50]  }
0x65: {  	v6 =	vpack.i.b32.b16 v6, v7;
	[tilespmem:s20+$0xFFFFFFA0] =	vst v2;
	v9 =	vunpack.i.u.s16.s32 v13;
	v7 =	vunpack.i.l.s16.s32 v13;
	v2 =	vld [tilespmem:s24+$0xFFFFFE60]  }
0x66: {  	[tilespmem:s20+$0x20] =	vst v6;
	v13 =	vpack.i.b32.b16 v7, v3;
	v7 =	vunpack.i.u.s16.s32 v12;
	v8 =	vunpack.i.l.s16.s32 v12;
	v3 =	vld [tilespmem:s24+$0x60]  }
0x67: {  	v10 =	vpack.i.b32.b16 v9, v10;
	v6 =	vld [tilespmem:s24+$0xFFFFFE00];
	[tilespmem:s20+$0xFFFFFFB0] =	vst v13;
	v9 =	vunpack.i.u.s16.s32 v11;
	v11 =	vunpack.i.l.s16.s32 v11;
	s24 =	sadd.s32 $0x80, s24  }
.Ltmp4:
0x68: {  	_ = 	snop;
	(pc) =	sbr.rel .LBB1_4-.Ltmp4, $1  }
0x69: {  	_ =	sdelay $0x3  }
.LBB1_6:
0x6a: {  	_ =	sfence.sel $0x180000  }
0x6b: {  	s1 =	simm.s32 $0x1;
	[bflag:$0x0] =	sbarrier.arrive $0xFFFF  }
0x6c: {  	s31 =	simm.s32 $0x2;
	[sflag:s1] =	ssyncpa.u1 $0x1  }
0x6d: {  	[sflag:s31] =	ssyncpa.u1 $0x1  }
0x6e: {  	p0 =	sne.s32 s0, $0x0;
	_ =	strace $0x9000004A  }
0x6f: {  	s0 =	sadd.s32 @!p0 $0x100000, s3;
	[bflag:$0x2] =	sbarrier.arrive $0xFFFF  }
0x70: {  	[sflag:s0] =	ssyncadd.tile.s32 @!p0 $0x1;
	_ =	shalt  }
.Lfunc_end1:
_tile_overlayer_lowered:
.L_overlay_start_2:
0x71: {  	(tag) =	ssettag $0x2  }
0x72: {  	s0 =	rddreg [dreg:$0x0];
	s2 =	stileid.u32  }
0x73: {  	s1 =	rddreg [dreg:$0x1];
	p0 =	sne.s32 s2, $0x0  }
0x74: {  	s3 =	rddreg [dreg:$0x2];
	[bflag:$0x3] =	sbarrier.arrive $0xFFFF;
	s2 =	simm.s32 @!p0 $0x1C01  }
0x75: {  	[timem:s3], [sflag:s2] =	dma.local @!p0 [hbm:s0], s1  }
0x76: {  	s0 =	simm.s32 @!p0 $0x1  }
0x77: {  	_ =	swait.ge @!p0 [sflag:s0], s1  }
0x78: {  	s1 =	ssub.s32 @!p0 $0x0, s1;
	[sflag:s0] =	ssyncset.done @!p0 $0x0  }
0x79: {  	[sflag:s0] =	ssyncadd.s32 @!p0 s1  }
0x7a: {  	[bflag:$0x3] =	sbarrier.arrive $0xFFFF  }
0x7b: {  	_ =	shalt  }

</sc_bundles>
